<compile_context>
chip_gen: v7x
topology: tpu7x:2x2x1
jax: 0.10.2.dev20260603
libtpu: 0.0.44.dev20260713+nightly
codegen_flags: <defaults>
</compile_context>

<pallas_src>
import functools

import jax
import jax.numpy as jnp
from jax import lax
from jax.experimental import pallas as pl
from jax.experimental.pallas import tpu as pltpu
from jax.experimental.pallas import tpu_sc as plsc

N = 10000
E = 320000
F_IN = 32
H = 128
L = 6
A = 6158
P = 4

NC = 2
NS = 16
NW = NC * NS

K = 128
EPW = ((E + NW * K - 1) // (NW * K)) * K
EPAD = EPW * NW
NCHUNK = EPW // K
NPAD = 10240
RPT = NPAD // NS
CW = 128

def _sc_agg(h_hbm, src_hbm, dst_hbm, zeros_hbm, out_hbm,
            src_v, dst_v, rows_v, acc_sh, sem):
    c = lax.axis_index("c")
    s = lax.axis_index("s")
    wid = s * NC + c

    @pl.when(s % 4 == 0)
    def _():
        q = (s // 4) * (NPAD // 4)
        pltpu.sync_copy(zeros_hbm.at[pl.ds(q, NPAD // 4)],
                        acc_sh.at[pl.ds(q, NPAD // 4)])

    plsc.subcore_barrier()

    base = wid * EPW

    def body(g, carry):
        off = base + g * K
        pltpu.sync_copy(src_hbm.at[pl.ds(off, K)], src_v)
        pltpu.sync_copy(dst_hbm.at[pl.ds(off, K)], dst_v)
        pltpu.async_copy(h_hbm.at[src_v], rows_v, sem).wait()
        pltpu.sync_copy(rows_v, acc_sh.at[dst_v], add=True)
        return carry

    lax.fori_loop(0, NCHUNK, body, 0)

    plsc.subcore_barrier()
    pltpu.sync_copy(acc_sh.at[pl.ds(s * RPT, RPT)],
                    out_hbm.at[c].at[pl.ds(s * RPT, RPT)])


def _sc_counts(dst_hbm, ones_hbm, zeros_hbm, out_hbm,
               dst_v, ones_v, acc_sh, sem):
    c = lax.axis_index("c")
    s = lax.axis_index("s")
    wid = s * NC + c

    @pl.when(s == 0)
    def _():
        pltpu.sync_copy(zeros_hbm, acc_sh)

    pltpu.async_copy(ones_hbm, ones_v, sem).wait()
    plsc.subcore_barrier()

    base = wid * EPW

    def body(g, carry):
        off = base + g * K
        pltpu.sync_copy(dst_hbm.at[pl.ds(off, K)], dst_v)
        pltpu.sync_copy(ones_v, acc_sh.at[dst_v], add=True)
        return carry

    lax.fori_loop(0, NCHUNK, body, 0)

    plsc.subcore_barrier()
    pltpu.sync_copy(acc_sh.at[pl.ds(s * RPT, RPT)],
                    out_hbm.at[c].at[pl.ds(s * RPT, RPT)])


@functools.lru_cache(maxsize=None)
def _sc_calls():
    mesh = plsc.VectorSubcoreMesh(core_axis_name="c", subcore_axis_name="s",
                                  num_cores=NC, num_subcores=NS)
    agg = pl.kernel(
        _sc_agg,
        mesh=mesh,
        out_type=jax.ShapeDtypeStruct((NC, NPAD, H), jnp.float32),
        scratch_types=[
            pltpu.VMEM((K,), jnp.int32),
            pltpu.VMEM((K,), jnp.int32),
            pltpu.VMEM((K, H), jnp.float32),
            pltpu.VMEM_SHARED((NPAD, H), jnp.float32),
            pltpu.SemaphoreType.DMA,
        ],
    )
    counts = pl.kernel(
        _sc_counts,
        mesh=mesh,
        out_type=jax.ShapeDtypeStruct((NC, NPAD, CW), jnp.float32),
        scratch_types=[
            pltpu.VMEM((K,), jnp.int32),
            pltpu.VMEM((K, CW), jnp.float32),
            pltpu.VMEM_SHARED((NPAD, CW), jnp.float32),
            pltpu.SemaphoreType.DMA,
        ],
    )
    return agg, counts


def _dotT(a, b):
    return lax.dot_general(a, b, (((1,), (1,)), ((), ())),
                           preferred_element_type=jnp.float32)


def _ln(t, g, b):
    m = jnp.mean(t, axis=-1, keepdims=True)
    v = jnp.mean((t - m) ** 2, axis=-1, keepdims=True)
    return (t - m) * lax.rsqrt(v + 1e-5) * g + b


def _enc_body(x_ref, w_ref, b_ref, g_ref, be_ref, out_ref):
    t = _dotT(x_ref[...], w_ref[...]) + b_ref[...]
    out_ref[...] = jnp.maximum(_ln(t, g_ref[...], be_ref[...]), 0.0)


_enc_call = pl.pallas_call(
    _enc_body, out_shape=jax.ShapeDtypeStruct((N, H), jnp.float32))


def _layer_body(aggp_ref, cnt_ref, h_ref, wl_ref, bl_ref, wr_ref,
                g_ref, b_ref, out_ref):
    cnt = cnt_ref[0, 0:N, 0:1] + cnt_ref[1, 0:N, 0:1]
    inv = 1.0 / jnp.maximum(cnt, 1.0)
    agg = (aggp_ref[0, 0:N, :] + aggp_ref[1, 0:N, :]) * inv
    hx = h_ref[...]
    t = _dotT(agg, wl_ref[...]) + bl_ref[...] + _dotT(hx, wr_ref[...])
    out_ref[...] = hx + jnp.maximum(_ln(t, g_ref[...], b_ref[...]), 0.0)


_layer_call = pl.pallas_call(
    _layer_body, out_shape=jax.ShapeDtypeStruct((N, H), jnp.float32))


def _pool_body(h_ref, a1_ref, a1b_ref, a2_ref,
               pgp_ref, pgpb_ref, ph1_ref, ph1b_ref, ph2_ref, ph2b_ref,
               vh1_ref, vh1b_ref, vh2_ref, vh2b_ref, vh3_ref, vh3b_ref,
               pol_ref, val_ref):
    hx = h_ref[...]
    t = jnp.tanh(_dotT(hx, a1_ref[...]) + a1b_ref[...])
    scores = _dotT(t, a2_ref[...])
    m = jnp.max(scores)
    e = jnp.exp(scores - m)
    w = e * (1.0 / jnp.sum(e))
    gr = jnp.sum(hx * w, axis=0, keepdims=True)
    z = _dotT(gr, pgp_ref[...]) + pgpb_ref[...]
    p1 = jnp.maximum(_dotT(z, ph1_ref[...]) + ph1b_ref[...], 0.0)
    pol_ref[...] = _dotT(p1, ph2_ref[...]) + ph2b_ref[...]
    v1 = jnp.maximum(_dotT(gr, vh1_ref[...]) + vh1b_ref[...], 0.0)
    v2 = jnp.maximum(_dotT(v1, vh2_ref[...]) + vh2b_ref[...], 0.0)
    val_ref[...] = jnp.tanh(_dotT(v2, vh3_ref[...]) + vh3b_ref[...])


_APAD = 6272
_PPAD = 8

_pool_call = pl.pallas_call(
    _pool_body,
    out_shape=(jax.ShapeDtypeStruct((1, _APAD), jnp.float32),
               jax.ShapeDtypeStruct((1, _PPAD), jnp.float32)))


def kernel(x, edge_index, enc_W, enc_b, ln0_g, ln0_b, Wl, bl, Wr, lng, lnb,
           A1, a1b, A2, a2b, pgp_W, pgp_b, ph1_W, ph1_b, ph2_W, ph2_b,
           vh1_W, vh1_b, vh2_W, vh2_b, vh3_W, vh3_b):
    src = edge_index[0].astype(jnp.int32)
    dst = edge_index[1].astype(jnp.int32)
    pad = EPAD - E
    src_p = jnp.concatenate([src, jnp.zeros((pad,), jnp.int32)])
    dst_p = jnp.concatenate([dst, jnp.full((pad,), N, jnp.int32)])

    zeros_h = jnp.zeros((NPAD, H), jnp.float32)
    zeros_c = jnp.zeros((NPAD, CW), jnp.float32)
    ones_c = jnp.ones((K, CW), jnp.float32)

    b2 = lambda v: v.reshape(1, -1)

    sc_agg_call, sc_counts_call = _sc_calls()
    h = _enc_call(x, enc_W, b2(enc_b), b2(ln0_g), b2(ln0_b))
    cnt = sc_counts_call(dst_p, ones_c, zeros_c)

    for i in range(L):
        aggp = sc_agg_call(h, src_p, dst_p, zeros_h)
        h = _layer_call(aggp, cnt, h, Wl[i], b2(bl[i]), Wr[i],
                        b2(lng[i]), b2(lnb[i]))

    ph2_Wp = jnp.zeros((_APAD, H), jnp.float32).at[:A].set(ph2_W)
    ph2_bp = jnp.zeros((1, _APAD), jnp.float32).at[:, :A].set(b2(ph2_b))
    vh3_Wp = jnp.zeros((_PPAD, H // 2), jnp.float32).at[:P].set(vh3_W)
    vh3_bp = jnp.zeros((1, _PPAD), jnp.float32).at[:, :P].set(b2(vh3_b))

    pol_p, val_p = _pool_call(
        h, A1, b2(a1b), A2,
        pgp_W[:, :H], b2(pgp_b), ph1_W, b2(ph1_b), ph2_Wp, ph2_bp,
        vh1_W[:, :H], b2(vh1_b), vh2_W, b2(vh2_b), vh3_Wp, vh3_bp)

    return pol_p[:, :A], val_p[:, :P]

# --- scband reference (transcript-rebuilt; emitter-appended) ---
"""Pipeline reference for scband-gnnpolicy-net-22737556865375 (READ-ONLY COPY).

The authoritative reference and input builder live on the scoring server;
editing this copy changes nothing except your own understanding.
"""

import jax, jax.numpy as jnp
import numpy as np

N = 10000
E = 320000
F_IN = 32
H = 128
L = 6
A = 6158
P = 4


def _ln(x, g, b):
    m = x.mean(-1, keepdims=True)
    v = ((x - m) ** 2).mean(-1, keepdims=True)
    return (x - m) / jnp.sqrt(v + 1e-5) * g + b


def setup_inputs(seed: int = 0) -> dict:
    key = jax.random.key(seed)
    ks = jax.random.split(key, 32)
    s = 0.05
    inp = {}
    inp['x'] = jax.random.normal(ks[0], (N, F_IN), dtype=jnp.float32)
    inp['edge_index'] = jax.random.randint(ks[1], (2, E), 0, N, dtype=jnp.int64)
    inp['enc_W'] = jax.random.normal(ks[2], (H, F_IN), dtype=jnp.float32) * s
    inp['enc_b'] = jnp.zeros((H,), jnp.float32)
    inp['ln0_g'] = jnp.ones((H,), jnp.float32)
    inp['ln0_b'] = jnp.zeros((H,), jnp.float32)
    inp['Wl'] = jax.random.normal(ks[3], (L, H, H), dtype=jnp.float32) * s
    inp['bl'] = jnp.zeros((L, H), jnp.float32)
    inp['Wr'] = jax.random.normal(ks[4], (L, H, H), dtype=jnp.float32) * s
    inp['lng'] = jnp.ones((L, H), jnp.float32)
    inp['lnb'] = jnp.zeros((L, H), jnp.float32)
    inp['A1'] = jax.random.normal(ks[5], (H // 2, H), dtype=jnp.float32) * s
    inp['a1b'] = jnp.zeros((H // 2,), jnp.float32)
    inp['A2'] = jax.random.normal(ks[6], (1, H // 2), dtype=jnp.float32) * s
    inp['a2b'] = jnp.zeros((1,), jnp.float32)
    inp['pgp_W'] = jax.random.normal(ks[7], (H, 2 * H), dtype=jnp.float32) * s
    inp['pgp_b'] = jnp.zeros((H,), jnp.float32)
    inp['ph1_W'] = jax.random.normal(ks[8], (H, H), dtype=jnp.float32) * s
    inp['ph1_b'] = jnp.zeros((H,), jnp.float32)
    inp['ph2_W'] = jax.random.normal(ks[9], (A, H), dtype=jnp.float32) * s
    inp['ph2_b'] = jnp.zeros((A,), jnp.float32)
    inp['vh1_W'] = jax.random.normal(ks[10], (H, 2 * H), dtype=jnp.float32) * s
    inp['vh1_b'] = jnp.zeros((H,), jnp.float32)
    inp['vh2_W'] = jax.random.normal(ks[11], (H // 2, H), dtype=jnp.float32) * s
    inp['vh2_b'] = jnp.zeros((H // 2,), jnp.float32)
    inp['vh3_W'] = jax.random.normal(ks[12], (P, H // 2), dtype=jnp.float32) * s
    inp['vh3_b'] = jnp.zeros((P,), jnp.float32)
    return inp


def reference(x, edge_index, enc_W, enc_b, ln0_g, ln0_b, Wl, bl, Wr, lng, lnb,
              A1, a1b, A2, a2b, pgp_W, pgp_b, ph1_W, ph1_b, ph2_W, ph2_b,
              vh1_W, vh1_b, vh2_W, vh2_b, vh3_W, vh3_b):
    n = x.shape[0]
    src = edge_index[0]
    dst = edge_index[1]
    # node encoder
    h = jax.nn.relu(_ln(x @ enc_W.T + enc_b, ln0_g, ln0_b))
    # mean aggregation counts
    ones = jnp.ones((edge_index.shape[1],), dtype=h.dtype)
    counts = jax.ops.segment_sum(ones, dst, num_segments=n)
    denom = jnp.maximum(counts, 1.0)[:, None]
    has = (counts > 0)[:, None]
    for i in range(L):
        msg = h[src]  # gather
        agg = jax.ops.segment_sum(msg, dst, num_segments=n)  # scatter-add
        agg = jnp.where(has, agg / denom, 0.0)
        h_new = agg @ Wl[i].T + bl[i] + h @ Wr[i].T
        h_new = jax.nn.relu(_ln(h_new, lng[i], lnb[i]))
        h = h + h_new
    # attention pooling (single graph, batch=None)
    scores = jnp.tanh(h @ A1.T + a1b) @ A2.T + a2b  # [N, 1]
    w = jax.nn.softmax(scores, axis=0)
    graph_repr = (h * w).sum(axis=0, keepdims=True)  # [1, H]
    graph_repr = jnp.concatenate([graph_repr, jnp.zeros_like(graph_repr)], axis=-1)  # [1, 2H]
    z = graph_repr @ pgp_W.T + pgp_b
    policy_logits = jax.nn.relu(z @ ph1_W.T + ph1_b) @ ph2_W.T + ph2_b
    v = jax.nn.relu(graph_repr @ vh1_W.T + vh1_b)
    v = jax.nn.relu(v @ vh2_W.T + vh2_b)
    value = jnp.tanh(v @ vh3_W.T + vh3_b)
    return policy_logits, value

if __name__ == "__main__":
    import jax
    _d = setup_inputs()
    print(jax.jit(kernel)(*tuple(_d.values())))

</pallas_src>

<mosaic_0001>
#map = affine_map<(d0, d1) -> (0, 0)>
#map1 = affine_map<(d0, d1) -> (0)>
#map2 = affine_map<(d0, d1) -> (0, 0, 0)>
module attributes {stable_mosaic.version = 14 : i64} {
  func.func @_sc_agg(%arg0: i32, %arg1: i32, %arg2: memref<10000x128xf32, #tpu.memory_space<hbm>>, %arg3: memref<323584xi32, #tpu.memory_space<hbm>>, %arg4: memref<323584xi32, #tpu.memory_space<hbm>>, %arg5: memref<10240x128xf32, #tpu.memory_space<hbm>>, %arg6: memref<2x10240x128xf32, #tpu.memory_space<hbm>>, %arg7: memref<128xi32, #tpu.memory_space<vmem>>, %arg8: memref<128xi32, #tpu.memory_space<vmem>>, %arg9: memref<128x128xf32, #tpu.memory_space<vmem>>, %arg10: memref<10240x128xf32, #tpu.memory_space<vmem_shared>>, %arg11: memref<!tpu.dma_semaphore, #tpu.memory_space<semaphore_mem>>) attributes {dimension_semantics = [#tpu.dimension_semantics<core_parallel>, #tpu.dimension_semantics<subcore_parallel>], iteration_bounds = array<i64: 2, 16>, scalar_prefetch = 0 : i64, scratch_operands = 5 : i64, tpu.core_type = #tpu.core_type<sc_vector_subcore>, window_params = [{transform_indices = #map}, {transform_indices = #map1}, {transform_indices = #map1}, {transform_indices = #map}, {transform_indices = #map2}]} {
    %mul3A = arith.constant 2 : i32
    %mul3A_0 = arith.muli %arg1, %mul3A : i32
    %add3A = arith.addi %mul3A_0, %arg0 : i32
    %jit3A = arith.constant 4 : i32
    %eq3A = arith.constant 0 : i32
    %eq3A_1 = arith.cmpi eq, %jit3A, %eq3A : i32
    %jit3A_2 = arith.constant 1 : i32
    %select_n3A = arith.select %eq3A_1, %jit3A_2, %jit3A : i32
    %rem3A = arith.remsi %arg1, %select_n3A : i32
    %ne3A = arith.constant 0 : i32
    %ne3A_3 = arith.cmpi ne, %rem3A, %ne3A : i32
    %lt3A = arith.constant 0 : i32
    %lt3A_4 = arith.cmpi slt, %rem3A, %lt3A : i32
    %lt3A_5 = arith.constant 0 : i32
    %lt3A_6 = arith.cmpi slt, %select_n3A, %lt3A_5 : i32
    %ne3A_7 = arith.xori %lt3A_4, %lt3A_6 : i1
    %and3A = arith.andi %ne3A_7, %ne3A_3 : i1
    %add3A_8 = arith.addi %rem3A, %select_n3A : i32
    %select_n3A_9 = arith.select %and3A, %add3A_8, %rem3A : i32
    %eq3A_10 = arith.constant 0 : i32
    %eq3A_11 = arith.cmpi eq, %select_n3A_9, %eq3A_10 : i32
    %convert_element_type3A = arith.extui %eq3A_11 : i1 to i32
    %cond3A = arith.constant 0 : i32
    %cond3A_12 = arith.cmpi ne, %convert_element_type3A, %cond3A : i32
    scf.if %cond3A_12 {
      %jit3A_25 = arith.constant 4 : i32
      %div3A = arith.divsi %arg1, %jit3A_25 : i32
      %sign3A = arith.constant 0 : i32
      %sign3A_26 = arith.cmpi sgt, %arg1, %sign3A : i32
      %sign3A_27 = arith.extui %sign3A_26 : i1 to i32
      %sign3A_28 = arith.constant 0 : i32
      %sign3A_29 = arith.cmpi slt, %arg1, %sign3A_28 : i32
      %sign3A_30 = arith.extui %sign3A_29 : i1 to i32
      %sign3A_31 = arith.subi %sign3A_27, %sign3A_30 : i32
      %sign3A_32 = arith.constant 0 : i32
      %sign3A_33 = arith.cmpi sgt, %jit3A_25, %sign3A_32 : i32
      %sign3A_34 = arith.extui %sign3A_33 : i1 to i32
      %sign3A_35 = arith.constant 0 : i32
      %sign3A_36 = arith.cmpi slt, %jit3A_25, %sign3A_35 : i32
      %sign3A_37 = arith.extui %sign3A_36 : i1 to i32
      %sign3A_38 = arith.subi %sign3A_34, %sign3A_37 : i32
      %ne3A_39 = arith.cmpi ne, %sign3A_31, %sign3A_38 : i32
      %rem3A_40 = arith.remsi %arg1, %jit3A_25 : i32
      %ne3A_41 = arith.constant 0 : i32
      %ne3A_42 = arith.cmpi ne, %rem3A_40, %ne3A_41 : i32
      %and3A_43 = arith.andi %ne3A_39, %ne3A_42 : i1
      %sub3A = arith.constant 1 : i32
      %sub3A_44 = arith.subi %div3A, %sub3A : i32
      %select_n3A_45 = arith.select %and3A_43, %sub3A_44, %div3A : i32
      %mul3A_46 = arith.constant 2560 : i32
      %mul3A_47 = arith.muli %select_n3A_45, %mul3A_46 : i32
      "tpu.region"() ({
        %run_scoped3A = tpu.sem_alloc : memref<!tpu.dma_semaphore, #tpu.memory_space<semaphore_mem>>
        %dma_start3A = arith.constant 0 : i32
        %dma_start3A_48 = tpu.memref_slice %arg10[%mul3A_47, %dma_start3A] : memref<10240x128xf32, #tpu.memory_space<vmem_shared>> -> memref<2560x128xf32, #tpu.memory_space<vmem_shared>>
        %dma_start3A_49 = arith.constant 0 : i32
        %dma_start3A_50 = tpu.memref_slice %arg5[%mul3A_47, %dma_start3A_49] : memref<10240x128xf32, #tpu.memory_space<hbm>> -> memref<2560x128xf32, #tpu.memory_space<hbm>>
        tpu.enqueue_dma source(%dma_start3A_50 : memref<2560x128xf32, #tpu.memory_space<hbm>>) target(%dma_start3A_48 : memref<2560x128xf32, #tpu.memory_space<vmem_shared>>) target_semaphore(%run_scoped3A : memref<!tpu.dma_semaphore, #tpu.memory_space<semaphore_mem>>)
        %dma_wait3A = arith.constant 0 : i32
        %dma_wait3A_51 = tpu.memref_slice %arg10[%mul3A_47, %dma_wait3A] : memref<10240x128xf32, #tpu.memory_space<vmem_shared>> -> memref<2560x128xf32, #tpu.memory_space<vmem_shared>>
        %dma_wait3A_52 = arith.constant 0 : i32
        %dma_wait3A_53 = tpu.memref_slice %arg5[%mul3A_47, %dma_wait3A_52] : memref<10240x128xf32, #tpu.memory_space<hbm>> -> memref<2560x128xf32, #tpu.memory_space<hbm>>
        tpu.wait_dma2 semaphore(%run_scoped3A : memref<!tpu.dma_semaphore, #tpu.memory_space<semaphore_mem>>) src(%dma_wait3A_53 : memref<2560x128xf32, #tpu.memory_space<hbm>>) dst(%dma_wait3A_51 : memref<2560x128xf32, #tpu.memory_space<vmem_shared>>)
        tpu.yield
      }) : () -> ()
    } else {
    }
    %barrier3A = arith.constant 0 : index
    tpu.barrier barrier_id(%barrier3A)
    %mul3A_13 = arith.constant 10112 : i32
    %mul3A_14 = arith.muli %add3A, %mul3A_13 : i32
    %scan3A = arith.constant 0 : i32
    %scan3A_15 = arith.constant 0 : i32
    %scan3A_16 = arith.constant 79 : i32
    %scan3A_17 = arith.addi %scan3A_15, %scan3A_16 : i32
    %scan3A_18 = arith.constant 1 : i32
    scf.for %scan3A_25 = %scan3A_15 to %scan3A_17 step %scan3A_18  : i32 {
      %mul3A_26 = arith.constant 128 : i32
      %mul3A_27 = arith.muli %scan3A_25, %mul3A_26 : i32
      %add3A_28 = arith.addi %mul3A_14, %mul3A_27 : i32
      "tpu.region"() ({
        %run_scoped3A = tpu.sem_alloc : memref<!tpu.dma_semaphore, #tpu.memory_space<semaphore_mem>>
        %dma_start3A_33 = tpu.memref_slice %arg3[%add3A_28] : memref<323584xi32, #tpu.memory_space<hbm>> -> memref<128xi32, #tpu.memory_space<hbm>>
        %dma_start3A_34 = tpu.memref_slice %arg3[%add3A_28] : memref<323584xi32, #tpu.memory_space<hbm>> -> memref<128xi32, #tpu.memory_space<hbm>>
        tpu.enqueue_dma source(%dma_start3A_34 : memref<128xi32, #tpu.memory_space<hbm>>) target(%arg7 : memref<128xi32, #tpu.memory_space<vmem>>) target_semaphore(%run_scoped3A : memref<!tpu.dma_semaphore, #tpu.memory_space<semaphore_mem>>)
        %dma_wait3A_35 = tpu.memref_slice %arg3[%add3A_28] : memref<323584xi32, #tpu.memory_space<hbm>> -> memref<128xi32, #tpu.memory_space<hbm>>
        %dma_wait3A_36 = tpu.memref_slice %arg3[%add3A_28] : memref<323584xi32, #tpu.memory_space<hbm>> -> memref<128xi32, #tpu.memory_space<hbm>>
        tpu.wait_dma2 semaphore(%run_scoped3A : memref<!tpu.dma_semaphore, #tpu.memory_space<semaphore_mem>>) src(%dma_wait3A_36 : memref<128xi32, #tpu.memory_space<hbm>>) dst(%arg7 : memref<128xi32, #tpu.memory_space<vmem>>)
        tpu.yield
      }) : () -> ()
      "tpu.region"() ({
        %run_scoped3A = tpu.sem_alloc : memref<!tpu.dma_semaphore, #tpu.memory_space<semaphore_mem>>
        %dma_start3A_33 = tpu.memref_slice %arg4[%add3A_28] : memref<323584xi32, #tpu.memory_space<hbm>> -> memref<128xi32, #tpu.memory_space<hbm>>
        %dma_start3A_34 = tpu.memref_slice %arg4[%add3A_28] : memref<323584xi32, #tpu.memory_space<hbm>> -> memref<128xi32, #tpu.memory_space<hbm>>
        tpu.enqueue_dma source(%dma_start3A_34 : memref<128xi32, #tpu.memory_space<hbm>>) target(%arg8 : memref<128xi32, #tpu.memory_space<vmem>>) target_semaphore(%run_scoped3A : memref<!tpu.dma_semaphore, #tpu.memory_space<semaphore_mem>>)
        %dma_wait3A_35 = tpu.memref_slice %arg4[%add3A_28] : memref<323584xi32, #tpu.memory_space<hbm>> -> memref<128xi32, #tpu.memory_space<hbm>>
        %dma_wait3A_36 = tpu.memref_slice %arg4[%add3A_28] : memref<323584xi32, #tpu.memory_space<hbm>> -> memref<128xi32, #tpu.memory_space<hbm>>
        tpu.wait_dma2 semaphore(%run_scoped3A : memref<!tpu.dma_semaphore, #tpu.memory_space<semaphore_mem>>) src(%dma_wait3A_36 : memref<128xi32, #tpu.memory_space<hbm>>) dst(%arg8 : memref<128xi32, #tpu.memory_space<vmem>>)
        tpu.yield
      }) : () -> ()
      %dma_start3A = arith.constant 0 : i32
      %dma_start3A_29 = arith.constant 0 : i32
      %dma_start3A_30 = tpu.memref_slice %arg2[%dma_start3A, %dma_start3A_29] : memref<10000x128xf32, #tpu.memory_space<hbm>> -> memref<10000x128xf32, #tpu.memory_space<hbm>>
      tpu.enqueue_indirect_dma source(%dma_start3A_30 : memref<10000x128xf32, #tpu.memory_space<hbm>>) target(%arg9 : memref<128x128xf32, #tpu.memory_space<vmem>>) offsets(%arg7 : memref<128xi32, #tpu.memory_space<vmem>>) semaphore(%arg11 : memref<!tpu.dma_semaphore, #tpu.memory_space<semaphore_mem>>)
      %dma_wait3A = arith.constant 0 : i32
      %dma_wait3A_31 = arith.constant 0 : i32
      %dma_wait3A_32 = tpu.memref_slice %arg2[%dma_wait3A, %dma_wait3A_31] : memref<10000x128xf32, #tpu.memory_space<hbm>> -> memref<10000x128xf32, #tpu.memory_space<hbm>>
      tpu.wait_indirect_dma semaphore(%arg11 : memref<!tpu.dma_semaphore, #tpu.memory_space<semaphore_mem>>) src(%dma_wait3A_32 : memref<10000x128xf32, #tpu.memory_space<hbm>>) dst(%arg9 : memref<128x128xf32, #tpu.memory_space<vmem>>)
      "tpu.region"() ({
        %run_scoped3A = tpu.sem_alloc : memref<!tpu.dma_semaphore, #tpu.memory_space<semaphore_mem>>
        %dma_start3A_33 = arith.constant 0 : i32
        %dma_start3A_34 = arith.constant 0 : i32
        %dma_start3A_35 = tpu.memref_slice %arg10[%dma_start3A_33, %dma_start3A_34] : memref<10240x128xf32, #tpu.memory_space<vmem_shared>> -> memref<10240x128xf32, #tpu.memory_space<vmem_shared>>
        tpu.enqueue_indirect_dma source(%arg9 : memref<128x128xf32, #tpu.memory_space<vmem>>) target(%dma_start3A_35 : memref<10240x128xf32, #tpu.memory_space<vmem_shared>>) offsets(%arg8 : memref<128xi32, #tpu.memory_space<vmem>>) semaphore(%run_scoped3A : memref<!tpu.dma_semaphore, #tpu.memory_space<semaphore_mem>>) {add = true}
        %dma_wait3A_36 = arith.constant 0 : i32
        %dma_wait3A_37 = arith.constant 0 : i32
        %dma_wait3A_38 = tpu.memref_slice %arg10[%dma_wait3A_36, %dma_wait3A_37] : memref<10240x128xf32, #tpu.memory_space<vmem_shared>> -> memref<10240x128xf32, #tpu.memory_space<vmem_shared>>
        tpu.wait_indirect_dma semaphore(%run_scoped3A : memref<!tpu.dma_semaphore, #tpu.memory_space<semaphore_mem>>) src(%arg9 : memref<128x128xf32, #tpu.memory_space<vmem>>) dst(%dma_wait3A_38 : memref<10240x128xf32, #tpu.memory_space<vmem_shared>>)
        tpu.yield
      }) : () -> ()
    }
    %scan3A_19 = arith.constant 79 : i32
    %barrier3A_20 = arith.constant 0 : index
    tpu.barrier barrier_id(%barrier3A_20)
    %mul3A_21 = arith.constant 640 : i32
    %mul3A_22 = arith.muli %arg1, %mul3A_21 : i32
    %mul3A_23 = arith.constant 640 : i32
    %mul3A_24 = arith.muli %arg1, %mul3A_23 : i32
    "tpu.region"() ({
      %run_scoped3A = tpu.sem_alloc : memref<!tpu.dma_semaphore, #tpu.memory_space<semaphore_mem>>
      %dma_start3A = arith.constant 0 : i32
      %dma_start3A_25 = arith.constant 0 : i32
      %dma_start3A_26 = tpu.memref_slice %arg6[%arg0, %dma_start3A, %dma_start3A_25] : memref<2x10240x128xf32, #tpu.memory_space<hbm>> -> memref<1x10240x128xf32, #tpu.memory_space<hbm>>
      %dma_start3A_27 = tpu.memref_squeeze %dma_start3A_26 : memref<1x10240x128xf32, #tpu.memory_space<hbm>> -> memref<10240x128xf32, #tpu.memory_space<hbm>>
      %dma_start3A_28 = arith.constant 0 : i32
      %dma_start3A_29 = tpu.memref_slice %dma_start3A_27[%mul3A_24, %dma_start3A_28] : memref<10240x128xf32, #tpu.memory_space<hbm>> -> memref<640x128xf32, #tpu.memory_space<hbm>>
      %dma_start3A_30 = arith.constant 0 : i32
      %dma_start3A_31 = tpu.memref_slice %arg10[%mul3A_22, %dma_start3A_30] : memref<10240x128xf32, #tpu.memory_space<vmem_shared>> -> memref<640x128xf32, #tpu.memory_space<vmem_shared>>
      tpu.enqueue_dma source(%dma_start3A_31 : memref<640x128xf32, #tpu.memory_space<vmem_shared>>) target(%dma_start3A_29 : memref<640x128xf32, #tpu.memory_space<hbm>>) target_semaphore(%run_scoped3A : memref<!tpu.dma_semaphore, #tpu.memory_space<semaphore_mem>>)
      %dma_wait3A = arith.constant 0 : i32
      %dma_wait3A_32 = arith.constant 0 : i32
      %dma_wait3A_33 = tpu.memref_slice %arg6[%arg0, %dma_wait3A, %dma_wait3A_32] : memref<2x10240x128xf32, #tpu.memory_space<hbm>> -> memref<1x10240x128xf32, #tpu.memory_space<hbm>>
      %dma_wait3A_34 = tpu.memref_squeeze %dma_wait3A_33 : memref<1x10240x128xf32, #tpu.memory_space<hbm>> -> memref<10240x128xf32, #tpu.memory_space<hbm>>
      %dma_wait3A_35 = arith.constant 0 : i32
      %dma_wait3A_36 = tpu.memref_slice %dma_wait3A_34[%mul3A_24, %dma_wait3A_35] : memref<10240x128xf32, #tpu.memory_space<hbm>> -> memref<640x128xf32, #tpu.memory_space<hbm>>
      %dma_wait3A_37 = arith.constant 0 : i32
      %dma_wait3A_38 = tpu.memref_slice %arg10[%mul3A_22, %dma_wait3A_37] : memref<10240x128xf32, #tpu.memory_space<vmem_shared>> -> memref<640x128xf32, #tpu.memory_space<vmem_shared>>
      tpu.wait_dma2 semaphore(%run_scoped3A : memref<!tpu.dma_semaphore, #tpu.memory_space<semaphore_mem>>) src(%dma_wait3A_38 : memref<640x128xf32, #tpu.memory_space<vmem_shared>>) dst(%dma_wait3A_36 : memref<640x128xf32, #tpu.memory_space<hbm>>)
      tpu.yield
    }) : () -> ()
    return
  }
}

#map = affine_map<(d0, d1) -> (0, 0)>
#map1 = affine_map<(d0, d1) -> (0)>
#map2 = affine_map<(d0, d1) -> (0, 0, 0)>
module attributes {stable_mosaic.version = 14 : i64} {
  func.func @_sc_agg(%arg0: i32, %arg1: i32, %arg2: memref<10000x128xf32, #tpu.memory_space<hbm>>, %arg3: memref<323584xi32, #tpu.memory_space<hbm>>, %arg4: memref<323584xi32, #tpu.memory_space<hbm>>, %arg5: memref<10240x128xf32, #tpu.memory_space<hbm>>, %arg6: memref<2x10240x128xf32, #tpu.memory_space<hbm>>, %arg7: memref<128xi32, #tpu.memory_space<vmem>>, %arg8: memref<128xi32, #tpu.memory_space<vmem>>, %arg9: memref<128x128xf32, #tpu.memory_space<vmem>>, %arg10: memref<10240x128xf32, #tpu.memory_space<vmem_shared>>, %arg11: memref<!tpu.dma_semaphore, #tpu.memory_space<semaphore_mem>>) attributes {dimension_semantics = [#tpu.dimension_semantics<core_parallel>, #tpu.dimension_semantics<subcore_parallel>], iteration_bounds = array<i64: 2, 16>, scalar_prefetch = 0 : i64, scratch_operands = 5 : i64, tpu.core_type = #tpu.core_type<sc_vector_subcore>, window_params = [{transform_indices = #map}, {transform_indices = #map1}, {transform_indices = #map1}, {transform_indices = #map}, {transform_indices = #map2}]} {
    %mul3A = arith.constant 2 : i32
    %mul3A_0 = arith.muli %arg1, %mul3A : i32
    %add3A = arith.addi %mul3A_0, %arg0 : i32
    %jit3A = arith.constant 4 : i32
    %eq3A = arith.constant 0 : i32
    %eq3A_1 = arith.cmpi eq, %jit3A, %eq3A : i32
    %jit3A_2 = arith.constant 1 : i32
    %select_n3A = arith.select %eq3A_1, %jit3A_2, %jit3A : i32
    %rem3A = arith.remsi %arg1, %select_n3A : i32
    %ne3A = arith.constant 0 : i32
    %ne3A_3 = arith.cmpi ne, %rem3A, %ne3A : i32
    %lt3A = arith.constant 0 : i32
    %lt3A_4 = arith.cmpi slt, %rem3A, %lt3A : i32
    %lt3A_5 = arith.constant 0 : i32
    %lt3A_6 = arith.cmpi slt, %select_n3A, %lt3A_5 : i32
    %ne3A_7 = arith.xori %lt3A_4, %lt3A_6 : i1
    %and3A = arith.andi %ne3A_7, %ne3A_3 : i1
    %add3A_8 = arith.addi %rem3A, %select_n3A : i32
    %select_n3A_9 = arith.select %and3A, %add3A_8, %rem3A : i32
    %eq3A_10 = arith.constant 0 : i32
    %eq3A_11 = arith.cmpi eq, %select_n3A_9, %eq3A_10 : i32
    %convert_element_type3A = arith.extui %eq3A_11 : i1 to i32
    %cond3A = arith.constant 0 : i32
    %cond3A_12 = arith.cmpi ne, %convert_element_type3A, %cond3A : i32
    scf.if %cond3A_12 {
      %jit3A_25 = arith.constant 4 : i32
      %div3A = arith.divsi %arg1, %jit3A_25 : i32
      %sign3A = arith.constant 0 : i32
      %sign3A_26 = arith.cmpi sgt, %arg1, %sign3A : i32
      %sign3A_27 = arith.extui %sign3A_26 : i1 to i32
      %sign3A_28 = arith.constant 0 : i32
      %sign3A_29 = arith.cmpi slt, %arg1, %sign3A_28 : i32
      %sign3A_30 = arith.extui %sign3A_29 : i1 to i32
      %sign3A_31 = arith.subi %sign3A_27, %sign3A_30 : i32
      %sign3A_32 = arith.constant 0 : i32
      %sign3A_33 = arith.cmpi sgt, %jit3A_25, %sign3A_32 : i32
      %sign3A_34 = arith.extui %sign3A_33 : i1 to i32
      %sign3A_35 = arith.constant 0 : i32
      %sign3A_36 = arith.cmpi slt, %jit3A_25, %sign3A_35 : i32
      %sign3A_37 = arith.extui %sign3A_36 : i1 to i32
      %sign3A_38 = arith.subi %sign3A_34, %sign3A_37 : i32
      %ne3A_39 = arith.cmpi ne, %sign3A_31, %sign3A_38 : i32
      %rem3A_40 = arith.remsi %arg1, %jit3A_25 : i32
      %ne3A_41 = arith.constant 0 : i32
      %ne3A_42 = arith.cmpi ne, %rem3A_40, %ne3A_41 : i32
      %and3A_43 = arith.andi %ne3A_39, %ne3A_42 : i1
      %sub3A = arith.constant 1 : i32
      %sub3A_44 = arith.subi %div3A, %sub3A : i32
      %select_n3A_45 = arith.select %and3A_43, %sub3A_44, %div3A : i32
      %mul3A_46 = arith.constant 2560 : i32
      %mul3A_47 = arith.muli %select_n3A_45, %mul3A_46 : i32
      "tpu.region"() ({
        %run_scoped3A = tpu.sem_alloc : memref<!tpu.dma_semaphore, #tpu.memory_space<semaphore_mem>>
        %dma_start3A = arith.constant 0 : i32
        %dma_start3A_48 = tpu.memref_slice %arg10[%mul3A_47, %dma_start3A] : memref<10240x128xf32, #tpu.memory_space<vmem_shared>> -> memref<2560x128xf32, #tpu.memory_space<vmem_shared>>
        %dma_start3A_49 = arith.constant 0 : i32
        %dma_start3A_50 = tpu.memref_slice %arg5[%mul3A_47, %dma_start3A_49] : memref<10240x128xf32, #tpu.memory_space<hbm>> -> memref<2560x128xf32, #tpu.memory_space<hbm>>
        tpu.enqueue_dma source(%dma_start3A_50 : memref<2560x128xf32, #tpu.memory_space<hbm>>) target(%dma_start3A_48 : memref<2560x128xf32, #tpu.memory_space<vmem_shared>>) target_semaphore(%run_scoped3A : memref<!tpu.dma_semaphore, #tpu.memory_space<semaphore_mem>>)
        %dma_wait3A = arith.constant 0 : i32
        %dma_wait3A_51 = tpu.memref_slice %arg10[%mul3A_47, %dma_wait3A] : memref<10240x128xf32, #tpu.memory_space<vmem_shared>> -> memref<2560x128xf32, #tpu.memory_space<vmem_shared>>
        %dma_wait3A_52 = arith.constant 0 : i32
        %dma_wait3A_53 = tpu.memref_slice %arg5[%mul3A_47, %dma_wait3A_52] : memref<10240x128xf32, #tpu.memory_space<hbm>> -> memref<2560x128xf32, #tpu.memory_space<hbm>>
        tpu.wait_dma2 semaphore(%run_scoped3A : memref<!tpu.dma_semaphore, #tpu.memory_space<semaphore_mem>>) src(%dma_wait3A_53 : memref<2560x128xf32, #tpu.memory_space<hbm>>) dst(%dma_wait3A_51 : memref<2560x128xf32, #tpu.memory_space<vmem_shared>>)
        tpu.yield
      }) : () -> ()
    } else {
    }
    %barrier3A = arith.constant 0 : index
    tpu.barrier barrier_id(%barrier3A)
    %mul3A_13 = arith.constant 10112 : i32
    %mul3A_14 = arith.muli %add3A, %mul3A_13 : i32
    %scan3A = arith.constant 0 : i32
    %scan3A_15 = arith.constant 0 : i32
    %scan3A_16 = arith.constant 79 : i32
    %scan3A_17 = arith.addi %scan3A_15, %scan3A_16 : i32
    %scan3A_18 = arith.constant 1 : i32
    scf.for %scan3A_25 = %scan3A_15 to %scan3A_17 step %scan3A_18  : i32 {
      %mul3A_26 = arith.constant 128 : i32
      %mul3A_27 = arith.muli %scan3A_25, %mul3A_26 : i32
      %add3A_28 = arith.addi %mul3A_14, %mul3A_27 : i32
      "tpu.region"() ({
        %run_scoped3A = tpu.sem_alloc : memref<!tpu.dma_semaphore, #tpu.memory_space<semaphore_mem>>
        %dma_start3A_33 = tpu.memref_slice %arg3[%add3A_28] : memref<323584xi32, #tpu.memory_space<hbm>> -> memref<128xi32, #tpu.memory_space<hbm>>
        %dma_start3A_34 = tpu.memref_slice %arg3[%add3A_28] : memref<323584xi32, #tpu.memory_space<hbm>> -> memref<128xi32, #tpu.memory_space<hbm>>
        tpu.enqueue_dma source(%dma_start3A_34 : memref<128xi32, #tpu.memory_space<hbm>>) target(%arg7 : memref<128xi32, #tpu.memory_space<vmem>>) target_semaphore(%run_scoped3A : memref<!tpu.dma_semaphore, #tpu.memory_space<semaphore_mem>>)
        %dma_wait3A_35 = tpu.memref_slice %arg3[%add3A_28] : memref<323584xi32, #tpu.memory_space<hbm>> -> memref<128xi32, #tpu.memory_space<hbm>>
        %dma_wait3A_36 = tpu.memref_slice %arg3[%add3A_28] : memref<323584xi32, #tpu.memory_space<hbm>> -> memref<128xi32, #tpu.memory_space<hbm>>
        tpu.wait_dma2 semaphore(%run_scoped3A : memref<!tpu.dma_semaphore, #tpu.memory_space<semaphore_mem>>) src(%dma_wait3A_36 : memref<128xi32, #tpu.memory_space<hbm>>) dst(%arg7 : memref<128xi32, #tpu.memory_space<vmem>>)
        tpu.yield
      }) : () -> ()
      "tpu.region"() ({
        %run_scoped3A = tpu.sem_alloc : memref<!tpu.dma_semaphore, #tpu.memory_space<semaphore_mem>>
        %dma_start3A_33 = tpu.memref_slice %arg4[%add3A_28] : memref<323584xi32, #tpu.memory_space<hbm>> -> memref<128xi32, #tpu.memory_space<hbm>>
        %dma_start3A_34 = tpu.memref_slice %arg4[%add3A_28] : memref<323584xi32, #tpu.memory_space<hbm>> -> memref<128xi32, #tpu.memory_space<hbm>>
        tpu.enqueue_dma source(%dma_start3A_34 : memref<128xi32, #tpu.memory_space<hbm>>) target(%arg8 : memref<128xi32, #tpu.memory_space<vmem>>) target_semaphore(%run_scoped3A : memref<!tpu.dma_semaphore, #tpu.memory_space<semaphore_mem>>)
        %dma_wait3A_35 = tpu.memref_slice %arg4[%add3A_28] : memref<323584xi32, #tpu.memory_space<hbm>> -> memref<128xi32, #tpu.memory_space<hbm>>
        %dma_wait3A_36 = tpu.memref_slice %arg4[%add3A_28] : memref<323584xi32, #tpu.memory_space<hbm>> -> memref<128xi32, #tpu.memory_space<hbm>>
        tpu.wait_dma2 semaphore(%run_scoped3A : memref<!tpu.dma_semaphore, #tpu.memory_space<semaphore_mem>>) src(%dma_wait3A_36 : memref<128xi32, #tpu.memory_space<hbm>>) dst(%arg8 : memref<128xi32, #tpu.memory_space<vmem>>)
        tpu.yield
      }) : () -> ()
      %dma_start3A = arith.constant 0 : i32
      %dma_start3A_29 = arith.constant 0 : i32
      %dma_start3A_30 = tpu.memref_slice %arg2[%dma_start3A, %dma_start3A_29] : memref<10000x128xf32, #tpu.memory_space<hbm>> -> memref<10000x128xf32, #tpu.memory_space<hbm>>
      tpu.enqueue_indirect_dma source(%dma_start3A_30 : memref<10000x128xf32, #tpu.memory_space<hbm>>) target(%arg9 : memref<128x128xf32, #tpu.memory_space<vmem>>) offsets(%arg7 : memref<128xi32, #tpu.memory_space<vmem>>) semaphore(%arg11 : memref<!tpu.dma_semaphore, #tpu.memory_space<semaphore_mem>>)
      %dma_wait3A = arith.constant 0 : i32
      %dma_wait3A_31 = arith.constant 0 : i32
      %dma_wait3A_32 = tpu.memref_slice %arg2[%dma_wait3A, %dma_wait3A_31] : memref<10000x128xf32, #tpu.memory_space<hbm>> -> memref<10000x128xf32, #tpu.memory_space<hbm>>
      tpu.wait_indirect_dma semaphore(%arg11 : memref<!tpu.dma_semaphore, #tpu.memory_space<semaphore_mem>>) src(%dma_wait3A_32 : memref<10000x128xf32, #tpu.memory_space<hbm>>) dst(%arg9 : memref<128x128xf32, #tpu.memory_space<vmem>>)
      "tpu.region"() ({
        %run_scoped3A = tpu.sem_alloc : memref<!tpu.dma_semaphore, #tpu.memory_space<semaphore_mem>>
        %dma_start3A_33 = arith.constant 0 : i32
        %dma_start3A_34 = arith.constant 0 : i32
        %dma_start3A_35 = tpu.memref_slice %arg10[%dma_start3A_33, %dma_start3A_34] : memref<10240x128xf32, #tpu.memory_space<vmem_shared>> -> memref<10240x128xf32, #tpu.memory_space<vmem_shared>>
        tpu.enqueue_indirect_dma source(%arg9 : memref<128x128xf32, #tpu.memory_space<vmem>>) target(%dma_start3A_35 : memref<10240x128xf32, #tpu.memory_space<vmem_shared>>) offsets(%arg8 : memref<128xi32, #tpu.memory_space<vmem>>) semaphore(%run_scoped3A : memref<!tpu.dma_semaphore, #tpu.memory_space<semaphore_mem>>) {add = true}
        %dma_wait3A_36 = arith.constant 0 : i32
        %dma_wait3A_37 = arith.constant 0 : i32
        %dma_wait3A_38 = tpu.memref_slice %arg10[%dma_wait3A_36, %dma_wait3A_37] : memref<10240x128xf32, #tpu.memory_space<vmem_shared>> -> memref<10240x128xf32, #tpu.memory_space<vmem_shared>>
        tpu.wait_indirect_dma semaphore(%run_scoped3A : memref<!tpu.dma_semaphore, #tpu.memory_space<semaphore_mem>>) src(%arg9 : memref<128x128xf32, #tpu.memory_space<vmem>>) dst(%dma_wait3A_38 : memref<10240x128xf32, #tpu.memory_space<vmem_shared>>)
        tpu.yield
      }) : () -> ()
    }
    %scan3A_19 = arith.constant 79 : i32
    %barrier3A_20 = arith.constant 0 : index
    tpu.barrier barrier_id(%barrier3A_20)
    %mul3A_21 = arith.constant 640 : i32
    %mul3A_22 = arith.muli %arg1, %mul3A_21 : i32
    %mul3A_23 = arith.constant 640 : i32
    %mul3A_24 = arith.muli %arg1, %mul3A_23 : i32
    "tpu.region"() ({
      %run_scoped3A = tpu.sem_alloc : memref<!tpu.dma_semaphore, #tpu.memory_space<semaphore_mem>>
      %dma_start3A = arith.constant 0 : i32
      %dma_start3A_25 = arith.constant 0 : i32
      %dma_start3A_26 = tpu.memref_slice %arg6[%arg0, %dma_start3A, %dma_start3A_25] : memref<2x10240x128xf32, #tpu.memory_space<hbm>> -> memref<1x10240x128xf32, #tpu.memory_space<hbm>>
      %dma_start3A_27 = tpu.memref_squeeze %dma_start3A_26 : memref<1x10240x128xf32, #tpu.memory_space<hbm>> -> memref<10240x128xf32, #tpu.memory_space<hbm>>
      %dma_start3A_28 = arith.constant 0 : i32
      %dma_start3A_29 = tpu.memref_slice %dma_start3A_27[%mul3A_24, %dma_start3A_28] : memref<10240x128xf32, #tpu.memory_space<hbm>> -> memref<640x128xf32, #tpu.memory_space<hbm>>
      %dma_start3A_30 = arith.constant 0 : i32
      %dma_start3A_31 = tpu.memref_slice %arg10[%mul3A_22, %dma_start3A_30] : memref<10240x128xf32, #tpu.memory_space<vmem_shared>> -> memref<640x128xf32, #tpu.memory_space<vmem_shared>>
      tpu.enqueue_dma source(%dma_start3A_31 : memref<640x128xf32, #tpu.memory_space<vmem_shared>>) target(%dma_start3A_29 : memref<640x128xf32, #tpu.memory_space<hbm>>) target_semaphore(%run_scoped3A : memref<!tpu.dma_semaphore, #tpu.memory_space<semaphore_mem>>)
      %dma_wait3A = arith.constant 0 : i32
      %dma_wait3A_32 = arith.constant 0 : i32
      %dma_wait3A_33 = tpu.memref_slice %arg6[%arg0, %dma_wait3A, %dma_wait3A_32] : memref<2x10240x128xf32, #tpu.memory_space<hbm>> -> memref<1x10240x128xf32, #tpu.memory_space<hbm>>
      %dma_wait3A_34 = tpu.memref_squeeze %dma_wait3A_33 : memref<1x10240x128xf32, #tpu.memory_space<hbm>> -> memref<10240x128xf32, #tpu.memory_space<hbm>>
      %dma_wait3A_35 = arith.constant 0 : i32
      %dma_wait3A_36 = tpu.memref_slice %dma_wait3A_34[%mul3A_24, %dma_wait3A_35] : memref<10240x128xf32, #tpu.memory_space<hbm>> -> memref<640x128xf32, #tpu.memory_space<hbm>>
      %dma_wait3A_37 = arith.constant 0 : i32
      %dma_wait3A_38 = tpu.memref_slice %arg10[%mul3A_22, %dma_wait3A_37] : memref<10240x128xf32, #tpu.memory_space<vmem_shared>> -> memref<640x128xf32, #tpu.memory_space<vmem_shared>>
      tpu.wait_dma2 semaphore(%run_scoped3A : memref<!tpu.dma_semaphore, #tpu.memory_space<semaphore_mem>>) src(%dma_wait3A_38 : memref<640x128xf32, #tpu.memory_space<vmem_shared>>) dst(%dma_wait3A_36 : memref<640x128xf32, #tpu.memory_space<hbm>>)
      tpu.yield
    }) : () -> ()
    return
  }
}

#map = affine_map<(d0, d1) -> (0)>
#map1 = affine_map<(d0, d1) -> (0, 0)>
#map2 = affine_map<(d0, d1) -> (0, 0, 0)>
module attributes {stable_mosaic.version = 14 : i64} {
  func.func @_sc_counts(%arg0: i32, %arg1: i32, %arg2: memref<323584xi32, #tpu.memory_space<hbm>>, %arg3: memref<128x128xf32, #tpu.memory_space<hbm>>, %arg4: memref<10240x128xf32, #tpu.memory_space<hbm>>, %arg5: memref<2x10240x128xf32, #tpu.memory_space<hbm>>, %arg6: memref<128xi32, #tpu.memory_space<vmem>>, %arg7: memref<128x128xf32, #tpu.memory_space<vmem>>, %arg8: memref<10240x128xf32, #tpu.memory_space<vmem_shared>>, %arg9: memref<!tpu.dma_semaphore, #tpu.memory_space<semaphore_mem>>) attributes {dimension_semantics = [#tpu.dimension_semantics<core_parallel>, #tpu.dimension_semantics<subcore_parallel>], iteration_bounds = array<i64: 2, 16>, scalar_prefetch = 0 : i64, scratch_operands = 4 : i64, tpu.core_type = #tpu.core_type<sc_vector_subcore>, window_params = [{transform_indices = #map}, {transform_indices = #map1}, {transform_indices = #map1}, {transform_indices = #map2}]} {
    %mul3A = arith.constant 2 : i32
    %mul3A_0 = arith.muli %arg1, %mul3A : i32
    %add3A = arith.addi %mul3A_0, %arg0 : i32
    %eq3A = arith.constant 0 : i32
    %eq3A_1 = arith.cmpi eq, %arg1, %eq3A : i32
    %convert_element_type3A = arith.extui %eq3A_1 : i1 to i32
    %cond3A = arith.constant 0 : i32
    %cond3A_2 = arith.cmpi ne, %convert_element_type3A, %cond3A : i32
    scf.if %cond3A_2 {
      "tpu.region"() ({
        %run_scoped3A = tpu.sem_alloc : memref<!tpu.dma_semaphore, #tpu.memory_space<semaphore_mem>>
        tpu.enqueue_dma source(%arg4 : memref<10240x128xf32, #tpu.memory_space<hbm>>) target(%arg8 : memref<10240x128xf32, #tpu.memory_space<vmem_shared>>) target_semaphore(%run_scoped3A : memref<!tpu.dma_semaphore, #tpu.memory_space<semaphore_mem>>)
        tpu.wait_dma2 semaphore(%run_scoped3A : memref<!tpu.dma_semaphore, #tpu.memory_space<semaphore_mem>>) src(%arg4 : memref<10240x128xf32, #tpu.memory_space<hbm>>) dst(%arg8 : memref<10240x128xf32, #tpu.memory_space<vmem_shared>>)
        tpu.yield
      }) : () -> ()
    } else {
    }
    tpu.enqueue_dma source(%arg3 : memref<128x128xf32, #tpu.memory_space<hbm>>) target(%arg7 : memref<128x128xf32, #tpu.memory_space<vmem>>) target_semaphore(%arg9 : memref<!tpu.dma_semaphore, #tpu.memory_space<semaphore_mem>>)
    tpu.wait_dma2 semaphore(%arg9 : memref<!tpu.dma_semaphore, #tpu.memory_space<semaphore_mem>>) src(%arg3 : memref<128x128xf32, #tpu.memory_space<hbm>>) dst(%arg7 : memref<128x128xf32, #tpu.memory_space<vmem>>)
    %barrier3A = arith.constant 0 : index
    tpu.barrier barrier_id(%barrier3A)
    %mul3A_3 = arith.constant 10112 : i32
    %mul3A_4 = arith.muli %add3A, %mul3A_3 : i32
    %scan3A = arith.constant 0 : i32
    %scan3A_5 = arith.constant 0 : i32
    %scan3A_6 = arith.constant 79 : i32
    %scan3A_7 = arith.addi %scan3A_5, %scan3A_6 : i32
    %scan3A_8 = arith.constant 1 : i32
    scf.for %scan3A_15 = %scan3A_5 to %scan3A_7 step %scan3A_8  : i32 {
      %mul3A_16 = arith.constant 128 : i32
      %mul3A_17 = arith.muli %scan3A_15, %mul3A_16 : i32
      %add3A_18 = arith.addi %mul3A_4, %mul3A_17 : i32
      "tpu.region"() ({
        %run_scoped3A = tpu.sem_alloc : memref<!tpu.dma_semaphore, #tpu.memory_space<semaphore_mem>>
        %dma_start3A = tpu.memref_slice %arg2[%add3A_18] : memref<323584xi32, #tpu.memory_space<hbm>> -> memref<128xi32, #tpu.memory_space<hbm>>
        %dma_start3A_19 = tpu.memref_slice %arg2[%add3A_18] : memref<323584xi32, #tpu.memory_space<hbm>> -> memref<128xi32, #tpu.memory_space<hbm>>
        tpu.enqueue_dma source(%dma_start3A_19 : memref<128xi32, #tpu.memory_space<hbm>>) target(%arg6 : memref<128xi32, #tpu.memory_space<vmem>>) target_semaphore(%run_scoped3A : memref<!tpu.dma_semaphore, #tpu.memory_space<semaphore_mem>>)
        %dma_wait3A = tpu.memref_slice %arg2[%add3A_18] : memref<323584xi32, #tpu.memory_space<hbm>> -> memref<128xi32, #tpu.memory_space<hbm>>
        %dma_wait3A_20 = tpu.memref_slice %arg2[%add3A_18] : memref<323584xi32, #tpu.memory_space<hbm>> -> memref<128xi32, #tpu.memory_space<hbm>>
        tpu.wait_dma2 semaphore(%run_scoped3A : memref<!tpu.dma_semaphore, #tpu.memory_space<semaphore_mem>>) src(%dma_wait3A_20 : memref<128xi32, #tpu.memory_space<hbm>>) dst(%arg6 : memref<128xi32, #tpu.memory_space<vmem>>)
        tpu.yield
      }) : () -> ()
      "tpu.region"() ({
        %run_scoped3A = tpu.sem_alloc : memref<!tpu.dma_semaphore, #tpu.memory_space<semaphore_mem>>
        %dma_start3A = arith.constant 0 : i32
        %dma_start3A_19 = arith.constant 0 : i32
        %dma_start3A_20 = tpu.memref_slice %arg8[%dma_start3A, %dma_start3A_19] : memref<10240x128xf32, #tpu.memory_space<vmem_shared>> -> memref<10240x128xf32, #tpu.memory_space<vmem_shared>>
        tpu.enqueue_indirect_dma source(%arg7 : memref<128x128xf32, #tpu.memory_space<vmem>>) target(%dma_start3A_20 : memref<10240x128xf32, #tpu.memory_space<vmem_shared>>) offsets(%arg6 : memref<128xi32, #tpu.memory_space<vmem>>) semaphore(%run_scoped3A : memref<!tpu.dma_semaphore, #tpu.memory_space<semaphore_mem>>) {add = true}
        %dma_wait3A = arith.constant 0 : i32
        %dma_wait3A_21 = arith.constant 0 : i32
        %dma_wait3A_22 = tpu.memref_slice %arg8[%dma_wait3A, %dma_wait3A_21] : memref<10240x128xf32, #tpu.memory_space<vmem_shared>> -> memref<10240x128xf32, #tpu.memory_space<vmem_shared>>
        tpu.wait_indirect_dma semaphore(%run_scoped3A : memref<!tpu.dma_semaphore, #tpu.memory_space<semaphore_mem>>) src(%arg7 : memref<128x128xf32, #tpu.memory_space<vmem>>) dst(%dma_wait3A_22 : memref<10240x128xf32, #tpu.memory_space<vmem_shared>>)
        tpu.yield
      }) : () -> ()
    }
    %scan3A_9 = arith.constant 79 : i32
    %barrier3A_10 = arith.constant 0 : index
    tpu.barrier barrier_id(%barrier3A_10)
    %mul3A_11 = arith.constant 640 : i32
    %mul3A_12 = arith.muli %arg1, %mul3A_11 : i32
    %mul3A_13 = arith.constant 640 : i32
    %mul3A_14 = arith.muli %arg1, %mul3A_13 : i32
    "tpu.region"() ({
      %run_scoped3A = tpu.sem_alloc : memref<!tpu.dma_semaphore, #tpu.memory_space<semaphore_mem>>
      %dma_start3A = arith.constant 0 : i32
      %dma_start3A_15 = arith.constant 0 : i32
      %dma_start3A_16 = tpu.memref_slice %arg5[%arg0, %dma_start3A, %dma_start3A_15] : memref<2x10240x128xf32, #tpu.memory_space<hbm>> -> memref<1x10240x128xf32, #tpu.memory_space<hbm>>
      %dma_start3A_17 = tpu.memref_squeeze %dma_start3A_16 : memref<1x10240x128xf32, #tpu.memory_space<hbm>> -> memref<10240x128xf32, #tpu.memory_space<hbm>>
      %dma_start3A_18 = arith.constant 0 : i32
      %dma_start3A_19 = tpu.memref_slice %dma_start3A_17[%mul3A_14, %dma_start3A_18] : memref<10240x128xf32, #tpu.memory_space<hbm>> -> memref<640x128xf32, #tpu.memory_space<hbm>>
      %dma_start3A_20 = arith.constant 0 : i32
      %dma_start3A_21 = tpu.memref_slice %arg8[%mul3A_12, %dma_start3A_20] : memref<10240x128xf32, #tpu.memory_space<vmem_shared>> -> memref<640x128xf32, #tpu.memory_space<vmem_shared>>
      tpu.enqueue_dma source(%dma_start3A_21 : memref<640x128xf32, #tpu.memory_space<vmem_shared>>) target(%dma_start3A_19 : memref<640x128xf32, #tpu.memory_space<hbm>>) target_semaphore(%run_scoped3A : memref<!tpu.dma_semaphore, #tpu.memory_space<semaphore_mem>>)
      %dma_wait3A = arith.constant 0 : i32
      %dma_wait3A_22 = arith.constant 0 : i32
      %dma_wait3A_23 = tpu.memref_slice %arg5[%arg0, %dma_wait3A, %dma_wait3A_22] : memref<2x10240x128xf32, #tpu.memory_space<hbm>> -> memref<1x10240x128xf32, #tpu.memory_space<hbm>>
      %dma_wait3A_24 = tpu.memref_squeeze %dma_wait3A_23 : memref<1x10240x128xf32, #tpu.memory_space<hbm>> -> memref<10240x128xf32, #tpu.memory_space<hbm>>
      %dma_wait3A_25 = arith.constant 0 : i32
      %dma_wait3A_26 = tpu.memref_slice %dma_wait3A_24[%mul3A_14, %dma_wait3A_25] : memref<10240x128xf32, #tpu.memory_space<hbm>> -> memref<640x128xf32, #tpu.memory_space<hbm>>
      %dma_wait3A_27 = arith.constant 0 : i32
      %dma_wait3A_28 = tpu.memref_slice %arg8[%mul3A_12, %dma_wait3A_27] : memref<10240x128xf32, #tpu.memory_space<vmem_shared>> -> memref<640x128xf32, #tpu.memory_space<vmem_shared>>
      tpu.wait_dma2 semaphore(%run_scoped3A : memref<!tpu.dma_semaphore, #tpu.memory_space<semaphore_mem>>) src(%dma_wait3A_28 : memref<640x128xf32, #tpu.memory_space<vmem_shared>>) dst(%dma_wait3A_26 : memref<640x128xf32, #tpu.memory_space<hbm>>)
      tpu.yield
    }) : () -> ()
    return
  }
}

#map = affine_map<(d0, d1) -> (0, 0)>
#map1 = affine_map<(d0, d1) -> (0)>
#map2 = affine_map<(d0, d1) -> (0, 0, 0)>
module attributes {stable_mosaic.version = 14 : i64} {
  func.func @_sc_agg(%arg0: i32, %arg1: i32, %arg2: memref<10000x128xf32, #tpu.memory_space<hbm>>, %arg3: memref<323584xi32, #tpu.memory_space<hbm>>, %arg4: memref<323584xi32, #tpu.memory_space<hbm>>, %arg5: memref<10240x128xf32, #tpu.memory_space<hbm>>, %arg6: memref<2x10240x128xf32, #tpu.memory_space<hbm>>, %arg7: memref<128xi32, #tpu.memory_space<vmem>>, %arg8: memref<128xi32, #tpu.memory_space<vmem>>, %arg9: memref<128x128xf32, #tpu.memory_space<vmem>>, %arg10: memref<10240x128xf32, #tpu.memory_space<vmem_shared>>, %arg11: memref<!tpu.dma_semaphore, #tpu.memory_space<semaphore_mem>>) attributes {dimension_semantics = [#tpu.dimension_semantics<core_parallel>, #tpu.dimension_semantics<subcore_parallel>], iteration_bounds = array<i64: 2, 16>, scalar_prefetch = 0 : i64, scratch_operands = 5 : i64, tpu.core_type = #tpu.core_type<sc_vector_subcore>, window_params = [{transform_indices = #map}, {transform_indices = #map1}, {transform_indices = #map1}, {transform_indices = #map}, {transform_indices = #map2}]} {
    %mul3A = arith.constant 2 : i32
    %mul3A_0 = arith.muli %arg1, %mul3A : i32
    %add3A = arith.addi %mul3A_0, %arg0 : i32
    %jit3A = arith.constant 4 : i32
    %eq3A = arith.constant 0 : i32
    %eq3A_1 = arith.cmpi eq, %jit3A, %eq3A : i32
    %jit3A_2 = arith.constant 1 : i32
    %select_n3A = arith.select %eq3A_1, %jit3A_2, %jit3A : i32
    %rem3A = arith.remsi %arg1, %select_n3A : i32
    %ne3A = arith.constant 0 : i32
    %ne3A_3 = arith.cmpi ne, %rem3A, %ne3A : i32
    %lt3A = arith.constant 0 : i32
    %lt3A_4 = arith.cmpi slt, %rem3A, %lt3A : i32
    %lt3A_5 = arith.constant 0 : i32
    %lt3A_6 = arith.cmpi slt, %select_n3A, %lt3A_5 : i32
    %ne3A_7 = arith.xori %lt3A_4, %lt3A_6 : i1
    %and3A = arith.andi %ne3A_7, %ne3A_3 : i1
    %add3A_8 = arith.addi %rem3A, %select_n3A : i32
    %select_n3A_9 = arith.select %and3A, %add3A_8, %rem3A : i32
    %eq3A_10 = arith.constant 0 : i32
    %eq3A_11 = arith.cmpi eq, %select_n3A_9, %eq3A_10 : i32
    %convert_element_type3A = arith.extui %eq3A_11 : i1 to i32
    %cond3A = arith.constant 0 : i32
    %cond3A_12 = arith.cmpi ne, %convert_element_type3A, %cond3A : i32
    scf.if %cond3A_12 {
      %jit3A_25 = arith.constant 4 : i32
      %div3A = arith.divsi %arg1, %jit3A_25 : i32
      %sign3A = arith.constant 0 : i32
      %sign3A_26 = arith.cmpi sgt, %arg1, %sign3A : i32
      %sign3A_27 = arith.extui %sign3A_26 : i1 to i32
      %sign3A_28 = arith.constant 0 : i32
      %sign3A_29 = arith.cmpi slt, %arg1, %sign3A_28 : i32
      %sign3A_30 = arith.extui %sign3A_29 : i1 to i32
      %sign3A_31 = arith.subi %sign3A_27, %sign3A_30 : i32
      %sign3A_32 = arith.constant 0 : i32
      %sign3A_33 = arith.cmpi sgt, %jit3A_25, %sign3A_32 : i32
      %sign3A_34 = arith.extui %sign3A_33 : i1 to i32
      %sign3A_35 = arith.constant 0 : i32
      %sign3A_36 = arith.cmpi slt, %jit3A_25, %sign3A_35 : i32
      %sign3A_37 = arith.extui %sign3A_36 : i1 to i32
      %sign3A_38 = arith.subi %sign3A_34, %sign3A_37 : i32
      %ne3A_39 = arith.cmpi ne, %sign3A_31, %sign3A_38 : i32
      %rem3A_40 = arith.remsi %arg1, %jit3A_25 : i32
      %ne3A_41 = arith.constant 0 : i32
      %ne3A_42 = arith.cmpi ne, %rem3A_40, %ne3A_41 : i32
      %and3A_43 = arith.andi %ne3A_39, %ne3A_42 : i1
      %sub3A = arith.constant 1 : i32
      %sub3A_44 = arith.subi %div3A, %sub3A : i32
      %select_n3A_45 = arith.select %and3A_43, %sub3A_44, %div3A : i32
      %mul3A_46 = arith.constant 2560 : i32
      %mul3A_47 = arith.muli %select_n3A_45, %mul3A_46 : i32
      "tpu.region"() ({
        %run_scoped3A = tpu.sem_alloc : memref<!tpu.dma_semaphore, #tpu.memory_space<semaphore_mem>>
        %dma_start3A = arith.constant 0 : i32
        %dma_start3A_48 = tpu.memref_slice %arg10[%mul3A_47, %dma_start3A] : memref<10240x128xf32, #tpu.memory_space<vmem_shared>> -> memref<2560x128xf32, #tpu.memory_space<vmem_shared>>
        %dma_start3A_49 = arith.constant 0 : i32
        %dma_start3A_50 = tpu.memref_slice %arg5[%mul3A_47, %dma_start3A_49] : memref<10240x128xf32, #tpu.memory_space<hbm>> -> memref<2560x128xf32, #tpu.memory_space<hbm>>
        tpu.enqueue_dma source(%dma_start3A_50 : memref<2560x128xf32, #tpu.memory_space<hbm>>) target(%dma_start3A_48 : memref<2560x128xf32, #tpu.memory_space<vmem_shared>>) target_semaphore(%run_scoped3A : memref<!tpu.dma_semaphore, #tpu.memory_space<semaphore_mem>>)
        %dma_wait3A = arith.constant 0 : i32
        %dma_wait3A_51 = tpu.memref_slice %arg10[%mul3A_47, %dma_wait3A] : memref<10240x128xf32, #tpu.memory_space<vmem_shared>> -> memref<2560x128xf32, #tpu.memory_space<vmem_shared>>
        %dma_wait3A_52 = arith.constant 0 : i32
        %dma_wait3A_53 = tpu.memref_slice %arg5[%mul3A_47, %dma_wait3A_52] : memref<10240x128xf32, #tpu.memory_space<hbm>> -> memref<2560x128xf32, #tpu.memory_space<hbm>>
        tpu.wait_dma2 semaphore(%run_scoped3A : memref<!tpu.dma_semaphore, #tpu.memory_space<semaphore_mem>>) src(%dma_wait3A_53 : memref<2560x128xf32, #tpu.memory_space<hbm>>) dst(%dma_wait3A_51 : memref<2560x128xf32, #tpu.memory_space<vmem_shared>>)
        tpu.yield
      }) : () -> ()
    } else {
    }
    %barrier3A = arith.constant 0 : index
    tpu.barrier barrier_id(%barrier3A)
    %mul3A_13 = arith.constant 10112 : i32
    %mul3A_14 = arith.muli %add3A, %mul3A_13 : i32
    %scan3A = arith.constant 0 : i32
    %scan3A_15 = arith.constant 0 : i32
    %scan3A_16 = arith.constant 79 : i32
    %scan3A_17 = arith.addi %scan3A_15, %scan3A_16 : i32
    %scan3A_18 = arith.constant 1 : i32
    scf.for %scan3A_25 = %scan3A_15 to %scan3A_17 step %scan3A_18  : i32 {
      %mul3A_26 = arith.constant 128 : i32
      %mul3A_27 = arith.muli %scan3A_25, %mul3A_26 : i32
      %add3A_28 = arith.addi %mul3A_14, %mul3A_27 : i32
      "tpu.region"() ({
        %run_scoped3A = tpu.sem_alloc : memref<!tpu.dma_semaphore, #tpu.memory_space<semaphore_mem>>
        %dma_start3A_33 = tpu.memref_slice %arg3[%add3A_28] : memref<323584xi32, #tpu.memory_space<hbm>> -> memref<128xi32, #tpu.memory_space<hbm>>
        %dma_start3A_34 = tpu.memref_slice %arg3[%add3A_28] : memref<323584xi32, #tpu.memory_space<hbm>> -> memref<128xi32, #tpu.memory_space<hbm>>
        tpu.enqueue_dma source(%dma_start3A_34 : memref<128xi32, #tpu.memory_space<hbm>>) target(%arg7 : memref<128xi32, #tpu.memory_space<vmem>>) target_semaphore(%run_scoped3A : memref<!tpu.dma_semaphore, #tpu.memory_space<semaphore_mem>>)
        %dma_wait3A_35 = tpu.memref_slice %arg3[%add3A_28] : memref<323584xi32, #tpu.memory_space<hbm>> -> memref<128xi32, #tpu.memory_space<hbm>>
        %dma_wait3A_36 = tpu.memref_slice %arg3[%add3A_28] : memref<323584xi32, #tpu.memory_space<hbm>> -> memref<128xi32, #tpu.memory_space<hbm>>
        tpu.wait_dma2 semaphore(%run_scoped3A : memref<!tpu.dma_semaphore, #tpu.memory_space<semaphore_mem>>) src(%dma_wait3A_36 : memref<128xi32, #tpu.memory_space<hbm>>) dst(%arg7 : memref<128xi32, #tpu.memory_space<vmem>>)
        tpu.yield
      }) : () -> ()
      "tpu.region"() ({
        %run_scoped3A = tpu.sem_alloc : memref<!tpu.dma_semaphore, #tpu.memory_space<semaphore_mem>>
        %dma_start3A_33 = tpu.memref_slice %arg4[%add3A_28] : memref<323584xi32, #tpu.memory_space<hbm>> -> memref<128xi32, #tpu.memory_space<hbm>>
        %dma_start3A_34 = tpu.memref_slice %arg4[%add3A_28] : memref<323584xi32, #tpu.memory_space<hbm>> -> memref<128xi32, #tpu.memory_space<hbm>>
        tpu.enqueue_dma source(%dma_start3A_34 : memref<128xi32, #tpu.memory_space<hbm>>) target(%arg8 : memref<128xi32, #tpu.memory_space<vmem>>) target_semaphore(%run_scoped3A : memref<!tpu.dma_semaphore, #tpu.memory_space<semaphore_mem>>)
        %dma_wait3A_35 = tpu.memref_slice %arg4[%add3A_28] : memref<323584xi32, #tpu.memory_space<hbm>> -> memref<128xi32, #tpu.memory_space<hbm>>
        %dma_wait3A_36 = tpu.memref_slice %arg4[%add3A_28] : memref<323584xi32, #tpu.memory_space<hbm>> -> memref<128xi32, #tpu.memory_space<hbm>>
        tpu.wait_dma2 semaphore(%run_scoped3A : memref<!tpu.dma_semaphore, #tpu.memory_space<semaphore_mem>>) src(%dma_wait3A_36 : memref<128xi32, #tpu.memory_space<hbm>>) dst(%arg8 : memref<128xi32, #tpu.memory_space<vmem>>)
        tpu.yield
      }) : () -> ()
      %dma_start3A = arith.constant 0 : i32
      %dma_start3A_29 = arith.constant 0 : i32
      %dma_start3A_30 = tpu.memref_slice %arg2[%dma_start3A, %dma_start3A_29] : memref<10000x128xf32, #tpu.memory_space<hbm>> -> memref<10000x128xf32, #tpu.memory_space<hbm>>
      tpu.enqueue_indirect_dma source(%dma_start3A_30 : memref<10000x128xf32, #tpu.memory_space<hbm>>) target(%arg9 : memref<128x128xf32, #tpu.memory_space<vmem>>) offsets(%arg7 : memref<128xi32, #tpu.memory_space<vmem>>) semaphore(%arg11 : memref<!tpu.dma_semaphore, #tpu.memory_space<semaphore_mem>>)
      %dma_wait3A = arith.constant 0 : i32
      %dma_wait3A_31 = arith.constant 0 : i32
      %dma_wait3A_32 = tpu.memref_slice %arg2[%dma_wait3A, %dma_wait3A_31] : memref<10000x128xf32, #tpu.memory_space<hbm>> -> memref<10000x128xf32, #tpu.memory_space<hbm>>
      tpu.wait_indirect_dma semaphore(%arg11 : memref<!tpu.dma_semaphore, #tpu.memory_space<semaphore_mem>>) src(%dma_wait3A_32 : memref<10000x128xf32, #tpu.memory_space<hbm>>) dst(%arg9 : memref<128x128xf32, #tpu.memory_space<vmem>>)
      "tpu.region"() ({
        %run_scoped3A = tpu.sem_alloc : memref<!tpu.dma_semaphore, #tpu.memory_space<semaphore_mem>>
        %dma_start3A_33 = arith.constant 0 : i32
        %dma_start3A_34 = arith.constant 0 : i32
        %dma_start3A_35 = tpu.memref_slice %arg10[%dma_start3A_33, %dma_start3A_34] : memref<10240x128xf32, #tpu.memory_space<vmem_shared>> -> memref<10240x128xf32, #tpu.memory_space<vmem_shared>>
        tpu.enqueue_indirect_dma source(%arg9 : memref<128x128xf32, #tpu.memory_space<vmem>>) target(%dma_start3A_35 : memref<10240x128xf32, #tpu.memory_space<vmem_shared>>) offsets(%arg8 : memref<128xi32, #tpu.memory_space<vmem>>) semaphore(%run_scoped3A : memref<!tpu.dma_semaphore, #tpu.memory_space<semaphore_mem>>) {add = true}
        %dma_wait3A_36 = arith.constant 0 : i32
        %dma_wait3A_37 = arith.constant 0 : i32
        %dma_wait3A_38 = tpu.memref_slice %arg10[%dma_wait3A_36, %dma_wait3A_37] : memref<10240x128xf32, #tpu.memory_space<vmem_shared>> -> memref<10240x128xf32, #tpu.memory_space<vmem_shared>>
        tpu.wait_indirect_dma semaphore(%run_scoped3A : memref<!tpu.dma_semaphore, #tpu.memory_space<semaphore_mem>>) src(%arg9 : memref<128x128xf32, #tpu.memory_space<vmem>>) dst(%dma_wait3A_38 : memref<10240x128xf32, #tpu.memory_space<vmem_shared>>)
        tpu.yield
      }) : () -> ()
    }
    %scan3A_19 = arith.constant 79 : i32
    %barrier3A_20 = arith.constant 0 : index
    tpu.barrier barrier_id(%barrier3A_20)
    %mul3A_21 = arith.constant 640 : i32
    %mul3A_22 = arith.muli %arg1, %mul3A_21 : i32
    %mul3A_23 = arith.constant 640 : i32
    %mul3A_24 = arith.muli %arg1, %mul3A_23 : i32
    "tpu.region"() ({
      %run_scoped3A = tpu.sem_alloc : memref<!tpu.dma_semaphore, #tpu.memory_space<semaphore_mem>>
      %dma_start3A = arith.constant 0 : i32
      %dma_start3A_25 = arith.constant 0 : i32
      %dma_start3A_26 = tpu.memref_slice %arg6[%arg0, %dma_start3A, %dma_start3A_25] : memref<2x10240x128xf32, #tpu.memory_space<hbm>> -> memref<1x10240x128xf32, #tpu.memory_space<hbm>>
      %dma_start3A_27 = tpu.memref_squeeze %dma_start3A_26 : memref<1x10240x128xf32, #tpu.memory_space<hbm>> -> memref<10240x128xf32, #tpu.memory_space<hbm>>
      %dma_start3A_28 = arith.constant 0 : i32
      %dma_start3A_29 = tpu.memref_slice %dma_start3A_27[%mul3A_24, %dma_start3A_28] : memref<10240x128xf32, #tpu.memory_space<hbm>> -> memref<640x128xf32, #tpu.memory_space<hbm>>
      %dma_start3A_30 = arith.constant 0 : i32
      %dma_start3A_31 = tpu.memref_slice %arg10[%mul3A_22, %dma_start3A_30] : memref<10240x128xf32, #tpu.memory_space<vmem_shared>> -> memref<640x128xf32, #tpu.memory_space<vmem_shared>>
      tpu.enqueue_dma source(%dma_start3A_31 : memref<640x128xf32, #tpu.memory_space<vmem_shared>>) target(%dma_start3A_29 : memref<640x128xf32, #tpu.memory_space<hbm>>) target_semaphore(%run_scoped3A : memref<!tpu.dma_semaphore, #tpu.memory_space<semaphore_mem>>)
      %dma_wait3A = arith.constant 0 : i32
      %dma_wait3A_32 = arith.constant 0 : i32
      %dma_wait3A_33 = tpu.memref_slice %arg6[%arg0, %dma_wait3A, %dma_wait3A_32] : memref<2x10240x128xf32, #tpu.memory_space<hbm>> -> memref<1x10240x128xf32, #tpu.memory_space<hbm>>
      %dma_wait3A_34 = tpu.memref_squeeze %dma_wait3A_33 : memref<1x10240x128xf32, #tpu.memory_space<hbm>> -> memref<10240x128xf32, #tpu.memory_space<hbm>>
      %dma_wait3A_35 = arith.constant 0 : i32
      %dma_wait3A_36 = tpu.memref_slice %dma_wait3A_34[%mul3A_24, %dma_wait3A_35] : memref<10240x128xf32, #tpu.memory_space<hbm>> -> memref<640x128xf32, #tpu.memory_space<hbm>>
      %dma_wait3A_37 = arith.constant 0 : i32
      %dma_wait3A_38 = tpu.memref_slice %arg10[%mul3A_22, %dma_wait3A_37] : memref<10240x128xf32, #tpu.memory_space<vmem_shared>> -> memref<640x128xf32, #tpu.memory_space<vmem_shared>>
      tpu.wait_dma2 semaphore(%run_scoped3A : memref<!tpu.dma_semaphore, #tpu.memory_space<semaphore_mem>>) src(%dma_wait3A_38 : memref<640x128xf32, #tpu.memory_space<vmem_shared>>) dst(%dma_wait3A_36 : memref<640x128xf32, #tpu.memory_space<hbm>>)
      tpu.yield
    }) : () -> ()
    return
  }
}

#map = affine_map<(d0, d1) -> (0, 0)>
#map1 = affine_map<(d0, d1) -> (0)>
#map2 = affine_map<(d0, d1) -> (0, 0, 0)>
module attributes {stable_mosaic.version = 14 : i64} {
  func.func @_sc_agg(%arg0: i32, %arg1: i32, %arg2: memref<10000x128xf32, #tpu.memory_space<hbm>>, %arg3: memref<323584xi32, #tpu.memory_space<hbm>>, %arg4: memref<323584xi32, #tpu.memory_space<hbm>>, %arg5: memref<10240x128xf32, #tpu.memory_space<hbm>>, %arg6: memref<2x10240x128xf32, #tpu.memory_space<hbm>>, %arg7: memref<128xi32, #tpu.memory_space<vmem>>, %arg8: memref<128xi32, #tpu.memory_space<vmem>>, %arg9: memref<128x128xf32, #tpu.memory_space<vmem>>, %arg10: memref<10240x128xf32, #tpu.memory_space<vmem_shared>>, %arg11: memref<!tpu.dma_semaphore, #tpu.memory_space<semaphore_mem>>) attributes {dimension_semantics = [#tpu.dimension_semantics<core_parallel>, #tpu.dimension_semantics<subcore_parallel>], iteration_bounds = array<i64: 2, 16>, scalar_prefetch = 0 : i64, scratch_operands = 5 : i64, tpu.core_type = #tpu.core_type<sc_vector_subcore>, window_params = [{transform_indices = #map}, {transform_indices = #map1}, {transform_indices = #map1}, {transform_indices = #map}, {transform_indices = #map2}]} {
    %mul3A = arith.constant 2 : i32
    %mul3A_0 = arith.muli %arg1, %mul3A : i32
    %add3A = arith.addi %mul3A_0, %arg0 : i32
    %jit3A = arith.constant 4 : i32
    %eq3A = arith.constant 0 : i32
    %eq3A_1 = arith.cmpi eq, %jit3A, %eq3A : i32
    %jit3A_2 = arith.constant 1 : i32
    %select_n3A = arith.select %eq3A_1, %jit3A_2, %jit3A : i32
    %rem3A = arith.remsi %arg1, %select_n3A : i32
    %ne3A = arith.constant 0 : i32
    %ne3A_3 = arith.cmpi ne, %rem3A, %ne3A : i32
    %lt3A = arith.constant 0 : i32
    %lt3A_4 = arith.cmpi slt, %rem3A, %lt3A : i32
    %lt3A_5 = arith.constant 0 : i32
    %lt3A_6 = arith.cmpi slt, %select_n3A, %lt3A_5 : i32
    %ne3A_7 = arith.xori %lt3A_4, %lt3A_6 : i1
    %and3A = arith.andi %ne3A_7, %ne3A_3 : i1
    %add3A_8 = arith.addi %rem3A, %select_n3A : i32
    %select_n3A_9 = arith.select %and3A, %add3A_8, %rem3A : i32
    %eq3A_10 = arith.constant 0 : i32
    %eq3A_11 = arith.cmpi eq, %select_n3A_9, %eq3A_10 : i32
    %convert_element_type3A = arith.extui %eq3A_11 : i1 to i32
    %cond3A = arith.constant 0 : i32
    %cond3A_12 = arith.cmpi ne, %convert_element_type3A, %cond3A : i32
    scf.if %cond3A_12 {
      %jit3A_25 = arith.constant 4 : i32
      %div3A = arith.divsi %arg1, %jit3A_25 : i32
      %sign3A = arith.constant 0 : i32
      %sign3A_26 = arith.cmpi sgt, %arg1, %sign3A : i32
      %sign3A_27 = arith.extui %sign3A_26 : i1 to i32
      %sign3A_28 = arith.constant 0 : i32
      %sign3A_29 = arith.cmpi slt, %arg1, %sign3A_28 : i32
      %sign3A_30 = arith.extui %sign3A_29 : i1 to i32
      %sign3A_31 = arith.subi %sign3A_27, %sign3A_30 : i32
      %sign3A_32 = arith.constant 0 : i32
      %sign3A_33 = arith.cmpi sgt, %jit3A_25, %sign3A_32 : i32
      %sign3A_34 = arith.extui %sign3A_33 : i1 to i32
      %sign3A_35 = arith.constant 0 : i32
      %sign3A_36 = arith.cmpi slt, %jit3A_25, %sign3A_35 : i32
      %sign3A_37 = arith.extui %sign3A_36 : i1 to i32
      %sign3A_38 = arith.subi %sign3A_34, %sign3A_37 : i32
      %ne3A_39 = arith.cmpi ne, %sign3A_31, %sign3A_38 : i32
      %rem3A_40 = arith.remsi %arg1, %jit3A_25 : i32
      %ne3A_41 = arith.constant 0 : i32
      %ne3A_42 = arith.cmpi ne, %rem3A_40, %ne3A_41 : i32
      %and3A_43 = arith.andi %ne3A_39, %ne3A_42 : i1
      %sub3A = arith.constant 1 : i32
      %sub3A_44 = arith.subi %div3A, %sub3A : i32
      %select_n3A_45 = arith.select %and3A_43, %sub3A_44, %div3A : i32
      %mul3A_46 = arith.constant 2560 : i32
      %mul3A_47 = arith.muli %select_n3A_45, %mul3A_46 : i32
      "tpu.region"() ({
        %run_scoped3A = tpu.sem_alloc : memref<!tpu.dma_semaphore, #tpu.memory_space<semaphore_mem>>
        %dma_start3A = arith.constant 0 : i32
        %dma_start3A_48 = tpu.memref_slice %arg10[%mul3A_47, %dma_start3A] : memref<10240x128xf32, #tpu.memory_space<vmem_shared>> -> memref<2560x128xf32, #tpu.memory_space<vmem_shared>>
        %dma_start3A_49 = arith.constant 0 : i32
        %dma_start3A_50 = tpu.memref_slice %arg5[%mul3A_47, %dma_start3A_49] : memref<10240x128xf32, #tpu.memory_space<hbm>> -> memref<2560x128xf32, #tpu.memory_space<hbm>>
        tpu.enqueue_dma source(%dma_start3A_50 : memref<2560x128xf32, #tpu.memory_space<hbm>>) target(%dma_start3A_48 : memref<2560x128xf32, #tpu.memory_space<vmem_shared>>) target_semaphore(%run_scoped3A : memref<!tpu.dma_semaphore, #tpu.memory_space<semaphore_mem>>)
        %dma_wait3A = arith.constant 0 : i32
        %dma_wait3A_51 = tpu.memref_slice %arg10[%mul3A_47, %dma_wait3A] : memref<10240x128xf32, #tpu.memory_space<vmem_shared>> -> memref<2560x128xf32, #tpu.memory_space<vmem_shared>>
        %dma_wait3A_52 = arith.constant 0 : i32
        %dma_wait3A_53 = tpu.memref_slice %arg5[%mul3A_47, %dma_wait3A_52] : memref<10240x128xf32, #tpu.memory_space<hbm>> -> memref<2560x128xf32, #tpu.memory_space<hbm>>
        tpu.wait_dma2 semaphore(%run_scoped3A : memref<!tpu.dma_semaphore, #tpu.memory_space<semaphore_mem>>) src(%dma_wait3A_53 : memref<2560x128xf32, #tpu.memory_space<hbm>>) dst(%dma_wait3A_51 : memref<2560x128xf32, #tpu.memory_space<vmem_shared>>)
        tpu.yield
      }) : () -> ()
    } else {
    }
    %barrier3A = arith.constant 0 : index
    tpu.barrier barrier_id(%barrier3A)
    %mul3A_13 = arith.constant 10112 : i32
    %mul3A_14 = arith.muli %add3A, %mul3A_13 : i32
    %scan3A = arith.constant 0 : i32
    %scan3A_15 = arith.constant 0 : i32
    %scan3A_16 = arith.constant 79 : i32
    %scan3A_17 = arith.addi %scan3A_15, %scan3A_16 : i32
    %scan3A_18 = arith.constant 1 : i32
    scf.for %scan3A_25 = %scan3A_15 to %scan3A_17 step %scan3A_18  : i32 {
      %mul3A_26 = arith.constant 128 : i32
      %mul3A_27 = arith.muli %scan3A_25, %mul3A_26 : i32
      %add3A_28 = arith.addi %mul3A_14, %mul3A_27 : i32
      "tpu.region"() ({
        %run_scoped3A = tpu.sem_alloc : memref<!tpu.dma_semaphore, #tpu.memory_space<semaphore_mem>>
        %dma_start3A_33 = tpu.memref_slice %arg3[%add3A_28] : memref<323584xi32, #tpu.memory_space<hbm>> -> memref<128xi32, #tpu.memory_space<hbm>>
        %dma_start3A_34 = tpu.memref_slice %arg3[%add3A_28] : memref<323584xi32, #tpu.memory_space<hbm>> -> memref<128xi32, #tpu.memory_space<hbm>>
        tpu.enqueue_dma source(%dma_start3A_34 : memref<128xi32, #tpu.memory_space<hbm>>) target(%arg7 : memref<128xi32, #tpu.memory_space<vmem>>) target_semaphore(%run_scoped3A : memref<!tpu.dma_semaphore, #tpu.memory_space<semaphore_mem>>)
        %dma_wait3A_35 = tpu.memref_slice %arg3[%add3A_28] : memref<323584xi32, #tpu.memory_space<hbm>> -> memref<128xi32, #tpu.memory_space<hbm>>
        %dma_wait3A_36 = tpu.memref_slice %arg3[%add3A_28] : memref<323584xi32, #tpu.memory_space<hbm>> -> memref<128xi32, #tpu.memory_space<hbm>>
        tpu.wait_dma2 semaphore(%run_scoped3A : memref<!tpu.dma_semaphore, #tpu.memory_space<semaphore_mem>>) src(%dma_wait3A_36 : memref<128xi32, #tpu.memory_space<hbm>>) dst(%arg7 : memref<128xi32, #tpu.memory_space<vmem>>)
        tpu.yield
      }) : () -> ()
      "tpu.region"() ({
        %run_scoped3A = tpu.sem_alloc : memref<!tpu.dma_semaphore, #tpu.memory_space<semaphore_mem>>
        %dma_start3A_33 = tpu.memref_slice %arg4[%add3A_28] : memref<323584xi32, #tpu.memory_space<hbm>> -> memref<128xi32, #tpu.memory_space<hbm>>
        %dma_start3A_34 = tpu.memref_slice %arg4[%add3A_28] : memref<323584xi32, #tpu.memory_space<hbm>> -> memref<128xi32, #tpu.memory_space<hbm>>
        tpu.enqueue_dma source(%dma_start3A_34 : memref<128xi32, #tpu.memory_space<hbm>>) target(%arg8 : memref<128xi32, #tpu.memory_space<vmem>>) target_semaphore(%run_scoped3A : memref<!tpu.dma_semaphore, #tpu.memory_space<semaphore_mem>>)
        %dma_wait3A_35 = tpu.memref_slice %arg4[%add3A_28] : memref<323584xi32, #tpu.memory_space<hbm>> -> memref<128xi32, #tpu.memory_space<hbm>>
        %dma_wait3A_36 = tpu.memref_slice %arg4[%add3A_28] : memref<323584xi32, #tpu.memory_space<hbm>> -> memref<128xi32, #tpu.memory_space<hbm>>
        tpu.wait_dma2 semaphore(%run_scoped3A : memref<!tpu.dma_semaphore, #tpu.memory_space<semaphore_mem>>) src(%dma_wait3A_36 : memref<128xi32, #tpu.memory_space<hbm>>) dst(%arg8 : memref<128xi32, #tpu.memory_space<vmem>>)
        tpu.yield
      }) : () -> ()
      %dma_start3A = arith.constant 0 : i32
      %dma_start3A_29 = arith.constant 0 : i32
      %dma_start3A_30 = tpu.memref_slice %arg2[%dma_start3A, %dma_start3A_29] : memref<10000x128xf32, #tpu.memory_space<hbm>> -> memref<10000x128xf32, #tpu.memory_space<hbm>>
      tpu.enqueue_indirect_dma source(%dma_start3A_30 : memref<10000x128xf32, #tpu.memory_space<hbm>>) target(%arg9 : memref<128x128xf32, #tpu.memory_space<vmem>>) offsets(%arg7 : memref<128xi32, #tpu.memory_space<vmem>>) semaphore(%arg11 : memref<!tpu.dma_semaphore, #tpu.memory_space<semaphore_mem>>)
      %dma_wait3A = arith.constant 0 : i32
      %dma_wait3A_31 = arith.constant 0 : i32
      %dma_wait3A_32 = tpu.memref_slice %arg2[%dma_wait3A, %dma_wait3A_31] : memref<10000x128xf32, #tpu.memory_space<hbm>> -> memref<10000x128xf32, #tpu.memory_space<hbm>>
      tpu.wait_indirect_dma semaphore(%arg11 : memref<!tpu.dma_semaphore, #tpu.memory_space<semaphore_mem>>) src(%dma_wait3A_32 : memref<10000x128xf32, #tpu.memory_space<hbm>>) dst(%arg9 : memref<128x128xf32, #tpu.memory_space<vmem>>)
      "tpu.region"() ({
        %run_scoped3A = tpu.sem_alloc : memref<!tpu.dma_semaphore, #tpu.memory_space<semaphore_mem>>
        %dma_start3A_33 = arith.constant 0 : i32
        %dma_start3A_34 = arith.constant 0 : i32
        %dma_start3A_35 = tpu.memref_slice %arg10[%dma_start3A_33, %dma_start3A_34] : memref<10240x128xf32, #tpu.memory_space<vmem_shared>> -> memref<10240x128xf32, #tpu.memory_space<vmem_shared>>
        tpu.enqueue_indirect_dma source(%arg9 : memref<128x128xf32, #tpu.memory_space<vmem>>) target(%dma_start3A_35 : memref<10240x128xf32, #tpu.memory_space<vmem_shared>>) offsets(%arg8 : memref<128xi32, #tpu.memory_space<vmem>>) semaphore(%run_scoped3A : memref<!tpu.dma_semaphore, #tpu.memory_space<semaphore_mem>>) {add = true}
        %dma_wait3A_36 = arith.constant 0 : i32
        %dma_wait3A_37 = arith.constant 0 : i32
        %dma_wait3A_38 = tpu.memref_slice %arg10[%dma_wait3A_36, %dma_wait3A_37] : memref<10240x128xf32, #tpu.memory_space<vmem_shared>> -> memref<10240x128xf32, #tpu.memory_space<vmem_shared>>
        tpu.wait_indirect_dma semaphore(%run_scoped3A : memref<!tpu.dma_semaphore, #tpu.memory_space<semaphore_mem>>) src(%arg9 : memref<128x128xf32, #tpu.memory_space<vmem>>) dst(%dma_wait3A_38 : memref<10240x128xf32, #tpu.memory_space<vmem_shared>>)
        tpu.yield
      }) : () -> ()
    }
    %scan3A_19 = arith.constant 79 : i32
    %barrier3A_20 = arith.constant 0 : index
    tpu.barrier barrier_id(%barrier3A_20)
    %mul3A_21 = arith.constant 640 : i32
    %mul3A_22 = arith.muli %arg1, %mul3A_21 : i32
    %mul3A_23 = arith.constant 640 : i32
    %mul3A_24 = arith.muli %arg1, %mul3A_23 : i32
    "tpu.region"() ({
      %run_scoped3A = tpu.sem_alloc : memref<!tpu.dma_semaphore, #tpu.memory_space<semaphore_mem>>
      %dma_start3A = arith.constant 0 : i32
      %dma_start3A_25 = arith.constant 0 : i32
      %dma_start3A_26 = tpu.memref_slice %arg6[%arg0, %dma_start3A, %dma_start3A_25] : memref<2x10240x128xf32, #tpu.memory_space<hbm>> -> memref<1x10240x128xf32, #tpu.memory_space<hbm>>
      %dma_start3A_27 = tpu.memref_squeeze %dma_start3A_26 : memref<1x10240x128xf32, #tpu.memory_space<hbm>> -> memref<10240x128xf32, #tpu.memory_space<hbm>>
      %dma_start3A_28 = arith.constant 0 : i32
      %dma_start3A_29 = tpu.memref_slice %dma_start3A_27[%mul3A_24, %dma_start3A_28] : memref<10240x128xf32, #tpu.memory_space<hbm>> -> memref<640x128xf32, #tpu.memory_space<hbm>>
      %dma_start3A_30 = arith.constant 0 : i32
      %dma_start3A_31 = tpu.memref_slice %arg10[%mul3A_22, %dma_start3A_30] : memref<10240x128xf32, #tpu.memory_space<vmem_shared>> -> memref<640x128xf32, #tpu.memory_space<vmem_shared>>
      tpu.enqueue_dma source(%dma_start3A_31 : memref<640x128xf32, #tpu.memory_space<vmem_shared>>) target(%dma_start3A_29 : memref<640x128xf32, #tpu.memory_space<hbm>>) target_semaphore(%run_scoped3A : memref<!tpu.dma_semaphore, #tpu.memory_space<semaphore_mem>>)
      %dma_wait3A = arith.constant 0 : i32
      %dma_wait3A_32 = arith.constant 0 : i32
      %dma_wait3A_33 = tpu.memref_slice %arg6[%arg0, %dma_wait3A, %dma_wait3A_32] : memref<2x10240x128xf32, #tpu.memory_space<hbm>> -> memref<1x10240x128xf32, #tpu.memory_space<hbm>>
      %dma_wait3A_34 = tpu.memref_squeeze %dma_wait3A_33 : memref<1x10240x128xf32, #tpu.memory_space<hbm>> -> memref<10240x128xf32, #tpu.memory_space<hbm>>
      %dma_wait3A_35 = arith.constant 0 : i32
      %dma_wait3A_36 = tpu.memref_slice %dma_wait3A_34[%mul3A_24, %dma_wait3A_35] : memref<10240x128xf32, #tpu.memory_space<hbm>> -> memref<640x128xf32, #tpu.memory_space<hbm>>
      %dma_wait3A_37 = arith.constant 0 : i32
      %dma_wait3A_38 = tpu.memref_slice %arg10[%mul3A_22, %dma_wait3A_37] : memref<10240x128xf32, #tpu.memory_space<vmem_shared>> -> memref<640x128xf32, #tpu.memory_space<vmem_shared>>
      tpu.wait_dma2 semaphore(%run_scoped3A : memref<!tpu.dma_semaphore, #tpu.memory_space<semaphore_mem>>) src(%dma_wait3A_38 : memref<640x128xf32, #tpu.memory_space<vmem_shared>>) dst(%dma_wait3A_36 : memref<640x128xf32, #tpu.memory_space<hbm>>)
      tpu.yield
    }) : () -> ()
    return
  }
}

#map = affine_map<(d0, d1) -> (0, 0)>
#map1 = affine_map<(d0, d1) -> (0)>
#map2 = affine_map<(d0, d1) -> (0, 0, 0)>
module attributes {stable_mosaic.version = 14 : i64} {
  func.func @_sc_agg(%arg0: i32, %arg1: i32, %arg2: memref<10000x128xf32, #tpu.memory_space<hbm>>, %arg3: memref<323584xi32, #tpu.memory_space<hbm>>, %arg4: memref<323584xi32, #tpu.memory_space<hbm>>, %arg5: memref<10240x128xf32, #tpu.memory_space<hbm>>, %arg6: memref<2x10240x128xf32, #tpu.memory_space<hbm>>, %arg7: memref<128xi32, #tpu.memory_space<vmem>>, %arg8: memref<128xi32, #tpu.memory_space<vmem>>, %arg9: memref<128x128xf32, #tpu.memory_space<vmem>>, %arg10: memref<10240x128xf32, #tpu.memory_space<vmem_shared>>, %arg11: memref<!tpu.dma_semaphore, #tpu.memory_space<semaphore_mem>>) attributes {dimension_semantics = [#tpu.dimension_semantics<core_parallel>, #tpu.dimension_semantics<subcore_parallel>], iteration_bounds = array<i64: 2, 16>, scalar_prefetch = 0 : i64, scratch_operands = 5 : i64, tpu.core_type = #tpu.core_type<sc_vector_subcore>, window_params = [{transform_indices = #map}, {transform_indices = #map1}, {transform_indices = #map1}, {transform_indices = #map}, {transform_indices = #map2}]} {
    %mul3A = arith.constant 2 : i32
    %mul3A_0 = arith.muli %arg1, %mul3A : i32
    %add3A = arith.addi %mul3A_0, %arg0 : i32
    %jit3A = arith.constant 4 : i32
    %eq3A = arith.constant 0 : i32
    %eq3A_1 = arith.cmpi eq, %jit3A, %eq3A : i32
    %jit3A_2 = arith.constant 1 : i32
    %select_n3A = arith.select %eq3A_1, %jit3A_2, %jit3A : i32
    %rem3A = arith.remsi %arg1, %select_n3A : i32
    %ne3A = arith.constant 0 : i32
    %ne3A_3 = arith.cmpi ne, %rem3A, %ne3A : i32
    %lt3A = arith.constant 0 : i32
    %lt3A_4 = arith.cmpi slt, %rem3A, %lt3A : i32
    %lt3A_5 = arith.constant 0 : i32
    %lt3A_6 = arith.cmpi slt, %select_n3A, %lt3A_5 : i32
    %ne3A_7 = arith.xori %lt3A_4, %lt3A_6 : i1
    %and3A = arith.andi %ne3A_7, %ne3A_3 : i1
    %add3A_8 = arith.addi %rem3A, %select_n3A : i32
    %select_n3A_9 = arith.select %and3A, %add3A_8, %rem3A : i32
    %eq3A_10 = arith.constant 0 : i32
    %eq3A_11 = arith.cmpi eq, %select_n3A_9, %eq3A_10 : i32
    %convert_element_type3A = arith.extui %eq3A_11 : i1 to i32
    %cond3A = arith.constant 0 : i32
    %cond3A_12 = arith.cmpi ne, %convert_element_type3A, %cond3A : i32
    scf.if %cond3A_12 {
      %jit3A_25 = arith.constant 4 : i32
      %div3A = arith.divsi %arg1, %jit3A_25 : i32
      %sign3A = arith.constant 0 : i32
      %sign3A_26 = arith.cmpi sgt, %arg1, %sign3A : i32
      %sign3A_27 = arith.extui %sign3A_26 : i1 to i32
      %sign3A_28 = arith.constant 0 : i32
      %sign3A_29 = arith.cmpi slt, %arg1, %sign3A_28 : i32
      %sign3A_30 = arith.extui %sign3A_29 : i1 to i32
      %sign3A_31 = arith.subi %sign3A_27, %sign3A_30 : i32
      %sign3A_32 = arith.constant 0 : i32
      %sign3A_33 = arith.cmpi sgt, %jit3A_25, %sign3A_32 : i32
      %sign3A_34 = arith.extui %sign3A_33 : i1 to i32
      %sign3A_35 = arith.constant 0 : i32
      %sign3A_36 = arith.cmpi slt, %jit3A_25, %sign3A_35 : i32
      %sign3A_37 = arith.extui %sign3A_36 : i1 to i32
      %sign3A_38 = arith.subi %sign3A_34, %sign3A_37 : i32
      %ne3A_39 = arith.cmpi ne, %sign3A_31, %sign3A_38 : i32
      %rem3A_40 = arith.remsi %arg1, %jit3A_25 : i32
      %ne3A_41 = arith.constant 0 : i32
      %ne3A_42 = arith.cmpi ne, %rem3A_40, %ne3A_41 : i32
      %and3A_43 = arith.andi %ne3A_39, %ne3A_42 : i1
      %sub3A = arith.constant 1 : i32
      %sub3A_44 = arith.subi %div3A, %sub3A : i32
      %select_n3A_45 = arith.select %and3A_43, %sub3A_44, %div3A : i32
      %mul3A_46 = arith.constant 2560 : i32
      %mul3A_47 = arith.muli %select_n3A_45, %mul3A_46 : i32
      "tpu.region"() ({
        %run_scoped3A = tpu.sem_alloc : memref<!tpu.dma_semaphore, #tpu.memory_space<semaphore_mem>>
        %dma_start3A = arith.constant 0 : i32
        %dma_start3A_48 = tpu.memref_slice %arg10[%mul3A_47, %dma_start3A] : memref<10240x128xf32, #tpu.memory_space<vmem_shared>> -> memref<2560x128xf32, #tpu.memory_space<vmem_shared>>
        %dma_start3A_49 = arith.constant 0 : i32
        %dma_start3A_50 = tpu.memref_slice %arg5[%mul3A_47, %dma_start3A_49] : memref<10240x128xf32, #tpu.memory_space<hbm>> -> memref<2560x128xf32, #tpu.memory_space<hbm>>
        tpu.enqueue_dma source(%dma_start3A_50 : memref<2560x128xf32, #tpu.memory_space<hbm>>) target(%dma_start3A_48 : memref<2560x128xf32, #tpu.memory_space<vmem_shared>>) target_semaphore(%run_scoped3A : memref<!tpu.dma_semaphore, #tpu.memory_space<semaphore_mem>>)
        %dma_wait3A = arith.constant 0 : i32
        %dma_wait3A_51 = tpu.memref_slice %arg10[%mul3A_47, %dma_wait3A] : memref<10240x128xf32, #tpu.memory_space<vmem_shared>> -> memref<2560x128xf32, #tpu.memory_space<vmem_shared>>
        %dma_wait3A_52 = arith.constant 0 : i32
        %dma_wait3A_53 = tpu.memref_slice %arg5[%mul3A_47, %dma_wait3A_52] : memref<10240x128xf32, #tpu.memory_space<hbm>> -> memref<2560x128xf32, #tpu.memory_space<hbm>>
        tpu.wait_dma2 semaphore(%run_scoped3A : memref<!tpu.dma_semaphore, #tpu.memory_space<semaphore_mem>>) src(%dma_wait3A_53 : memref<2560x128xf32, #tpu.memory_space<hbm>>) dst(%dma_wait3A_51 : memref<2560x128xf32, #tpu.memory_space<vmem_shared>>)
        tpu.yield
      }) : () -> ()
    } else {
    }
    %barrier3A = arith.constant 0 : index
    tpu.barrier barrier_id(%barrier3A)
    %mul3A_13 = arith.constant 10112 : i32
    %mul3A_14 = arith.muli %add3A, %mul3A_13 : i32
    %scan3A = arith.constant 0 : i32
    %scan3A_15 = arith.constant 0 : i32
    %scan3A_16 = arith.constant 79 : i32
    %scan3A_17 = arith.addi %scan3A_15, %scan3A_16 : i32
    %scan3A_18 = arith.constant 1 : i32
    scf.for %scan3A_25 = %scan3A_15 to %scan3A_17 step %scan3A_18  : i32 {
      %mul3A_26 = arith.constant 128 : i32
      %mul3A_27 = arith.muli %scan3A_25, %mul3A_26 : i32
      %add3A_28 = arith.addi %mul3A_14, %mul3A_27 : i32
      "tpu.region"() ({
        %run_scoped3A = tpu.sem_alloc : memref<!tpu.dma_semaphore, #tpu.memory_space<semaphore_mem>>
        %dma_start3A_33 = tpu.memref_slice %arg3[%add3A_28] : memref<323584xi32, #tpu.memory_space<hbm>> -> memref<128xi32, #tpu.memory_space<hbm>>
        %dma_start3A_34 = tpu.memref_slice %arg3[%add3A_28] : memref<323584xi32, #tpu.memory_space<hbm>> -> memref<128xi32, #tpu.memory_space<hbm>>
        tpu.enqueue_dma source(%dma_start3A_34 : memref<128xi32, #tpu.memory_space<hbm>>) target(%arg7 : memref<128xi32, #tpu.memory_space<vmem>>) target_semaphore(%run_scoped3A : memref<!tpu.dma_semaphore, #tpu.memory_space<semaphore_mem>>)
        %dma_wait3A_35 = tpu.memref_slice %arg3[%add3A_28] : memref<323584xi32, #tpu.memory_space<hbm>> -> memref<128xi32, #tpu.memory_space<hbm>>
        %dma_wait3A_36 = tpu.memref_slice %arg3[%add3A_28] : memref<323584xi32, #tpu.memory_space<hbm>> -> memref<128xi32, #tpu.memory_space<hbm>>
        tpu.wait_dma2 semaphore(%run_scoped3A : memref<!tpu.dma_semaphore, #tpu.memory_space<semaphore_mem>>) src(%dma_wait3A_36 : memref<128xi32, #tpu.memory_space<hbm>>) dst(%arg7 : memref<128xi32, #tpu.memory_space<vmem>>)
        tpu.yield
      }) : () -> ()
      "tpu.region"() ({
        %run_scoped3A = tpu.sem_alloc : memref<!tpu.dma_semaphore, #tpu.memory_space<semaphore_mem>>
        %dma_start3A_33 = tpu.memref_slice %arg4[%add3A_28] : memref<323584xi32, #tpu.memory_space<hbm>> -> memref<128xi32, #tpu.memory_space<hbm>>
        %dma_start3A_34 = tpu.memref_slice %arg4[%add3A_28] : memref<323584xi32, #tpu.memory_space<hbm>> -> memref<128xi32, #tpu.memory_space<hbm>>
        tpu.enqueue_dma source(%dma_start3A_34 : memref<128xi32, #tpu.memory_space<hbm>>) target(%arg8 : memref<128xi32, #tpu.memory_space<vmem>>) target_semaphore(%run_scoped3A : memref<!tpu.dma_semaphore, #tpu.memory_space<semaphore_mem>>)
        %dma_wait3A_35 = tpu.memref_slice %arg4[%add3A_28] : memref<323584xi32, #tpu.memory_space<hbm>> -> memref<128xi32, #tpu.memory_space<hbm>>
        %dma_wait3A_36 = tpu.memref_slice %arg4[%add3A_28] : memref<323584xi32, #tpu.memory_space<hbm>> -> memref<128xi32, #tpu.memory_space<hbm>>
        tpu.wait_dma2 semaphore(%run_scoped3A : memref<!tpu.dma_semaphore, #tpu.memory_space<semaphore_mem>>) src(%dma_wait3A_36 : memref<128xi32, #tpu.memory_space<hbm>>) dst(%arg8 : memref<128xi32, #tpu.memory_space<vmem>>)
        tpu.yield
      }) : () -> ()
      %dma_start3A = arith.constant 0 : i32
      %dma_start3A_29 = arith.constant 0 : i32
      %dma_start3A_30 = tpu.memref_slice %arg2[%dma_start3A, %dma_start3A_29] : memref<10000x128xf32, #tpu.memory_space<hbm>> -> memref<10000x128xf32, #tpu.memory_space<hbm>>
      tpu.enqueue_indirect_dma source(%dma_start3A_30 : memref<10000x128xf32, #tpu.memory_space<hbm>>) target(%arg9 : memref<128x128xf32, #tpu.memory_space<vmem>>) offsets(%arg7 : memref<128xi32, #tpu.memory_space<vmem>>) semaphore(%arg11 : memref<!tpu.dma_semaphore, #tpu.memory_space<semaphore_mem>>)
      %dma_wait3A = arith.constant 0 : i32
      %dma_wait3A_31 = arith.constant 0 : i32
      %dma_wait3A_32 = tpu.memref_slice %arg2[%dma_wait3A, %dma_wait3A_31] : memref<10000x128xf32, #tpu.memory_space<hbm>> -> memref<10000x128xf32, #tpu.memory_space<hbm>>
      tpu.wait_indirect_dma semaphore(%arg11 : memref<!tpu.dma_semaphore, #tpu.memory_space<semaphore_mem>>) src(%dma_wait3A_32 : memref<10000x128xf32, #tpu.memory_space<hbm>>) dst(%arg9 : memref<128x128xf32, #tpu.memory_space<vmem>>)
      "tpu.region"() ({
        %run_scoped3A = tpu.sem_alloc : memref<!tpu.dma_semaphore, #tpu.memory_space<semaphore_mem>>
        %dma_start3A_33 = arith.constant 0 : i32
        %dma_start3A_34 = arith.constant 0 : i32
        %dma_start3A_35 = tpu.memref_slice %arg10[%dma_start3A_33, %dma_start3A_34] : memref<10240x128xf32, #tpu.memory_space<vmem_shared>> -> memref<10240x128xf32, #tpu.memory_space<vmem_shared>>
        tpu.enqueue_indirect_dma source(%arg9 : memref<128x128xf32, #tpu.memory_space<vmem>>) target(%dma_start3A_35 : memref<10240x128xf32, #tpu.memory_space<vmem_shared>>) offsets(%arg8 : memref<128xi32, #tpu.memory_space<vmem>>) semaphore(%run_scoped3A : memref<!tpu.dma_semaphore, #tpu.memory_space<semaphore_mem>>) {add = true}
        %dma_wait3A_36 = arith.constant 0 : i32
        %dma_wait3A_37 = arith.constant 0 : i32
        %dma_wait3A_38 = tpu.memref_slice %arg10[%dma_wait3A_36, %dma_wait3A_37] : memref<10240x128xf32, #tpu.memory_space<vmem_shared>> -> memref<10240x128xf32, #tpu.memory_space<vmem_shared>>
        tpu.wait_indirect_dma semaphore(%run_scoped3A : memref<!tpu.dma_semaphore, #tpu.memory_space<semaphore_mem>>) src(%arg9 : memref<128x128xf32, #tpu.memory_space<vmem>>) dst(%dma_wait3A_38 : memref<10240x128xf32, #tpu.memory_space<vmem_shared>>)
        tpu.yield
      }) : () -> ()
    }
    %scan3A_19 = arith.constant 79 : i32
    %barrier3A_20 = arith.constant 0 : index
    tpu.barrier barrier_id(%barrier3A_20)
    %mul3A_21 = arith.constant 640 : i32
    %mul3A_22 = arith.muli %arg1, %mul3A_21 : i32
    %mul3A_23 = arith.constant 640 : i32
    %mul3A_24 = arith.muli %arg1, %mul3A_23 : i32
    "tpu.region"() ({
      %run_scoped3A = tpu.sem_alloc : memref<!tpu.dma_semaphore, #tpu.memory_space<semaphore_mem>>
      %dma_start3A = arith.constant 0 : i32
      %dma_start3A_25 = arith.constant 0 : i32
      %dma_start3A_26 = tpu.memref_slice %arg6[%arg0, %dma_start3A, %dma_start3A_25] : memref<2x10240x128xf32, #tpu.memory_space<hbm>> -> memref<1x10240x128xf32, #tpu.memory_space<hbm>>
      %dma_start3A_27 = tpu.memref_squeeze %dma_start3A_26 : memref<1x10240x128xf32, #tpu.memory_space<hbm>> -> memref<10240x128xf32, #tpu.memory_space<hbm>>
      %dma_start3A_28 = arith.constant 0 : i32
      %dma_start3A_29 = tpu.memref_slice %dma_start3A_27[%mul3A_24, %dma_start3A_28] : memref<10240x128xf32, #tpu.memory_space<hbm>> -> memref<640x128xf32, #tpu.memory_space<hbm>>
      %dma_start3A_30 = arith.constant 0 : i32
      %dma_start3A_31 = tpu.memref_slice %arg10[%mul3A_22, %dma_start3A_30] : memref<10240x128xf32, #tpu.memory_space<vmem_shared>> -> memref<640x128xf32, #tpu.memory_space<vmem_shared>>
      tpu.enqueue_dma source(%dma_start3A_31 : memref<640x128xf32, #tpu.memory_space<vmem_shared>>) target(%dma_start3A_29 : memref<640x128xf32, #tpu.memory_space<hbm>>) target_semaphore(%run_scoped3A : memref<!tpu.dma_semaphore, #tpu.memory_space<semaphore_mem>>)
      %dma_wait3A = arith.constant 0 : i32
      %dma_wait3A_32 = arith.constant 0 : i32
      %dma_wait3A_33 = tpu.memref_slice %arg6[%arg0, %dma_wait3A, %dma_wait3A_32] : memref<2x10240x128xf32, #tpu.memory_space<hbm>> -> memref<1x10240x128xf32, #tpu.memory_space<hbm>>
      %dma_wait3A_34 = tpu.memref_squeeze %dma_wait3A_33 : memref<1x10240x128xf32, #tpu.memory_space<hbm>> -> memref<10240x128xf32, #tpu.memory_space<hbm>>
      %dma_wait3A_35 = arith.constant 0 : i32
      %dma_wait3A_36 = tpu.memref_slice %dma_wait3A_34[%mul3A_24, %dma_wait3A_35] : memref<10240x128xf32, #tpu.memory_space<hbm>> -> memref<640x128xf32, #tpu.memory_space<hbm>>
      %dma_wait3A_37 = arith.constant 0 : i32
      %dma_wait3A_38 = tpu.memref_slice %arg10[%mul3A_22, %dma_wait3A_37] : memref<10240x128xf32, #tpu.memory_space<vmem_shared>> -> memref<640x128xf32, #tpu.memory_space<vmem_shared>>
      tpu.wait_dma2 semaphore(%run_scoped3A : memref<!tpu.dma_semaphore, #tpu.memory_space<semaphore_mem>>) src(%dma_wait3A_38 : memref<640x128xf32, #tpu.memory_space<vmem_shared>>) dst(%dma_wait3A_36 : memref<640x128xf32, #tpu.memory_space<hbm>>)
      tpu.yield
    }) : () -> ()
    return
  }
}

#map = affine_map<(d0, d1) -> (0, 0)>
#map1 = affine_map<(d0, d1) -> (0)>
#map2 = affine_map<(d0, d1) -> (0, 0, 0)>
module attributes {stable_mosaic.version = 14 : i64} {
  func.func @_sc_agg(%arg0: i32, %arg1: i32, %arg2: memref<10000x128xf32, #tpu.memory_space<hbm>>, %arg3: memref<323584xi32, #tpu.memory_space<hbm>>, %arg4: memref<323584xi32, #tpu.memory_space<hbm>>, %arg5: memref<10240x128xf32, #tpu.memory_space<hbm>>, %arg6: memref<2x10240x128xf32, #tpu.memory_space<hbm>>, %arg7: memref<128xi32, #tpu.memory_space<vmem>>, %arg8: memref<128xi32, #tpu.memory_space<vmem>>, %arg9: memref<128x128xf32, #tpu.memory_space<vmem>>, %arg10: memref<10240x128xf32, #tpu.memory_space<vmem_shared>>, %arg11: memref<!tpu.dma_semaphore, #tpu.memory_space<semaphore_mem>>) attributes {dimension_semantics = [#tpu.dimension_semantics<core_parallel>, #tpu.dimension_semantics<subcore_parallel>], iteration_bounds = array<i64: 2, 16>, scalar_prefetch = 0 : i64, scratch_operands = 5 : i64, tpu.core_type = #tpu.core_type<sc_vector_subcore>, window_params = [{transform_indices = #map}, {transform_indices = #map1}, {transform_indices = #map1}, {transform_indices = #map}, {transform_indices = #map2}]} {
    %mul3A = arith.constant 2 : i32
    %mul3A_0 = arith.muli %arg1, %mul3A : i32
    %add3A = arith.addi %mul3A_0, %arg0 : i32
    %jit3A = arith.constant 4 : i32
    %eq3A = arith.constant 0 : i32
    %eq3A_1 = arith.cmpi eq, %jit3A, %eq3A : i32
    %jit3A_2 = arith.constant 1 : i32
    %select_n3A = arith.select %eq3A_1, %jit3A_2, %jit3A : i32
    %rem3A = arith.remsi %arg1, %select_n3A : i32
    %ne3A = arith.constant 0 : i32
    %ne3A_3 = arith.cmpi ne, %rem3A, %ne3A : i32
    %lt3A = arith.constant 0 : i32
    %lt3A_4 = arith.cmpi slt, %rem3A, %lt3A : i32
    %lt3A_5 = arith.constant 0 : i32
    %lt3A_6 = arith.cmpi slt, %select_n3A, %lt3A_5 : i32
    %ne3A_7 = arith.xori %lt3A_4, %lt3A_6 : i1
    %and3A = arith.andi %ne3A_7, %ne3A_3 : i1
    %add3A_8 = arith.addi %rem3A, %select_n3A : i32
    %select_n3A_9 = arith.select %and3A, %add3A_8, %rem3A : i32
    %eq3A_10 = arith.constant 0 : i32
    %eq3A_11 = arith.cmpi eq, %select_n3A_9, %eq3A_10 : i32
    %convert_element_type3A = arith.extui %eq3A_11 : i1 to i32
    %cond3A = arith.constant 0 : i32
    %cond3A_12 = arith.cmpi ne, %convert_element_type3A, %cond3A : i32
    scf.if %cond3A_12 {
      %jit3A_25 = arith.constant 4 : i32
      %div3A = arith.divsi %arg1, %jit3A_25 : i32
      %sign3A = arith.constant 0 : i32
      %sign3A_26 = arith.cmpi sgt, %arg1, %sign3A : i32
      %sign3A_27 = arith.extui %sign3A_26 : i1 to i32
      %sign3A_28 = arith.constant 0 : i32
      %sign3A_29 = arith.cmpi slt, %arg1, %sign3A_28 : i32
      %sign3A_30 = arith.extui %sign3A_29 : i1 to i32
      %sign3A_31 = arith.subi %sign3A_27, %sign3A_30 : i32
      %sign3A_32 = arith.constant 0 : i32
      %sign3A_33 = arith.cmpi sgt, %jit3A_25, %sign3A_32 : i32
      %sign3A_34 = arith.extui %sign3A_33 : i1 to i32
      %sign3A_35 = arith.constant 0 : i32
      %sign3A_36 = arith.cmpi slt, %jit3A_25, %sign3A_35 : i32
      %sign3A_37 = arith.extui %sign3A_36 : i1 to i32
      %sign3A_38 = arith.subi %sign3A_34, %sign3A_37 : i32
      %ne3A_39 = arith.cmpi ne, %sign3A_31, %sign3A_38 : i32
      %rem3A_40 = arith.remsi %arg1, %jit3A_25 : i32
      %ne3A_41 = arith.constant 0 : i32
      %ne3A_42 = arith.cmpi ne, %rem3A_40, %ne3A_41 : i32
      %and3A_43 = arith.andi %ne3A_39, %ne3A_42 : i1
      %sub3A = arith.constant 1 : i32
      %sub3A_44 = arith.subi %div3A, %sub3A : i32
      %select_n3A_45 = arith.select %and3A_43, %sub3A_44, %div3A : i32
      %mul3A_46 = arith.constant 2560 : i32
      %mul3A_47 = arith.muli %select_n3A_45, %mul3A_46 : i32
      "tpu.region"() ({
        %run_scoped3A = tpu.sem_alloc : memref<!tpu.dma_semaphore, #tpu.memory_space<semaphore_mem>>
        %dma_start3A = arith.constant 0 : i32
        %dma_start3A_48 = tpu.memref_slice %arg10[%mul3A_47, %dma_start3A] : memref<10240x128xf32, #tpu.memory_space<vmem_shared>> -> memref<2560x128xf32, #tpu.memory_space<vmem_shared>>
        %dma_start3A_49 = arith.constant 0 : i32
        %dma_start3A_50 = tpu.memref_slice %arg5[%mul3A_47, %dma_start3A_49] : memref<10240x128xf32, #tpu.memory_space<hbm>> -> memref<2560x128xf32, #tpu.memory_space<hbm>>
        tpu.enqueue_dma source(%dma_start3A_50 : memref<2560x128xf32, #tpu.memory_space<hbm>>) target(%dma_start3A_48 : memref<2560x128xf32, #tpu.memory_space<vmem_shared>>) target_semaphore(%run_scoped3A : memref<!tpu.dma_semaphore, #tpu.memory_space<semaphore_mem>>)
        %dma_wait3A = arith.constant 0 : i32
        %dma_wait3A_51 = tpu.memref_slice %arg10[%mul3A_47, %dma_wait3A] : memref<10240x128xf32, #tpu.memory_space<vmem_shared>> -> memref<2560x128xf32, #tpu.memory_space<vmem_shared>>
        %dma_wait3A_52 = arith.constant 0 : i32
        %dma_wait3A_53 = tpu.memref_slice %arg5[%mul3A_47, %dma_wait3A_52] : memref<10240x128xf32, #tpu.memory_space<hbm>> -> memref<2560x128xf32, #tpu.memory_space<hbm>>
        tpu.wait_dma2 semaphore(%run_scoped3A : memref<!tpu.dma_semaphore, #tpu.memory_space<semaphore_mem>>) src(%dma_wait3A_53 : memref<2560x128xf32, #tpu.memory_space<hbm>>) dst(%dma_wait3A_51 : memref<2560x128xf32, #tpu.memory_space<vmem_shared>>)
        tpu.yield
      }) : () -> ()
    } else {
    }
    %barrier3A = arith.constant 0 : index
    tpu.barrier barrier_id(%barrier3A)
    %mul3A_13 = arith.constant 10112 : i32
    %mul3A_14 = arith.muli %add3A, %mul3A_13 : i32
    %scan3A = arith.constant 0 : i32
    %scan3A_15 = arith.constant 0 : i32
    %scan3A_16 = arith.constant 79 : i32
    %scan3A_17 = arith.addi %scan3A_15, %scan3A_16 : i32
    %scan3A_18 = arith.constant 1 : i32
    scf.for %scan3A_25 = %scan3A_15 to %scan3A_17 step %scan3A_18  : i32 {
      %mul3A_26 = arith.constant 128 : i32
      %mul3A_27 = arith.muli %scan3A_25, %mul3A_26 : i32
      %add3A_28 = arith.addi %mul3A_14, %mul3A_27 : i32
      "tpu.region"() ({
        %run_scoped3A = tpu.sem_alloc : memref<!tpu.dma_semaphore, #tpu.memory_space<semaphore_mem>>
        %dma_start3A_33 = tpu.memref_slice %arg3[%add3A_28] : memref<323584xi32, #tpu.memory_space<hbm>> -> memref<128xi32, #tpu.memory_space<hbm>>
        %dma_start3A_34 = tpu.memref_slice %arg3[%add3A_28] : memref<323584xi32, #tpu.memory_space<hbm>> -> memref<128xi32, #tpu.memory_space<hbm>>
        tpu.enqueue_dma source(%dma_start3A_34 : memref<128xi32, #tpu.memory_space<hbm>>) target(%arg7 : memref<128xi32, #tpu.memory_space<vmem>>) target_semaphore(%run_scoped3A : memref<!tpu.dma_semaphore, #tpu.memory_space<semaphore_mem>>)
        %dma_wait3A_35 = tpu.memref_slice %arg3[%add3A_28] : memref<323584xi32, #tpu.memory_space<hbm>> -> memref<128xi32, #tpu.memory_space<hbm>>
        %dma_wait3A_36 = tpu.memref_slice %arg3[%add3A_28] : memref<323584xi32, #tpu.memory_space<hbm>> -> memref<128xi32, #tpu.memory_space<hbm>>
        tpu.wait_dma2 semaphore(%run_scoped3A : memref<!tpu.dma_semaphore, #tpu.memory_space<semaphore_mem>>) src(%dma_wait3A_36 : memref<128xi32, #tpu.memory_space<hbm>>) dst(%arg7 : memref<128xi32, #tpu.memory_space<vmem>>)
        tpu.yield
      }) : () -> ()
      "tpu.region"() ({
        %run_scoped3A = tpu.sem_alloc : memref<!tpu.dma_semaphore, #tpu.memory_space<semaphore_mem>>
        %dma_start3A_33 = tpu.memref_slice %arg4[%add3A_28] : memref<323584xi32, #tpu.memory_space<hbm>> -> memref<128xi32, #tpu.memory_space<hbm>>
        %dma_start3A_34 = tpu.memref_slice %arg4[%add3A_28] : memref<323584xi32, #tpu.memory_space<hbm>> -> memref<128xi32, #tpu.memory_space<hbm>>
        tpu.enqueue_dma source(%dma_start3A_34 : memref<128xi32, #tpu.memory_space<hbm>>) target(%arg8 : memref<128xi32, #tpu.memory_space<vmem>>) target_semaphore(%run_scoped3A : memref<!tpu.dma_semaphore, #tpu.memory_space<semaphore_mem>>)
        %dma_wait3A_35 = tpu.memref_slice %arg4[%add3A_28] : memref<323584xi32, #tpu.memory_space<hbm>> -> memref<128xi32, #tpu.memory_space<hbm>>
        %dma_wait3A_36 = tpu.memref_slice %arg4[%add3A_28] : memref<323584xi32, #tpu.memory_space<hbm>> -> memref<128xi32, #tpu.memory_space<hbm>>
        tpu.wait_dma2 semaphore(%run_scoped3A : memref<!tpu.dma_semaphore, #tpu.memory_space<semaphore_mem>>) src(%dma_wait3A_36 : memref<128xi32, #tpu.memory_space<hbm>>) dst(%arg8 : memref<128xi32, #tpu.memory_space<vmem>>)
        tpu.yield
      }) : () -> ()
      %dma_start3A = arith.constant 0 : i32
      %dma_start3A_29 = arith.constant 0 : i32
      %dma_start3A_30 = tpu.memref_slice %arg2[%dma_start3A, %dma_start3A_29] : memref<10000x128xf32, #tpu.memory_space<hbm>> -> memref<10000x128xf32, #tpu.memory_space<hbm>>
      tpu.enqueue_indirect_dma source(%dma_start3A_30 : memref<10000x128xf32, #tpu.memory_space<hbm>>) target(%arg9 : memref<128x128xf32, #tpu.memory_space<vmem>>) offsets(%arg7 : memref<128xi32, #tpu.memory_space<vmem>>) semaphore(%arg11 : memref<!tpu.dma_semaphore, #tpu.memory_space<semaphore_mem>>)
      %dma_wait3A = arith.constant 0 : i32
      %dma_wait3A_31 = arith.constant 0 : i32
      %dma_wait3A_32 = tpu.memref_slice %arg2[%dma_wait3A, %dma_wait3A_31] : memref<10000x128xf32, #tpu.memory_space<hbm>> -> memref<10000x128xf32, #tpu.memory_space<hbm>>
      tpu.wait_indirect_dma semaphore(%arg11 : memref<!tpu.dma_semaphore, #tpu.memory_space<semaphore_mem>>) src(%dma_wait3A_32 : memref<10000x128xf32, #tpu.memory_space<hbm>>) dst(%arg9 : memref<128x128xf32, #tpu.memory_space<vmem>>)
      "tpu.region"() ({
        %run_scoped3A = tpu.sem_alloc : memref<!tpu.dma_semaphore, #tpu.memory_space<semaphore_mem>>
        %dma_start3A_33 = arith.constant 0 : i32
        %dma_start3A_34 = arith.constant 0 : i32
        %dma_start3A_35 = tpu.memref_slice %arg10[%dma_start3A_33, %dma_start3A_34] : memref<10240x128xf32, #tpu.memory_space<vmem_shared>> -> memref<10240x128xf32, #tpu.memory_space<vmem_shared>>
        tpu.enqueue_indirect_dma source(%arg9 : memref<128x128xf32, #tpu.memory_space<vmem>>) target(%dma_start3A_35 : memref<10240x128xf32, #tpu.memory_space<vmem_shared>>) offsets(%arg8 : memref<128xi32, #tpu.memory_space<vmem>>) semaphore(%run_scoped3A : memref<!tpu.dma_semaphore, #tpu.memory_space<semaphore_mem>>) {add = true}
        %dma_wait3A_36 = arith.constant 0 : i32
        %dma_wait3A_37 = arith.constant 0 : i32
        %dma_wait3A_38 = tpu.memref_slice %arg10[%dma_wait3A_36, %dma_wait3A_37] : memref<10240x128xf32, #tpu.memory_space<vmem_shared>> -> memref<10240x128xf32, #tpu.memory_space<vmem_shared>>
        tpu.wait_indirect_dma semaphore(%run_scoped3A : memref<!tpu.dma_semaphore, #tpu.memory_space<semaphore_mem>>) src(%arg9 : memref<128x128xf32, #tpu.memory_space<vmem>>) dst(%dma_wait3A_38 : memref<10240x128xf32, #tpu.memory_space<vmem_shared>>)
        tpu.yield
      }) : () -> ()
    }
    %scan3A_19 = arith.constant 79 : i32
    %barrier3A_20 = arith.constant 0 : index
    tpu.barrier barrier_id(%barrier3A_20)
    %mul3A_21 = arith.constant 640 : i32
    %mul3A_22 = arith.muli %arg1, %mul3A_21 : i32
    %mul3A_23 = arith.constant 640 : i32
    %mul3A_24 = arith.muli %arg1, %mul3A_23 : i32
    "tpu.region"() ({
      %run_scoped3A = tpu.sem_alloc : memref<!tpu.dma_semaphore, #tpu.memory_space<semaphore_mem>>
      %dma_start3A = arith.constant 0 : i32
      %dma_start3A_25 = arith.constant 0 : i32
      %dma_start3A_26 = tpu.memref_slice %arg6[%arg0, %dma_start3A, %dma_start3A_25] : memref<2x10240x128xf32, #tpu.memory_space<hbm>> -> memref<1x10240x128xf32, #tpu.memory_space<hbm>>
      %dma_start3A_27 = tpu.memref_squeeze %dma_start3A_26 : memref<1x10240x128xf32, #tpu.memory_space<hbm>> -> memref<10240x128xf32, #tpu.memory_space<hbm>>
      %dma_start3A_28 = arith.constant 0 : i32
      %dma_start3A_29 = tpu.memref_slice %dma_start3A_27[%mul3A_24, %dma_start3A_28] : memref<10240x128xf32, #tpu.memory_space<hbm>> -> memref<640x128xf32, #tpu.memory_space<hbm>>
      %dma_start3A_30 = arith.constant 0 : i32
      %dma_start3A_31 = tpu.memref_slice %arg10[%mul3A_22, %dma_start3A_30] : memref<10240x128xf32, #tpu.memory_space<vmem_shared>> -> memref<640x128xf32, #tpu.memory_space<vmem_shared>>
      tpu.enqueue_dma source(%dma_start3A_31 : memref<640x128xf32, #tpu.memory_space<vmem_shared>>) target(%dma_start3A_29 : memref<640x128xf32, #tpu.memory_space<hbm>>) target_semaphore(%run_scoped3A : memref<!tpu.dma_semaphore, #tpu.memory_space<semaphore_mem>>)
      %dma_wait3A = arith.constant 0 : i32
      %dma_wait3A_32 = arith.constant 0 : i32
      %dma_wait3A_33 = tpu.memref_slice %arg6[%arg0, %dma_wait3A, %dma_wait3A_32] : memref<2x10240x128xf32, #tpu.memory_space<hbm>> -> memref<1x10240x128xf32, #tpu.memory_space<hbm>>
      %dma_wait3A_34 = tpu.memref_squeeze %dma_wait3A_33 : memref<1x10240x128xf32, #tpu.memory_space<hbm>> -> memref<10240x128xf32, #tpu.memory_space<hbm>>
      %dma_wait3A_35 = arith.constant 0 : i32
      %dma_wait3A_36 = tpu.memref_slice %dma_wait3A_34[%mul3A_24, %dma_wait3A_35] : memref<10240x128xf32, #tpu.memory_space<hbm>> -> memref<640x128xf32, #tpu.memory_space<hbm>>
      %dma_wait3A_37 = arith.constant 0 : i32
      %dma_wait3A_38 = tpu.memref_slice %arg10[%mul3A_22, %dma_wait3A_37] : memref<10240x128xf32, #tpu.memory_space<vmem_shared>> -> memref<640x128xf32, #tpu.memory_space<vmem_shared>>
      tpu.wait_dma2 semaphore(%run_scoped3A : memref<!tpu.dma_semaphore, #tpu.memory_space<semaphore_mem>>) src(%dma_wait3A_38 : memref<640x128xf32, #tpu.memory_space<vmem_shared>>) dst(%dma_wait3A_36 : memref<640x128xf32, #tpu.memory_space<hbm>>)
      tpu.yield
    }) : () -> ()
    return
  }
}

module attributes {stable_mosaic.version = 14 : i64} {
  func.func @_enc_body(%arg0: memref<10000x32xf32, #tpu.memory_space<vmem>>, %arg1: memref<128x32xf32, #tpu.memory_space<vmem>>, %arg2: memref<1x128xf32, #tpu.memory_space<vmem>>, %arg3: memref<1x128xf32, #tpu.memory_space<vmem>>, %arg4: memref<1x128xf32, #tpu.memory_space<vmem>>, %arg5: memref<10000x128xf32, #tpu.memory_space<vmem>>) attributes {dimension_semantics = [], scalar_prefetch = 0 : i64, scratch_operands = 0 : i64, tpu.core_type = #tpu.core_type<tc>} {
    %get3A = arith.constant 0 : index
    %get3A_0 = arith.constant 0 : index
    %get3A_1 = vector.load %arg0[%get3A, %get3A_0] : memref<10000x32xf32, #tpu.memory_space<vmem>>, vector<10000x32xf32>
    %get3A_2 = arith.constant 0 : index
    %get3A_3 = arith.constant 0 : index
    %get3A_4 = vector.load %arg1[%get3A_2, %get3A_3] : memref<128x32xf32, #tpu.memory_space<vmem>>, vector<128x32xf32>
    %dot_general3A = arith.constant dense<0.000000e+00> : vector<10000x128xf32>
    %dot_general3A_5 = tpu.matmul %get3A_1, %get3A_4, %dot_general3A {dimension_numbers = #tpu.dot_dimension_numbers<[1], [1], [0], [0], [0, 0, 1, 0], [], []>, transpose_lhs_hint = false} : vector<10000x32xf32>, vector<128x32xf32>, vector<10000x128xf32> -> vector<10000x128xf32>
    %get3A_6 = arith.constant 0 : index
    %get3A_7 = arith.constant 0 : index
    %get3A_8 = vector.load %arg2[%get3A_6, %get3A_7] : memref<1x128xf32, #tpu.memory_space<vmem>>, vector<1x128xf32>
    %add3A = vector.broadcast %get3A_8 : vector<1x128xf32> to vector<10000x128xf32>
    %add3A_9 = arith.addf %dot_general3A_5, %add3A : vector<10000x128xf32>
    %get3A_10 = arith.constant 0 : index
    %get3A_11 = arith.constant 0 : index
    %get3A_12 = vector.load %arg3[%get3A_10, %get3A_11] : memref<1x128xf32, #tpu.memory_space<vmem>>, vector<1x128xf32>
    %get3A_13 = arith.constant 0 : index
    %get3A_14 = arith.constant 0 : index
    %get3A_15 = vector.load %arg4[%get3A_13, %get3A_14] : memref<1x128xf32, #tpu.memory_space<vmem>>, vector<1x128xf32>
    %reduce_sum3A = arith.constant dense<0.000000e+00> : vector<10000xf32>
    %reduce_sum3A_16 = vector.multi_reduction <add>, %add3A_9, %reduce_sum3A [1] : vector<10000x128xf32> to vector<10000xf32>
    %broadcast_in_dim3A = vector.shape_cast %reduce_sum3A_16 : vector<10000xf32> to vector<10000x1xf32>
    %div3A = arith.constant 1.280000e+02 : f32
    %div3A_17 = vector.broadcast %div3A : f32 to vector<10000x1xf32>
    %div3A_18 = arith.divf %broadcast_in_dim3A, %div3A_17 : vector<10000x1xf32>
    %sub3A = vector.broadcast %div3A_18 : vector<10000x1xf32> to vector<10000x128xf32>
    %sub3A_19 = arith.subf %add3A_9, %sub3A : vector<10000x128xf32>
    %integer_pow3A = arith.mulf %sub3A_19, %sub3A_19 : vector<10000x128xf32>
    %reduce_sum3A_20 = arith.constant dense<0.000000e+00> : vector<10000xf32>
    %reduce_sum3A_21 = vector.multi_reduction <add>, %integer_pow3A, %reduce_sum3A_20 [1] : vector<10000x128xf32> to vector<10000xf32>
    %broadcast_in_dim3A_22 = vector.shape_cast %reduce_sum3A_21 : vector<10000xf32> to vector<10000x1xf32>
    %div3A_23 = arith.constant 1.280000e+02 : f32
    %div3A_24 = vector.broadcast %div3A_23 : f32 to vector<10000x1xf32>
    %div3A_25 = arith.divf %broadcast_in_dim3A_22, %div3A_24 : vector<10000x1xf32>
    %sub3A_26 = vector.broadcast %div3A_18 : vector<10000x1xf32> to vector<10000x128xf32>
    %sub3A_27 = arith.subf %add3A_9, %sub3A_26 : vector<10000x128xf32>
    %add3A_28 = arith.constant 9.99999974E-6 : f32
    %add3A_29 = vector.broadcast %add3A_28 : f32 to vector<10000x1xf32>
    %add3A_30 = arith.addf %div3A_25, %add3A_29 : vector<10000x1xf32>
    %sqrt3A = math.sqrt %add3A_30 : vector<10000x1xf32>
    %div3A_31 = vector.broadcast %sqrt3A : vector<10000x1xf32> to vector<10000x128xf32>
    %div3A_32 = arith.divf %sub3A_27, %div3A_31 : vector<10000x128xf32>
    %mul3A = vector.broadcast %get3A_12 : vector<1x128xf32> to vector<10000x128xf32>
    %mul3A_33 = arith.mulf %div3A_32, %mul3A : vector<10000x128xf32>
    %add3A_34 = vector.broadcast %get3A_15 : vector<1x128xf32> to vector<10000x128xf32>
    %add3A_35 = arith.addf %mul3A_33, %add3A_34 : vector<10000x128xf32>
    %max3A = arith.constant 0.000000e+00 : f32
    %max3A_36 = vector.broadcast %max3A : f32 to vector<10000x128xf32>
    %max3A_37 = arith.maximumf %add3A_35, %max3A_36 : vector<10000x128xf32>
    %swap3A = arith.constant 0 : index
    %swap3A_38 = arith.constant 0 : index
    %swap3A_39 = vector.load %arg5[%swap3A, %swap3A_38] : memref<10000x128xf32, #tpu.memory_space<vmem>>, vector<10000x128xf32>
    tpu.vector_store %arg5[%swap3A, %swap3A_38], %max3A_37 {strides = array<i32>} : memref<10000x128xf32, #tpu.memory_space<vmem>>, vector<10000x128xf32>,
    return
  }
}

module attributes {stable_mosaic.version = 14 : i64} {
  func.func @_layer_body(%arg0: memref<2x10240x128xf32, #tpu.memory_space<vmem>>, %arg1: memref<2x10240x128xf32, #tpu.memory_space<vmem>>, %arg2: memref<10000x128xf32, #tpu.memory_space<vmem>>, %arg3: memref<128x128xf32, #tpu.memory_space<vmem>>, %arg4: memref<1x128xf32, #tpu.memory_space<vmem>>, %arg5: memref<128x128xf32, #tpu.memory_space<vmem>>, %arg6: memref<1x128xf32, #tpu.memory_space<vmem>>, %arg7: memref<1x128xf32, #tpu.memory_space<vmem>>, %arg8: memref<10000x128xf32, #tpu.memory_space<vmem>>) attributes {dimension_semantics = [], scalar_prefetch = 0 : i64, scratch_operands = 0 : i64, tpu.core_type = #tpu.core_type<tc>} {
    %get3A = arith.constant 0 : index
    %get3A_0 = arith.constant 0 : index
    %get3A_1 = arith.constant 0 : index
    %get3A_2 = vector.load %arg1[%get3A, %get3A_0, %get3A_1] : memref<2x10240x128xf32, #tpu.memory_space<vmem>>, vector<1x10000x1xf32>
    %get3A_3 = vector.shape_cast %get3A_2 : vector<1x10000x1xf32> to vector<10000x1xf32>
    %get3A_4 = arith.constant 1 : index
    %get3A_5 = arith.constant 0 : index
    %get3A_6 = arith.constant 0 : index
    %get3A_7 = vector.load %arg1[%get3A_4, %get3A_5, %get3A_6] : memref<2x10240x128xf32, #tpu.memory_space<vmem>>, vector<1x10000x1xf32>
    %get3A_8 = vector.shape_cast %get3A_7 : vector<1x10000x1xf32> to vector<10000x1xf32>
    %add3A = arith.addf %get3A_3, %get3A_8 : vector<10000x1xf32>
    %max3A = arith.constant 1.000000e+00 : f32
    %max3A_9 = vector.broadcast %max3A : f32 to vector<10000x1xf32>
    %max3A_10 = arith.maximumf %add3A, %max3A_9 : vector<10000x1xf32>
    %div3A = arith.constant 1.000000e+00 : f32
    %div3A_11 = vector.broadcast %div3A : f32 to vector<10000x1xf32>
    %div3A_12 = arith.divf %div3A_11, %max3A_10 : vector<10000x1xf32>
    %get3A_13 = arith.constant 0 : index
    %get3A_14 = arith.constant 0 : index
    %get3A_15 = arith.constant 0 : index
    %get3A_16 = vector.load %arg0[%get3A_13, %get3A_14, %get3A_15] : memref<2x10240x128xf32, #tpu.memory_space<vmem>>, vector<1x10000x128xf32>
    %get3A_17 = vector.shape_cast %get3A_16 : vector<1x10000x128xf32> to vector<10000x128xf32>
    %get3A_18 = arith.constant 1 : index
    %get3A_19 = arith.constant 0 : index
    %get3A_20 = arith.constant 0 : index
    %get3A_21 = vector.load %arg0[%get3A_18, %get3A_19, %get3A_20] : memref<2x10240x128xf32, #tpu.memory_space<vmem>>, vector<1x10000x128xf32>
    %get3A_22 = vector.shape_cast %get3A_21 : vector<1x10000x128xf32> to vector<10000x128xf32>
    %add3A_23 = arith.addf %get3A_17, %get3A_22 : vector<10000x128xf32>
    %mul3A = vector.broadcast %div3A_12 : vector<10000x1xf32> to vector<10000x128xf32>
    %mul3A_24 = arith.mulf %add3A_23, %mul3A : vector<10000x128xf32>
    %get3A_25 = arith.constant 0 : index
    %get3A_26 = arith.constant 0 : index
    %get3A_27 = vector.load %arg2[%get3A_25, %get3A_26] : memref<10000x128xf32, #tpu.memory_space<vmem>>, vector<10000x128xf32>
    %get3A_28 = arith.constant 0 : index
    %get3A_29 = arith.constant 0 : index
    %get3A_30 = vector.load %arg3[%get3A_28, %get3A_29] : memref<128x128xf32, #tpu.memory_space<vmem>>, vector<128x128xf32>
    %dot_general3A = arith.constant dense<0.000000e+00> : vector<10000x128xf32>
    %dot_general3A_31 = tpu.matmul %mul3A_24, %get3A_30, %dot_general3A {dimension_numbers = #tpu.dot_dimension_numbers<[1], [1], [0], [0], [0, 0, 1, 0], [], []>, transpose_lhs_hint = false} : vector<10000x128xf32>, vector<128x128xf32>, vector<10000x128xf32> -> vector<10000x128xf32>
    %get3A_32 = arith.constant 0 : index
    %get3A_33 = arith.constant 0 : index
    %get3A_34 = vector.load %arg4[%get3A_32, %get3A_33] : memref<1x128xf32, #tpu.memory_space<vmem>>, vector<1x128xf32>
    %add3A_35 = vector.broadcast %get3A_34 : vector<1x128xf32> to vector<10000x128xf32>
    %add3A_36 = arith.addf %dot_general3A_31, %add3A_35 : vector<10000x128xf32>
    %get3A_37 = arith.constant 0 : index
    %get3A_38 = arith.constant 0 : index
    %get3A_39 = vector.load %arg5[%get3A_37, %get3A_38] : memref<128x128xf32, #tpu.memory_space<vmem>>, vector<128x128xf32>
    %dot_general3A_40 = arith.constant dense<0.000000e+00> : vector<10000x128xf32>
    %dot_general3A_41 = tpu.matmul %get3A_27, %get3A_39, %dot_general3A_40 {dimension_numbers = #tpu.dot_dimension_numbers<[1], [1], [0], [0], [0, 0, 1, 0], [], []>, transpose_lhs_hint = false} : vector<10000x128xf32>, vector<128x128xf32>, vector<10000x128xf32> -> vector<10000x128xf32>
    %add3A_42 = arith.addf %add3A_36, %dot_general3A_41 : vector<10000x128xf32>
    %get3A_43 = arith.constant 0 : index
    %get3A_44 = arith.constant 0 : index
    %get3A_45 = vector.load %arg6[%get3A_43, %get3A_44] : memref<1x128xf32, #tpu.memory_space<vmem>>, vector<1x128xf32>
    %get3A_46 = arith.constant 0 : index
    %get3A_47 = arith.constant 0 : index
    %get3A_48 = vector.load %arg7[%get3A_46, %get3A_47] : memref<1x128xf32, #tpu.memory_space<vmem>>, vector<1x128xf32>
    %reduce_sum3A = arith.constant dense<0.000000e+00> : vector<10000xf32>
    %reduce_sum3A_49 = vector.multi_reduction <add>, %add3A_42, %reduce_sum3A [1] : vector<10000x128xf32> to vector<10000xf32>
    %broadcast_in_dim3A = vector.shape_cast %reduce_sum3A_49 : vector<10000xf32> to vector<10000x1xf32>
    %div3A_50 = arith.constant 1.280000e+02 : f32
    %div3A_51 = vector.broadcast %div3A_50 : f32 to vector<10000x1xf32>
    %div3A_52 = arith.divf %broadcast_in_dim3A, %div3A_51 : vector<10000x1xf32>
    %sub3A = vector.broadcast %div3A_52 : vector<10000x1xf32> to vector<10000x128xf32>
    %sub3A_53 = arith.subf %add3A_42, %sub3A : vector<10000x128xf32>
    %integer_pow3A = arith.mulf %sub3A_53, %sub3A_53 : vector<10000x128xf32>
    %reduce_sum3A_54 = arith.constant dense<0.000000e+00> : vector<10000xf32>
    %reduce_sum3A_55 = vector.multi_reduction <add>, %integer_pow3A, %reduce_sum3A_54 [1] : vector<10000x128xf32> to vector<10000xf32>
    %broadcast_in_dim3A_56 = vector.shape_cast %reduce_sum3A_55 : vector<10000xf32> to vector<10000x1xf32>
    %div3A_57 = arith.constant 1.280000e+02 : f32
    %div3A_58 = vector.broadcast %div3A_57 : f32 to vector<10000x1xf32>
    %div3A_59 = arith.divf %broadcast_in_dim3A_56, %div3A_58 : vector<10000x1xf32>
    %sub3A_60 = vector.broadcast %div3A_52 : vector<10000x1xf32> to vector<10000x128xf32>
    %sub3A_61 = arith.subf %add3A_42, %sub3A_60 : vector<10000x128xf32>
    %add3A_62 = arith.constant 9.99999974E-6 : f32
    %add3A_63 = vector.broadcast %add3A_62 : f32 to vector<10000x1xf32>
    %add3A_64 = arith.addf %div3A_59, %add3A_63 : vector<10000x1xf32>
    %sqrt3A = math.sqrt %add3A_64 : vector<10000x1xf32>
    %div3A_65 = vector.broadcast %sqrt3A : vector<10000x1xf32> to vector<10000x128xf32>
    %div3A_66 = arith.divf %sub3A_61, %div3A_65 : vector<10000x128xf32>
    %mul3A_67 = vector.broadcast %get3A_45 : vector<1x128xf32> to vector<10000x128xf32>
    %mul3A_68 = arith.mulf %div3A_66, %mul3A_67 : vector<10000x128xf32>
    %add3A_69 = vector.broadcast %get3A_48 : vector<1x128xf32> to vector<10000x128xf32>
    %add3A_70 = arith.addf %mul3A_68, %add3A_69 : vector<10000x128xf32>
    %max3A_71 = arith.constant 0.000000e+00 : f32
    %max3A_72 = vector.broadcast %max3A_71 : f32 to vector<10000x128xf32>
    %max3A_73 = arith.maximumf %add3A_70, %max3A_72 : vector<10000x128xf32>
    %add3A_74 = arith.addf %get3A_27, %max3A_73 : vector<10000x128xf32>
    %swap3A = arith.constant 0 : index
    %swap3A_75 = arith.constant 0 : index
    %swap3A_76 = vector.load %arg8[%swap3A, %swap3A_75] : memref<10000x128xf32, #tpu.memory_space<vmem>>, vector<10000x128xf32>
    tpu.vector_store %arg8[%swap3A, %swap3A_75], %add3A_74 {strides = array<i32>} : memref<10000x128xf32, #tpu.memory_space<vmem>>, vector<10000x128xf32>,
    return
  }
}

module attributes {stable_mosaic.version = 14 : i64} {
  func.func @_pool_body(%arg0: memref<10000x128xf32, #tpu.memory_space<vmem>>, %arg1: memref<64x128xf32, #tpu.memory_space<vmem>>, %arg2: memref<1x64xf32, #tpu.memory_space<vmem>>, %arg3: memref<1x64xf32, #tpu.memory_space<vmem>>, %arg4: memref<128x128xf32, #tpu.memory_space<vmem>>, %arg5: memref<1x128xf32, #tpu.memory_space<vmem>>, %arg6: memref<128x128xf32, #tpu.memory_space<vmem>>, %arg7: memref<1x128xf32, #tpu.memory_space<vmem>>, %arg8: memref<6272x128xf32, #tpu.memory_space<vmem>>, %arg9: memref<1x6272xf32, #tpu.memory_space<vmem>>, %arg10: memref<128x128xf32, #tpu.memory_space<vmem>>, %arg11: memref<1x128xf32, #tpu.memory_space<vmem>>, %arg12: memref<64x128xf32, #tpu.memory_space<vmem>>, %arg13: memref<1x64xf32, #tpu.memory_space<vmem>>, %arg14: memref<8x64xf32, #tpu.memory_space<vmem>>, %arg15: memref<1x8xf32, #tpu.memory_space<vmem>>, %arg16: memref<1x6272xf32, #tpu.memory_space<vmem>>, %arg17: memref<1x8xf32, #tpu.memory_space<vmem>>) attributes {dimension_semantics = [], scalar_prefetch = 0 : i64, scratch_operands = 0 : i64, tpu.core_type = #tpu.core_type<tc>} {
    %get3A = arith.constant 0 : index
    %get3A_0 = arith.constant 0 : index
    %get3A_1 = vector.load %arg0[%get3A, %get3A_0] : memref<10000x128xf32, #tpu.memory_space<vmem>>, vector<10000x128xf32>
    %get3A_2 = arith.constant 0 : index
    %get3A_3 = arith.constant 0 : index
    %get3A_4 = vector.load %arg1[%get3A_2, %get3A_3] : memref<64x128xf32, #tpu.memory_space<vmem>>, vector<64x128xf32>
    %dot_general3A = arith.constant dense<0.000000e+00> : vector<10000x64xf32>
    %dot_general3A_5 = tpu.matmul %get3A_1, %get3A_4, %dot_general3A {dimension_numbers = #tpu.dot_dimension_numbers<[1], [1], [0], [0], [0, 0, 1, 0], [], []>, transpose_lhs_hint = false} : vector<10000x128xf32>, vector<64x128xf32>, vector<10000x64xf32> -> vector<10000x64xf32>
    %get3A_6 = arith.constant 0 : index
    %get3A_7 = arith.constant 0 : index
    %get3A_8 = vector.load %arg2[%get3A_6, %get3A_7] : memref<1x64xf32, #tpu.memory_space<vmem>>, vector<1x64xf32>
    %add3A = vector.broadcast %get3A_8 : vector<1x64xf32> to vector<10000x64xf32>
    %add3A_9 = arith.addf %dot_general3A_5, %add3A : vector<10000x64xf32>
    %tanh3A = math.tanh %add3A_9 : vector<10000x64xf32>
    %get3A_10 = arith.constant 0 : index
    %get3A_11 = arith.constant 0 : index
    %get3A_12 = vector.load %arg3[%get3A_10, %get3A_11] : memref<1x64xf32, #tpu.memory_space<vmem>>, vector<1x64xf32>
    %dot_general3A_13 = arith.constant dense<0.000000e+00> : vector<10000x1xf32>
    %dot_general3A_14 = tpu.matmul %tanh3A, %get3A_12, %dot_general3A_13 {dimension_numbers = #tpu.dot_dimension_numbers<[1], [1], [0], [0], [0, 0, 1, 0], [], []>, transpose_lhs_hint = false} : vector<10000x64xf32>, vector<1x64xf32>, vector<10000x1xf32> -> vector<10000x1xf32>
    %reduce_max3A = vector.shape_cast %dot_general3A_14 : vector<10000x1xf32> to vector<1x10000x1xf32>
    %reduce_max3A_15 = arith.constant dense<0xFF800000> : vector<1xf32>
    %reduce_max3A_16 = vector.multi_reduction <maximumf>, %reduce_max3A, %reduce_max3A_15 [1, 2] : vector<1x10000x1xf32> to vector<1xf32>
    %reduce_max3A_17 = vector.shape_cast %reduce_max3A_16 : vector<1xf32> to vector<1x1x1xf32>
    %reduce_max3A_18 = vector.extract %reduce_max3A_17[0, 0, 0] : f32 from vector<1x1x1xf32>
    %sub3A = vector.broadcast %reduce_max3A_18 : f32 to vector<10000x1xf32>
    %sub3A_19 = arith.subf %dot_general3A_14, %sub3A : vector<10000x1xf32>
    %exp3A = math.exp %sub3A_19 : vector<10000x1xf32>
    %reduce_sum3A = vector.shape_cast %exp3A : vector<10000x1xf32> to vector<1x10000x1xf32>
    %reduce_sum3A_20 = arith.constant dense<0.000000e+00> : vector<1xf32>
    %reduce_sum3A_21 = vector.multi_reduction <add>, %reduce_sum3A, %reduce_sum3A_20 [1, 2] : vector<1x10000x1xf32> to vector<1xf32>
    %reduce_sum3A_22 = vector.shape_cast %reduce_sum3A_21 : vector<1xf32> to vector<1x1x1xf32>
    %reduce_sum3A_23 = vector.extract %reduce_sum3A_22[0, 0, 0] : f32 from vector<1x1x1xf32>
    %div3A = arith.constant 1.000000e+00 : f32
    %div3A_24 = arith.divf %div3A, %reduce_sum3A_23 : f32
    %mul3A = vector.broadcast %div3A_24 : f32 to vector<10000x1xf32>
    %mul3A_25 = arith.mulf %exp3A, %mul3A : vector<10000x1xf32>
    %mul3A_26 = vector.broadcast %mul3A_25 : vector<10000x1xf32> to vector<10000x128xf32>
    %mul3A_27 = arith.mulf %get3A_1, %mul3A_26 : vector<10000x128xf32>
    %reduce_sum3A_28 = arith.constant dense<0.000000e+00> : vector<128xf32>
    %reduce_sum3A_29 = vector.multi_reduction <add>, %mul3A_27, %reduce_sum3A_28 [0] : vector<10000x128xf32> to vector<128xf32>
    %broadcast_in_dim3A = vector.shape_cast %reduce_sum3A_29 : vector<128xf32> to vector<1x128xf32>
    %get3A_30 = arith.constant 0 : index
    %get3A_31 = arith.constant 0 : index
    %get3A_32 = vector.load %arg4[%get3A_30, %get3A_31] : memref<128x128xf32, #tpu.memory_space<vmem>>, vector<128x128xf32>
    %dot_general3A_33 = arith.constant dense<0.000000e+00> : vector<1x128xf32>
    %dot_general3A_34 = tpu.matmul %broadcast_in_dim3A, %get3A_32, %dot_general3A_33 {dimension_numbers = #tpu.dot_dimension_numbers<[1], [1], [0], [0], [0, 0, 1, 0], [], []>, transpose_lhs_hint = false} : vector<1x128xf32>, vector<128x128xf32>, vector<1x128xf32> -> vector<1x128xf32>
    %get3A_35 = arith.constant 0 : index
    %get3A_36 = arith.constant 0 : index
    %get3A_37 = vector.load %arg5[%get3A_35, %get3A_36] : memref<1x128xf32, #tpu.memory_space<vmem>>, vector<1x128xf32>
    %add3A_38 = arith.addf %dot_general3A_34, %get3A_37 : vector<1x128xf32>
    %get3A_39 = arith.constant 0 : index
    %get3A_40 = arith.constant 0 : index
    %get3A_41 = vector.load %arg6[%get3A_39, %get3A_40] : memref<128x128xf32, #tpu.memory_space<vmem>>, vector<128x128xf32>
    %dot_general3A_42 = arith.constant dense<0.000000e+00> : vector<1x128xf32>
    %dot_general3A_43 = tpu.matmul %add3A_38, %get3A_41, %dot_general3A_42 {dimension_numbers = #tpu.dot_dimension_numbers<[1], [1], [0], [0], [0, 0, 1, 0], [], []>, transpose_lhs_hint = false} : vector<1x128xf32>, vector<128x128xf32>, vector<1x128xf32> -> vector<1x128xf32>
    %get3A_44 = arith.constant 0 : index
    %get3A_45 = arith.constant 0 : index
    %get3A_46 = vector.load %arg7[%get3A_44, %get3A_45] : memref<1x128xf32, #tpu.memory_space<vmem>>, vector<1x128xf32>
    %add3A_47 = arith.addf %dot_general3A_43, %get3A_46 : vector<1x128xf32>
    %max3A = arith.constant 0.000000e+00 : f32
    %max3A_48 = vector.broadcast %max3A : f32 to vector<1x128xf32>
    %max3A_49 = arith.maximumf %add3A_47, %max3A_48 : vector<1x128xf32>
    %get3A_50 = arith.constant 0 : index
    %get3A_51 = arith.constant 0 : index
    %get3A_52 = vector.load %arg8[%get3A_50, %get3A_51] : memref<6272x128xf32, #tpu.memory_space<vmem>>, vector<6272x128xf32>
    %dot_general3A_53 = arith.constant dense<0.000000e+00> : vector<1x6272xf32>
    %dot_general3A_54 = tpu.matmul %max3A_49, %get3A_52, %dot_general3A_53 {dimension_numbers = #tpu.dot_dimension_numbers<[1], [1], [0], [0], [0, 0, 1, 0], [], []>, transpose_lhs_hint = false} : vector<1x128xf32>, vector<6272x128xf32>, vector<1x6272xf32> -> vector<1x6272xf32>
    %get3A_55 = arith.constant 0 : index
    %get3A_56 = arith.constant 0 : index
    %get3A_57 = vector.load %arg9[%get3A_55, %get3A_56] : memref<1x6272xf32, #tpu.memory_space<vmem>>, vector<1x6272xf32>
    %add3A_58 = arith.addf %dot_general3A_54, %get3A_57 : vector<1x6272xf32>
    %swap3A = arith.constant 0 : index
    %swap3A_59 = arith.constant 0 : index
    %swap3A_60 = vector.load %arg16[%swap3A, %swap3A_59] : memref<1x6272xf32, #tpu.memory_space<vmem>>, vector<1x6272xf32>
    tpu.vector_store %arg16[%swap3A, %swap3A_59], %add3A_58 {strides = array<i32>} : memref<1x6272xf32, #tpu.memory_space<vmem>>, vector<1x6272xf32>,
    %get3A_61 = arith.constant 0 : index
    %get3A_62 = arith.constant 0 : index
    %get3A_63 = vector.load %arg10[%get3A_61, %get3A_62] : memref<128x128xf32, #tpu.memory_space<vmem>>, vector<128x128xf32>
    %dot_general3A_64 = arith.constant dense<0.000000e+00> : vector<1x128xf32>
    %dot_general3A_65 = tpu.matmul %broadcast_in_dim3A, %get3A_63, %dot_general3A_64 {dimension_numbers = #tpu.dot_dimension_numbers<[1], [1], [0], [0], [0, 0, 1, 0], [], []>, transpose_lhs_hint = false} : vector<1x128xf32>, vector<128x128xf32>, vector<1x128xf32> -> vector<1x128xf32>
    %get3A_66 = arith.constant 0 : index
    %get3A_67 = arith.constant 0 : index
    %get3A_68 = vector.load %arg11[%get3A_66, %get3A_67] : memref<1x128xf32, #tpu.memory_space<vmem>>, vector<1x128xf32>
    %add3A_69 = arith.addf %dot_general3A_65, %get3A_68 : vector<1x128xf32>
    %max3A_70 = arith.constant 0.000000e+00 : f32
    %max3A_71 = vector.broadcast %max3A_70 : f32 to vector<1x128xf32>
    %max3A_72 = arith.maximumf %add3A_69, %max3A_71 : vector<1x128xf32>
    %get3A_73 = arith.constant 0 : index
    %get3A_74 = arith.constant 0 : index
    %get3A_75 = vector.load %arg12[%get3A_73, %get3A_74] : memref<64x128xf32, #tpu.memory_space<vmem>>, vector<64x128xf32>
    %dot_general3A_76 = arith.constant dense<0.000000e+00> : vector<1x64xf32>
    %dot_general3A_77 = tpu.matmul %max3A_72, %get3A_75, %dot_general3A_76 {dimension_numbers = #tpu.dot_dimension_numbers<[1], [1], [0], [0], [0, 0, 1, 0], [], []>, transpose_lhs_hint = false} : vector<1x128xf32>, vector<64x128xf32>, vector<1x64xf32> -> vector<1x64xf32>
    %get3A_78 = arith.constant 0 : index
    %get3A_79 = arith.constant 0 : index
    %get3A_80 = vector.load %arg13[%get3A_78, %get3A_79] : memref<1x64xf32, #tpu.memory_space<vmem>>, vector<1x64xf32>
    %add3A_81 = arith.addf %dot_general3A_77, %get3A_80 : vector<1x64xf32>
    %max3A_82 = arith.constant 0.000000e+00 : f32
    %max3A_83 = vector.broadcast %max3A_82 : f32 to vector<1x64xf32>
    %max3A_84 = arith.maximumf %add3A_81, %max3A_83 : vector<1x64xf32>
    %get3A_85 = arith.constant 0 : index
    %get3A_86 = arith.constant 0 : index
    %get3A_87 = vector.load %arg14[%get3A_85, %get3A_86] : memref<8x64xf32, #tpu.memory_space<vmem>>, vector<8x64xf32>
    %dot_general3A_88 = arith.constant dense<0.000000e+00> : vector<1x8xf32>
    %dot_general3A_89 = tpu.matmul %max3A_84, %get3A_87, %dot_general3A_88 {dimension_numbers = #tpu.dot_dimension_numbers<[1], [1], [0], [0], [0, 0, 1, 0], [], []>, transpose_lhs_hint = false} : vector<1x64xf32>, vector<8x64xf32>, vector<1x8xf32> -> vector<1x8xf32>
    %get3A_90 = arith.constant 0 : index
    %get3A_91 = arith.constant 0 : index
    %get3A_92 = vector.load %arg15[%get3A_90, %get3A_91] : memref<1x8xf32, #tpu.memory_space<vmem>>, vector<1x8xf32>
    %add3A_93 = arith.addf %dot_general3A_89, %get3A_92 : vector<1x8xf32>
    %tanh3A_94 = math.tanh %add3A_93 : vector<1x8xf32>
    %swap3A_95 = arith.constant 0 : index
    %swap3A_96 = arith.constant 0 : index
    %swap3A_97 = vector.load %arg17[%swap3A_95, %swap3A_96] : memref<1x8xf32, #tpu.memory_space<vmem>>, vector<1x8xf32>
    tpu.vector_store %arg17[%swap3A_95, %swap3A_96], %tanh3A_94 {strides = array<i32>} : memref<1x8xf32, #tpu.memory_space<vmem>>, vector<1x8xf32>,
    return
  }
}

</mosaic_0001>

<sc_bundles>
// kernel: kernel.17.cloned.1.call-start
scs
__scs_entry_jumppad:
0x0: {  	(pc) =	sbr.rel $0x88, $3  }
0x1: {  	(tag) =	ssettag $0x0;
	lr =	simm.s32 $0x1  }
0x2: {  	[smem:$0x3F87] =	sst lr;
	_ =	strace $0xD0000000  }
0x3: {  	_ = 	snop  }
0x4: {  	_ = 	snop  }
0x5: {  	_ = 	snop  }
0x6: {  	_ = 	snop  }
0x7: {  	_ = 	snop  }
__scs_overlays_trampoline_lowered:
0x8: {  	[smem:$0x3F96] =	sst s0  }
0x9: {  	[smem:$0x3F97] =	sst s1  }
0xa: {  	[smem:$0x3F98] =	sst s2  }
0xb: {  	[smem:$0x3F99] =	sst s3  }
0xc: {  	[smem:$0x3F9A] =	sst s4  }
0xd: {  	[smem:$0x3F9B] =	sst s5  }
0xe: {  	[smem:$0x3F9C] =	sst s6  }
0xf: {  	[smem:$0x3F9D] =	sst s7  }
0x10: {  	[smem:$0x3F9E] =	sst s8  }
0x11: {  	[smem:$0x3F9F] =	sst s9;
	s0 =	simm.s32 @!p0 $0x0  }
0x12: {  	s1 =	sld [smem:$0x3F85];
	s0 =	simm.s32 @p0 $0x1  }
0x13: {  	[smem:$0x3FA0] =	sst s0;
	s0 =	simm.s32 @!p1 $0x0  }
0x14: {  	s2 =	sld [smem:$0x3F84];
	s0 =	simm.s32 @p1 $0x1  }
0x15: {  	[smem:$0x3FA1] =	sst s0;
	s0 =	simm.s32 @!p2 $0x0  }
0x16: {  	s3 =	sld [smem:$0x3FDB];
	s0 =	simm.s32 @p2 $0x1  }
0x17: {  	s4 =	simm.s32 $0x1BF5;
	[smem:$0x3FA3] =	sst s0  }
0x18: {  	s0 =	sld [smem:$0x3F86];
	_ =	swait.ge [sflag:s4], $0x0  }
0x19: {  	s7 =	sld [smem:$0x3F87]  }
0x1a: {  	s8 =	sadd.s32 $0xFFFFE003, lr  }
0x1b: {  	s9 =	sadd.s32 $0xFFFFFEF7, lr;
	s5 =	simm.s32 $0xFFFFFFFF;
	p2 =	slt.u32 s8, $0xFFFFF086  }
0x1c: {  	p1 =	slt.u32 s9, $0xF7A;
	s5 =	simm.s32 @!p2 $0x0  }
0x1d: {  	s5 =	simm.s32 @p1 $0x1;
	p0 =	seq.s32 s7, s2  }
0x1e: {  	s7 =	smul.u32 @!p0 $0xF7A, s2;
	p2 =	seq.s32 @!p0 s5, $0x0  }
0x1f: {  	s9 =	smul.u32 $0xF7A, s1;
	s8 =	simm.s32 @!p0 $0x1BF5;
	p2 =	por !p2, p0  }
0x20: {  	[sflag:s8] =	ssyncset.s32 @!p0 $0xFFFFF086;
	s6 =	sadd.s32 @!p0 s3, s7;
	s7 =	simm.s32 @!p0 $0x108  }
0x21: {  	s3 =	sadd.s32 s3, s9;
	s6 =	sadd.s32 @!p0 $0x88, s6;
	s7 =	simm.s32 @p2 $0x1082  }
0x22: {  	[simem:s7], [sflag:s8] =	dma.local @!p0 [hbm:s6], $0xF7A  }
0x23: {  	s9 =	sor.u32 $0xD0000000, s2;
	s6 =	simm.s32 $0x108;
	_ =	swait.ge @!p0 [sflag:s8], $0x0  }
0x24: {  	s3 =	sadd.s32 $0x88, s3;
	s6 =	simm.s32 @!p1 $0x1082;
	[sflag:s4] =	ssyncset.s32 $0xFFFFF086  }
0x25: {  	[simem:s6], [sflag:s4] =	dma.local [hbm:s3], $0xF7A  }
0x26: {  	[smem:$0x3F87] =	sst s1;
	(tag) =	ssettag s2;
	_ =	strace s9  }
0x27: {  	s1 =	sld [smem:$0x3F97]  }
0x28: {  	s2 =	sld [smem:$0x3F98]  }
0x29: {  	s4 =	sld [smem:$0x3F9A]  }
0x2a: {  	p0 =	seq.s32 s5, $0x0;
	s5 =	sld [smem:$0x3F9B]  }
0x2b: {  	s6 =	sld [smem:$0x3F9C]  }
0x2c: {  	s7 =	sld [smem:$0x3F9D]  }
0x2d: {  	s3 =	simm.s32 $0x108;
	s8 =	sld [smem:$0x3F9E]  }
0x2e: {  	s3 =	simm.s32 @!p0 $0x1082;
	s9 =	sld [smem:$0x3F9F]  }
0x2f: {  	lr =	sadd.s32 s0, s3;
	s0 =	sld [smem:$0x3F96]  }
0x30: {  	s3 =	sld [smem:$0x3F99]  }
0x31: {  	[smem:$0x3FA2] =	sst s10  }
0x32: {  	s10 =	sld [smem:$0x3FA0];
	_ =	sdelay $0x3  }
0x33: {  	p0 =	seq.s32 s10, $0x1;
	s10 =	sld [smem:$0x3FA2];
	_ =	sdelay $0x3  }
0x34: {  	[smem:$0x3FA2] =	sst s10  }
0x35: {  	s10 =	sld [smem:$0x3FA1];
	_ =	sdelay $0x3  }
0x36: {  	p1 =	seq.s32 s10, $0x1;
	s10 =	sld [smem:$0x3FA2];
	_ =	sdelay $0x3  }
0x37: {  	[smem:$0x3FA2] =	sst s10  }
0x38: {  	s10 =	sld [smem:$0x3FA3]  }
0x39: {  	_ = 	snop;
	(pc) =	sbr.ind lr, $3  }
0x3a: {  	_ = 	snop  }
0x3b: {  	_ = 	snop  }
0x3c: {  	p2 =	seq.s32 s10, $0x1;
	s10 =	sld [smem:$0x3FA2]  }
0x3d: {  	_ =	shalt  }
0x3e: {  	_ =	shalt  }
0x3f: {  	_ =	shalt  }
0x40: {  	_ =	shalt  }
0x41: {  	_ =	shalt  }
0x42: {  	_ =	shalt  }
0x43: {  	_ =	shalt  }
0x44: {  	_ =	shalt  }
0x45: {  	_ =	shalt  }
0x46: {  	_ =	shalt  }
0x47: {  	_ =	shalt  }
0x48: {  	_ =	shalt  }
0x49: {  	_ =	shalt  }
0x4a: {  	_ =	shalt  }
0x4b: {  	_ =	shalt  }
0x4c: {  	_ =	shalt  }
0x4d: {  	_ =	shalt  }
0x4e: {  	_ =	shalt  }
0x4f: {  	_ =	shalt  }
0x50: {  	_ =	shalt  }
0x51: {  	_ =	shalt  }
0x52: {  	_ =	shalt  }
0x53: {  	_ =	shalt  }
0x54: {  	_ =	shalt  }
0x55: {  	_ =	shalt  }
0x56: {  	_ =	shalt  }
0x57: {  	_ =	shalt  }
0x58: {  	_ =	shalt  }
0x59: {  	_ =	shalt  }
0x5a: {  	_ =	shalt  }
0x5b: {  	_ =	shalt  }
0x5c: {  	_ =	shalt  }
0x5d: {  	_ =	shalt  }
0x5e: {  	_ =	shalt  }
0x5f: {  	_ =	shalt  }
0x60: {  	_ =	shalt  }
0x61: {  	_ =	shalt  }
0x62: {  	_ =	shalt  }
0x63: {  	_ =	shalt  }
0x64: {  	_ =	shalt  }
0x65: {  	_ =	shalt  }
0x66: {  	_ =	shalt  }
0x67: {  	_ =	shalt  }
0x68: {  	_ =	shalt  }
0x69: {  	_ =	shalt  }
0x6a: {  	_ =	shalt  }
0x6b: {  	_ =	shalt  }
0x6c: {  	_ =	shalt  }
0x6d: {  	_ =	shalt  }
0x6e: {  	_ =	shalt  }
0x6f: {  	_ =	shalt  }
0x70: {  	_ =	shalt  }
0x71: {  	_ =	shalt  }
0x72: {  	_ =	shalt  }
0x73: {  	_ =	shalt  }
0x74: {  	_ =	shalt  }
0x75: {  	_ =	shalt  }
0x76: {  	_ =	shalt  }
0x77: {  	_ =	shalt  }
0x78: {  	_ =	shalt  }
0x79: {  	_ =	shalt  }
0x7a: {  	_ =	shalt  }
0x7b: {  	_ =	shalt  }
0x7c: {  	_ =	shalt  }
0x7d: {  	_ =	shalt  }
0x7e: {  	_ =	shalt  }
0x7f: {  	_ =	shalt  }
0x80: {  	_ =	shalt  }
0x81: {  	_ =	shalt  }
0x82: {  	_ =	shalt  }
0x83: {  	_ =	shalt  }
0x84: {  	_ =	shalt  }
0x85: {  	_ =	shalt  }
0x86: {  	_ =	shalt  }
0x87: {  	_ =	shalt  }
.Lfunc_end0:
.L_simem_size_0:
called_computation_lowered:
.L_overlay_start_0:
0x88: {  	s2 =	sld [smem:$0x3FD9]  }
0x89: {  	s3 =	sld [smem:$0x3FFE];
	_ =	sdelay $0x1  }
0x8a: {  	s1 =	srdreg.scid  }
0x8b: {  	s0 =	sand.u32 $0x1, s1  }
0x8c: {  	s17 =	sshll.u32 s0, $0xA;
	s2 =	sadd.s32 s3, s2  }
0x8d: {  	s2 =	sadd.s32 s2, s17  }
0x8e: {  	[smem:$0x3FAE] =	sst s2  }
0x8f: {  	_ = 	snop  }
0x90: {  	(tm) =	ssettm $0x1  }
0x91: {  	s18 =	sld [smem:$0x3FFB];
	_ =	sdelay $0x3  }
0x92: {  	_ =	strace s18  }
0x93: {  	s2 =	sld [smem:$0x3FFC];
	_ =	sdelay $0x3  }
0x94: {  	_ =	strace s2  }
0x95: {  	s2 =	sld [smem:$0x3FFD];
	_ =	sdelay $0x3  }
0x96: {  	_ =	strace s2  }
0x97: {  	_ =	strace $0x8FFFFFFF  }
0x98: {  	s19 =	sld [smem:$0x3FDB];
	_ =	sdelay $0x1  }
0x99: {  	s20 =	simm.s32 $_scs_section_size  }
0x9a: {  	s4 =	simm.s32 $_size__tile_overlayer_lowered;
	s5 =	simm.s32 $_tile_overlayer_lowered  }
0x9b: {  	s6 =	simm.s32 $0x1BFF;
	s21 =	sshll.u32 s5, $0x1;
	s3 =	sadd.s32 s20, s19  }
0x9c: {  	s22 =	simm.s32 $0x0;
	s4 =	sshll.u32 s4, $0x1;
	s5 =	sadd.s32 s21, s3  }
0x9d: {  	[timem:s22], [sflag:s6] =	dma.local [hbm:s5], s4  }
0x9e: {  	_ =	swait.ge [sflag:s6], s4  }
0x9f: {  	s4 =	ssub.s32 $0x0, s4;
	[sflag:s6] =	ssyncset.done $0x0  }
0xa0: {  	[sflag:s6] =	ssyncadd.s32 s4;
	_ =	sdelay $0x1  }
0xa1: {  	s23 =	simm.s32 $0x1B8B  }
0xa2: {  	_ =	swait.ge [sflag:s23], $0x1  }
0xa3: {  	[sflag:s23] =	ssyncset.done $0x0  }
0xa4: {  	[sflag:s23] =	ssyncadd.s32 $0xFFFFFFFF  }
0xa5: {  	s4 =	sld [smem:$0x0]  }
0xa6: {  	s5 =	sand.u32 $0xFFFFFFFE, s1  }
0xa7: {  	p0 =	sne.s32 s1, s5  }
0xa8: {  	s5 =	sshll.u32 @p0 s5, $0xE  }
0xa9: {  	s5 =	sadd.s32 @p0 $0x11B8D, s5;
	s6 =	sshll.u32 @p0 s4, $0x11  }
0xaa: {  	s5 =	sor.u32 @p0 s6, s5  }
0xab: {  	[sflag:s5] =	ssyncadd.remote.s32 @p0 $0x1;
	_ =	sdelay $0x1  }
0xac: {  	s5 =	simm.s32 @p0 $0x1B8D  }
0xad: {  	_ =	swait.eq @p0 [sflag:s5], $0x1  }
0xae: {  	[sflag:s5] =	ssyncadd.s32 @p0 $0xFFFFFFFF  }
0xaf: {  	s6 =	sshll.u32 @!p0 s1, $0xE  }
0xb0: {  	s6 =	sor.u32 @!p0 $0x4000, s6;
	s5 =	simm.s32 @!p0 $0x1B8D  }
0xb1: {  	s4 =	sshll.u32 @!p0 s4, $0x11;
	s6 =	sadd.s32 @!p0 $0x11B8D, s6;
	_ =	swait.eq @!p0 [sflag:s5], $0x1  }
0xb2: {  	s4 =	sor.u32 @!p0 s4, s6;
	[sflag:s5] =	ssyncadd.s32 @!p0 $0xFFFFFFFF  }
0xb3: {  	s25 =	simm.s32 $0x1B8E;
	s24 =	sld [smem:$0x3FFE];
	[sflag:s4] =	ssyncadd.remote.s32 @!p0 $0x1  }
0xb4: {  	s26 =	simm.s32 $execute0_lowered;
	[smem:$0x3FD2] =	sst s25  }
0xb5: {  	s5 =	sshll.u32 s26, $0x1;
	_ =	strace $0x80000049;
	[dreg:$0x1] =	wrdreg $0xFFFFFFFF  }
0xb6: {  	s28 =	simm.s32 $_size_execute0_lowered;
	s3 =	sadd.s32 s3, s5;
	[dreg:$0x0] =	wrdreg $0x0  }
0xb7: {  	s5 =	sshll.u32 s28, $0x1;
	[dreg:$0x2] =	wrdreg s3  }
0xb8: {  	[dreg:$0x3] =	wrdreg s5  }
0xb9: {  	[dreg:$0x4] =	wrdreg $0xC0  }
0xba: {  	_ =	task [dreg:s22], $0x5FFFF  }
0xbb: {  	[dreg:$0x1] =	wrdreg $0xFFFFFFFF  }
0xbc: {  	[dreg:$0x0] =	wrdreg $0x60  }
0xbd: {  	[dreg:$0x2] =	wrdreg s24  }
0xbe: {  	[dreg:$0x3] =	wrdreg $0x40800  }
0xbf: {  	[dreg:$0x4] =	wrdreg $0x9  }
0xc0: {  	_ =	task.clear_ibuf [dreg:s22], $0x5FFFF;
	_ =	strace $0x90000049  }
0xc1: {  	s29 =	simm.s32 $0x9;
	_ =	strace $0x8000004B  }
0xc2: {  	_ =	swait.ge [sflag:s29], $0x1  }
0xc3: {  	[sflag:s29] =	ssyncadd.s32 $0xFFFFFFFF  }
0xc4: {  	_ =	strace $0x9000004B  }
0xc5: {  	_ =	sfence  }
0xc6: {  	s30 =	sld [smem:$0x0];
	_ =	sdelay $0x2  }
0xc7: {  	s31 =	sshll.u32 s1, $0xD;
	s1 =	sshrl.u32 s1, $0x2  }
0xc8: {  	s4 =	sand.u32 $0x4000, s31;
	s1 =	sadd.s32 s1, s30  }
0xc9: {  	s0 =	sor.u32 s4, s0;
	s1 =	sshll.u32 s1, $0x11  }
0xca: {  	s0 =	sor.u32 s1, s0  }
0xcb: {  	s0 =	sadd.s32 $0x8F2B, s0  }
0xcc: {  	[sflag:s0] =	ssyncadd.remote.s32 $0x1  }
0xcd: {  	_ =	sfence.sel $0xFFFF  }
0xce: {  	[dreg:$0x0] =	wrdreg $0xFFFFFFFF;
	(pc) =	sbr.abs _section_cstart, $3  }
0xcf: {  	[dreg:$0x1] =	wrdreg $0xFFFFFFFF  }
0xd0: {  	_ =	task.clear_ibuf [dreg:s22], $0x2FFFF;
	_ =	strace $0x9FFFFFFF  }
0xd1: {  	(tm) =	ssettm $0x7FFFFFFF  }
tec
execute0_lowered:
.L_overlay_start_1:
0x0: {  	(tag) =	ssettag $0x1  }
0x1: {  	s5 =	rddreg [dreg:$0x0]  }
0x2: {  	s1 =	rddreg [dreg:$0x1]  }
0x3: {  	s0 =	rddreg [dreg:$0x2];
	s12 =	stileid.u32  }
0x4: {  	s2 =	simm.s32 $0x0;
	s4 =	srdreg.scid;
	s3 =	smul.u32 $0x9E0, s12  }
0x5: {  	[smem:$0x7FF] =	sst s2;
	s6 =	sand.u32 $0x1, s4;
	s10 =	smul.u32 $0x50000, s12  }
0x6: {  	s4 =	sadd.s32 $0x41E00, s5;
	s14 =	smul.u32 $0x2800, s12;
	p0 =	sne.s32 s12, $0x0  }
0x7: {  	s12 =	sshll.u32 s12, $0x6;
	_ =	strace $0x8000004A;
	s8 =	smul.u32 $0x28000, s6  }
0x8: {  	s9 =	ssub.s32 $0x2, s6;
	s6 =	smul.u32 $0x4F0, s6;
	s12 =	sor.u32 $0x1C02, s12  }
0x9: {  	s7 =	sadd.s32 s3, s5;
	s3 =	sadd.s32 $0xB9E00, s5;
	s30 =	sshrl.u32 s9, $0x1  }
0xa: {  	s31 =	sshrl.u32 s10, $0x2;
	s10 =	simm.s32 $0x2;
	s5 =	sadd.s32 s8, s5  }
0xb: {  	s8 =	ssub.s32 s9, s30;
	s13 =	sadd.s32 s31, s1;
	s6 =	sadd.s32 s6, s7  }
0xc: {  	s7 =	sshrl.u32 @!p0 s1, $0x3;
	s9 =	simm.s32 $0x1;
	s11 =	sadd.s32 $0xBA600, s5  }
0xd: {  	s5 =	smax.u32 s8, $0x1;
	s6 =	sadd.s32 $0x7000, s6;
	s8 =	simm.s32 $0x80  }
0xe: {  	s13 =	sshrl.u32 s13, $0x3;
	s11 =	sadd.s32 s14, s11;
	s14 =	simm.s32 $0x0  }
.LBB2_1:
0xf: {  	s15 =	simm.s32 @!p0 $0x1C02  }
0x10: {  	[spmem:s7], [sflag:s15] =	dma.local @!p0 [hbm:s4], $0x28000  }
0x11: {  	s15 =	simm.s32 @!p0 $0x2  }
0x12: {  	_ =	swait.ge @!p0 [sflag:s15], $0x28000  }
0x13: {  	[sflag:s15] =	ssyncset.done @!p0 $0x0  }
0x14: {  	[sflag:s15] =	ssyncadd.s32 @!p0 $0xFFFD8000  }
0x15: {  	[tilespmem:s8], [sflag:$0x1] =	stream.linear.gather [hbm4b:s3+s2], $0x4000, $0x38;
	[tilespmem:$0x18080] =	vst v63  }
0x16: {  	_ =	swait.ge [sflag:s9], $0x4000  }
0x17: {  	[sflag:s9] =	ssyncset.done $0x0  }
0x18: {  	[sflag:s9] =	ssyncadd.s32 $0xFFFFC000  }
0x19: {  	s31 =	sadd.s32 $0x0, s6;
	[bflag:$0x0] =	sbarrier.arrive $0xFFFF  }
0x1a: {  	[tilespmem:s2], [sflag:$0x2] =	stream.linear.gather [hbm4b:s31+s2], $0x80, $0x38;
	[tilespmem:$0x18080] =	vst v63  }
0x1b: {  	_ =	swait.ge [sflag:s10], $0x80  }
0x1c: {  	[sflag:s10] =	ssyncset.done $0x0  }
0x1d: {  	[sflag:s10] =	ssyncadd.s32 $0xFFFFFF80  }
0x1e: {  	[spmem:s1] =	stream.indirect.scatter.add.f32 [tilespmem:s8], [sflag:$0x2], $0x80, s2, s8, $0xb8;
	[tilespmem:$0x18080] =	vst v63  }
0x1f: {  	_ =	swait.ge [sflag:s10], $0x4000  }
0x20: {  	s16 =	simm.s32 $0x20;
	s15 =	simm.s32 $0x10;
	[sflag:s10] =	ssyncset.done $0x0  }
.LBB2_2:
0x21: {  	s17 =	sadd.s32 s15, s6  }
0x22: {  	[sflag:s10] =	ssyncadd.s32 $0xFFFFC000;
	s15 =	smov.u32 s16;
	s18 =	sadd.s32 $0x10, s16  }
0x23: {  	[tilespmem:s2], [sflag:$0x2] =	stream.linear.gather [hbm4b:s17+s2], $0x80, $0x38;
	[tilespmem:$0x18080] =	vst v63  }
0x24: {  	p1 =	sne.s32 s16, $0x4E0;
	_ =	swait.ge [sflag:s10], $0x80  }
.Ltmp0:
0x25: {  	[sflag:s10] =	ssyncset.done $0x0;
	(pc) =	sbr.rel @p1 .LBB2_2-.Ltmp0, $4  }
0x26: {  	[sflag:s10] =	ssyncadd.s32 $0xFFFFFF80  }
0x27: {  	[spmem:s1] =	stream.indirect.scatter.add.f32 [tilespmem:s8], [sflag:$0x2], $0x80, s2, s8, $0xb8;
	[tilespmem:$0x18080] =	vst v63  }
0x28: {  	_ =	swait.ge [sflag:s10], $0x4000  }
0x29: {  	s16 =	smov.u32 s18;
	[sflag:s10] =	ssyncset.done $0x0  }
0x2a: {  	s15 =	sadd.s32 s15, s6;
	[sflag:s10] =	ssyncadd.s32 $0xFFFFC000  }
0x2b: {  	[tilespmem:s2], [sflag:$0x2] =	stream.linear.gather [hbm4b:s15+s2], $0x80, $0x38;
	[tilespmem:$0x18080] =	vst v63  }
0x2c: {  	_ =	swait.ge [sflag:s10], $0x80  }
0x2d: {  	[sflag:s10] =	ssyncset.done $0x0  }
0x2e: {  	[sflag:s10] =	ssyncadd.s32 $0xFFFFFF80  }
0x2f: {  	[spmem:s1] =	stream.indirect.scatter.add.f32 [tilespmem:s8], [sflag:$0x2], $0x80, s2, s8, $0xb8;
	[tilespmem:$0x18080] =	vst v63  }
0x30: {  	_ =	swait.ge [sflag:s10], $0x4000  }
0x31: {  	s14 =	sadd.s32 $0x1, s14;
	[sflag:s10] =	ssyncset.done $0x0  }
0x32: {  	p1 =	sne.s32 s14, s5;
	[sflag:s10] =	ssyncadd.s32 $0xFFFFC000  }
.Ltmp1:
0x33: {  	[bflag:$0x0] =	sbarrier.arrive $0xFFFF;
	(pc) =	sbr.rel @p1 .LBB2_1-.Ltmp1, $4  }
0x34: {  	[hbm:s11], [sflag:s12] =	dma.local [spmem:s13], $0x2800  }
0x35: {  	_ =	swait.ge [sflag:s10], $0x2800  }
0x36: {  	[sflag:s10] =	ssyncset.done $0x0  }
0x37: {  	[sflag:s10] =	ssyncadd.s32 $0xFFFFD800  }
0x38: {  	_ =	sfence.sel $0x180000  }
0x39: {  	[bflag:$0x0] =	sbarrier.arrive $0xFFFF  }
0x3a: {  	_ =	strace $0x9000004A  }
0x3b: {  	s0 =	sadd.s32 @!p0 $0x100000, s0;
	[bflag:$0x2] =	sbarrier.arrive $0xFFFF  }
0x3c: {  	[sflag:s0] =	ssyncadd.tile.s32 @!p0 $0x1;
	_ =	shalt  }
.Lfunc_end2:
_tile_overlayer_lowered:
.L_overlay_start_2:
0x3d: {  	(tag) =	ssettag $0x2  }
0x3e: {  	s0 =	rddreg [dreg:$0x0];
	s2 =	stileid.u32  }
0x3f: {  	s1 =	rddreg [dreg:$0x1];
	p0 =	sne.s32 s2, $0x0  }
0x40: {  	s3 =	rddreg [dreg:$0x2];
	[bflag:$0x3] =	sbarrier.arrive $0xFFFF;
	s2 =	simm.s32 @!p0 $0x1C02  }
0x41: {  	[timem:s3], [sflag:s2] =	dma.local @!p0 [hbm:s0], s1  }
0x42: {  	s0 =	simm.s32 @!p0 $0x2  }
0x43: {  	_ =	swait.ge @!p0 [sflag:s0], s1  }
0x44: {  	s1 =	ssub.s32 @!p0 $0x0, s1;
	[sflag:s0] =	ssyncset.done @!p0 $0x0  }
0x45: {  	[sflag:s0] =	ssyncadd.s32 @!p0 s1  }
0x46: {  	[bflag:$0x3] =	sbarrier.arrive $0xFFFF  }
0x47: {  	_ =	shalt  }

// kernel: kernel.20.cloned.1.call-start
scs
__scs_entry_jumppad:
0x0: {  	(pc) =	sbr.rel $0x88, $3  }
0x1: {  	(tag) =	ssettag $0x0;
	lr =	simm.s32 $0x1  }
0x2: {  	[smem:$0x3F87] =	sst lr;
	_ =	strace $0xD0000000  }
0x3: {  	_ = 	snop  }
0x4: {  	_ = 	snop  }
0x5: {  	_ = 	snop  }
0x6: {  	_ = 	snop  }
0x7: {  	_ = 	snop  }
__scs_overlays_trampoline_lowered:
0x8: {  	[smem:$0x3F96] =	sst s0  }
0x9: {  	[smem:$0x3F97] =	sst s1  }
0xa: {  	[smem:$0x3F98] =	sst s2  }
0xb: {  	[smem:$0x3F99] =	sst s3  }
0xc: {  	[smem:$0x3F9A] =	sst s4  }
0xd: {  	[smem:$0x3F9B] =	sst s5  }
0xe: {  	[smem:$0x3F9C] =	sst s6  }
0xf: {  	[smem:$0x3F9D] =	sst s7  }
0x10: {  	[smem:$0x3F9E] =	sst s8  }
0x11: {  	[smem:$0x3F9F] =	sst s9;
	s0 =	simm.s32 @!p0 $0x0  }
0x12: {  	s1 =	sld [smem:$0x3F85];
	s0 =	simm.s32 @p0 $0x1  }
0x13: {  	[smem:$0x3FA0] =	sst s0;
	s0 =	simm.s32 @!p1 $0x0  }
0x14: {  	s2 =	sld [smem:$0x3F84];
	s0 =	simm.s32 @p1 $0x1  }
0x15: {  	[smem:$0x3FA1] =	sst s0;
	s0 =	simm.s32 @!p2 $0x0  }
0x16: {  	s3 =	sld [smem:$0x3FDB];
	s0 =	simm.s32 @p2 $0x1  }
0x17: {  	s4 =	simm.s32 $0x1BF5;
	[smem:$0x3FA3] =	sst s0  }
0x18: {  	s0 =	sld [smem:$0x3F86];
	_ =	swait.ge [sflag:s4], $0x0  }
0x19: {  	s7 =	sld [smem:$0x3F87]  }
0x1a: {  	s8 =	sadd.s32 $0xFFFFE003, lr  }
0x1b: {  	s9 =	sadd.s32 $0xFFFFFEF7, lr;
	s5 =	simm.s32 $0xFFFFFFFF;
	p2 =	slt.u32 s8, $0xFFFFF086  }
0x1c: {  	p1 =	slt.u32 s9, $0xF7A;
	s5 =	simm.s32 @!p2 $0x0  }
0x1d: {  	s5 =	simm.s32 @p1 $0x1;
	p0 =	seq.s32 s7, s2  }
0x1e: {  	s7 =	smul.u32 @!p0 $0xF7A, s2;
	p2 =	seq.s32 @!p0 s5, $0x0  }
0x1f: {  	s9 =	smul.u32 $0xF7A, s1;
	s8 =	simm.s32 @!p0 $0x1BF5;
	p2 =	por !p2, p0  }
0x20: {  	[sflag:s8] =	ssyncset.s32 @!p0 $0xFFFFF086;
	s6 =	sadd.s32 @!p0 s3, s7;
	s7 =	simm.s32 @!p0 $0x108  }
0x21: {  	s3 =	sadd.s32 s3, s9;
	s6 =	sadd.s32 @!p0 $0x88, s6;
	s7 =	simm.s32 @p2 $0x1082  }
0x22: {  	[simem:s7], [sflag:s8] =	dma.local @!p0 [hbm:s6], $0xF7A  }
0x23: {  	s9 =	sor.u32 $0xD0000000, s2;
	s6 =	simm.s32 $0x108;
	_ =	swait.ge @!p0 [sflag:s8], $0x0  }
0x24: {  	s3 =	sadd.s32 $0x88, s3;
	s6 =	simm.s32 @!p1 $0x1082;
	[sflag:s4] =	ssyncset.s32 $0xFFFFF086  }
0x25: {  	[simem:s6], [sflag:s4] =	dma.local [hbm:s3], $0xF7A  }
0x26: {  	[smem:$0x3F87] =	sst s1;
	(tag) =	ssettag s2;
	_ =	strace s9  }
0x27: {  	s1 =	sld [smem:$0x3F97]  }
0x28: {  	s2 =	sld [smem:$0x3F98]  }
0x29: {  	s4 =	sld [smem:$0x3F9A]  }
0x2a: {  	p0 =	seq.s32 s5, $0x0;
	s5 =	sld [smem:$0x3F9B]  }
0x2b: {  	s6 =	sld [smem:$0x3F9C]  }
0x2c: {  	s7 =	sld [smem:$0x3F9D]  }
0x2d: {  	s3 =	simm.s32 $0x108;
	s8 =	sld [smem:$0x3F9E]  }
0x2e: {  	s3 =	simm.s32 @!p0 $0x1082;
	s9 =	sld [smem:$0x3F9F]  }
0x2f: {  	lr =	sadd.s32 s0, s3;
	s0 =	sld [smem:$0x3F96]  }
0x30: {  	s3 =	sld [smem:$0x3F99]  }
0x31: {  	[smem:$0x3FA2] =	sst s10  }
0x32: {  	s10 =	sld [smem:$0x3FA0];
	_ =	sdelay $0x3  }
0x33: {  	p0 =	seq.s32 s10, $0x1;
	s10 =	sld [smem:$0x3FA2];
	_ =	sdelay $0x3  }
0x34: {  	[smem:$0x3FA2] =	sst s10  }
0x35: {  	s10 =	sld [smem:$0x3FA1];
	_ =	sdelay $0x3  }
0x36: {  	p1 =	seq.s32 s10, $0x1;
	s10 =	sld [smem:$0x3FA2];
	_ =	sdelay $0x3  }
0x37: {  	[smem:$0x3FA2] =	sst s10  }
0x38: {  	s10 =	sld [smem:$0x3FA3]  }
0x39: {  	_ = 	snop;
	(pc) =	sbr.ind lr, $3  }
0x3a: {  	_ = 	snop  }
0x3b: {  	_ = 	snop  }
0x3c: {  	p2 =	seq.s32 s10, $0x1;
	s10 =	sld [smem:$0x3FA2]  }
0x3d: {  	_ =	shalt  }
0x3e: {  	_ =	shalt  }
0x3f: {  	_ =	shalt  }
0x40: {  	_ =	shalt  }
0x41: {  	_ =	shalt  }
0x42: {  	_ =	shalt  }
0x43: {  	_ =	shalt  }
0x44: {  	_ =	shalt  }
0x45: {  	_ =	shalt  }
0x46: {  	_ =	shalt  }
0x47: {  	_ =	shalt  }
0x48: {  	_ =	shalt  }
0x49: {  	_ =	shalt  }
0x4a: {  	_ =	shalt  }
0x4b: {  	_ =	shalt  }
0x4c: {  	_ =	shalt  }
0x4d: {  	_ =	shalt  }
0x4e: {  	_ =	shalt  }
0x4f: {  	_ =	shalt  }
0x50: {  	_ =	shalt  }
0x51: {  	_ =	shalt  }
0x52: {  	_ =	shalt  }
0x53: {  	_ =	shalt  }
0x54: {  	_ =	shalt  }
0x55: {  	_ =	shalt  }
0x56: {  	_ =	shalt  }
0x57: {  	_ =	shalt  }
0x58: {  	_ =	shalt  }
0x59: {  	_ =	shalt  }
0x5a: {  	_ =	shalt  }
0x5b: {  	_ =	shalt  }
0x5c: {  	_ =	shalt  }
0x5d: {  	_ =	shalt  }
0x5e: {  	_ =	shalt  }
0x5f: {  	_ =	shalt  }
0x60: {  	_ =	shalt  }
0x61: {  	_ =	shalt  }
0x62: {  	_ =	shalt  }
0x63: {  	_ =	shalt  }
0x64: {  	_ =	shalt  }
0x65: {  	_ =	shalt  }
0x66: {  	_ =	shalt  }
0x67: {  	_ =	shalt  }
0x68: {  	_ =	shalt  }
0x69: {  	_ =	shalt  }
0x6a: {  	_ =	shalt  }
0x6b: {  	_ =	shalt  }
0x6c: {  	_ =	shalt  }
0x6d: {  	_ =	shalt  }
0x6e: {  	_ =	shalt  }
0x6f: {  	_ =	shalt  }
0x70: {  	_ =	shalt  }
0x71: {  	_ =	shalt  }
0x72: {  	_ =	shalt  }
0x73: {  	_ =	shalt  }
0x74: {  	_ =	shalt  }
0x75: {  	_ =	shalt  }
0x76: {  	_ =	shalt  }
0x77: {  	_ =	shalt  }
0x78: {  	_ =	shalt  }
0x79: {  	_ =	shalt  }
0x7a: {  	_ =	shalt  }
0x7b: {  	_ =	shalt  }
0x7c: {  	_ =	shalt  }
0x7d: {  	_ =	shalt  }
0x7e: {  	_ =	shalt  }
0x7f: {  	_ =	shalt  }
0x80: {  	_ =	shalt  }
0x81: {  	_ =	shalt  }
0x82: {  	_ =	shalt  }
0x83: {  	_ =	shalt  }
0x84: {  	_ =	shalt  }
0x85: {  	_ =	shalt  }
0x86: {  	_ =	shalt  }
0x87: {  	_ =	shalt  }
.Lfunc_end0:
.L_simem_size_0:
called_computation.1_lowered:
.L_overlay_start_0:
0x88: {  	s2 =	sld [smem:$0x3FD9]  }
0x89: {  	s3 =	sld [smem:$0x3FFE];
	_ =	sdelay $0x1  }
0x8a: {  	s1 =	srdreg.scid  }
0x8b: {  	s0 =	sand.u32 $0x1, s1  }
0x8c: {  	s16 =	sshll.u32 s0, $0xA;
	s2 =	sadd.s32 s3, s2  }
0x8d: {  	s2 =	sadd.s32 s2, s16  }
0x8e: {  	[smem:$0x3FAE] =	sst s2  }
0x8f: {  	_ = 	snop  }
0x90: {  	(tm) =	ssettm $0x1  }
0x91: {  	s17 =	sld [smem:$0x3FFB];
	_ =	sdelay $0x3  }
0x92: {  	_ =	strace s17  }
0x93: {  	s2 =	sld [smem:$0x3FFC];
	_ =	sdelay $0x3  }
0x94: {  	_ =	strace s2  }
0x95: {  	s2 =	sld [smem:$0x3FFD];
	_ =	sdelay $0x3  }
0x96: {  	_ =	strace s2  }
0x97: {  	_ =	strace $0x8FFFFFFF  }
0x98: {  	s18 =	sld [smem:$0x3FDB];
	_ =	sdelay $0x1  }
0x99: {  	s19 =	simm.s32 $_scs_section_size  }
0x9a: {  	s4 =	simm.s32 $_size__tile_overlayer_lowered;
	s5 =	simm.s32 $_tile_overlayer_lowered  }
0x9b: {  	s22 =	simm.s32 $0x1BFF;
	s21 =	sshll.u32 s5, $0x1;
	s2 =	sadd.s32 s19, s18  }
0x9c: {  	s6 =	simm.s32 $0x0;
	s20 =	sshll.u32 s4, $0x1;
	s4 =	sadd.s32 s21, s2  }
0x9d: {  	[timem:s6], [sflag:s22] =	dma.local [hbm:s4], s20  }
0x9e: {  	_ =	swait.ge [sflag:s22], s20  }
0x9f: {  	s3 =	ssub.s32 $0x0, s20;
	[sflag:s22] =	ssyncset.done $0x0  }
0xa0: {  	[sflag:s22] =	ssyncadd.s32 s3;
	_ =	sdelay $0x1  }
0xa1: {  	s23 =	simm.s32 $0x1B8B  }
0xa2: {  	_ =	swait.ge [sflag:s23], $0x1  }
0xa3: {  	[sflag:s23] =	ssyncset.done $0x0  }
0xa4: {  	s25 =	simm.s32 $0x1B8E;
	s24 =	sld [smem:$0x3FFE];
	[sflag:s23] =	ssyncadd.s32 $0xFFFFFFFF  }
0xa5: {  	s26 =	simm.s32 $execute0_lowered;
	[smem:$0x3FD2] =	sst s25  }
0xa6: {  	s4 =	sshll.u32 s26, $0x1;
	_ =	strace $0x80000046;
	[dreg:$0x1] =	wrdreg $0xFFFFFFFF  }
0xa7: {  	s28 =	simm.s32 $_size_execute0_lowered;
	s2 =	sadd.s32 s2, s4;
	[dreg:$0x0] =	wrdreg $0x0  }
0xa8: {  	s4 =	sshll.u32 s28, $0x1;
	[dreg:$0x2] =	wrdreg s2  }
0xa9: {  	[dreg:$0x3] =	wrdreg s4  }
0xaa: {  	[dreg:$0x4] =	wrdreg $0xC0  }
0xab: {  	_ =	task [dreg:s6], $0x5FFFF  }
0xac: {  	[dreg:$0x1] =	wrdreg $0xFFFFFFFF  }
0xad: {  	[dreg:$0x0] =	wrdreg $0x60  }
0xae: {  	[dreg:$0x2] =	wrdreg s24  }
0xaf: {  	[dreg:$0x3] =	wrdreg $0x41000  }
0xb0: {  	[dreg:$0x4] =	wrdreg $0xA  }
0xb1: {  	_ =	task.clear_ibuf [dreg:s6], $0x5FFFF;
	_ =	strace $0x90000046  }
0xb2: {  	s29 =	simm.s32 $0xA;
	_ =	strace $0x80000048  }
0xb3: {  	_ =	swait.ge [sflag:s29], $0x1  }
0xb4: {  	[sflag:s29] =	ssyncadd.s32 $0xFFFFFFFF  }
0xb5: {  	_ =	strace $0x90000048  }
0xb6: {  	_ =	sfence  }
0xb7: {  	s30 =	sld [smem:$0x0];
	_ =	sdelay $0x2  }
0xb8: {  	s31 =	sshll.u32 s1, $0xD;
	s1 =	sshrl.u32 s1, $0x2  }
0xb9: {  	s3 =	sand.u32 $0x4000, s31;
	s1 =	sadd.s32 s1, s30  }
0xba: {  	s0 =	sor.u32 s3, s0;
	s1 =	sshll.u32 s1, $0x11  }
0xbb: {  	s0 =	sor.u32 s1, s0  }
0xbc: {  	s0 =	sadd.s32 $0x8F2B, s0  }
0xbd: {  	[sflag:s0] =	ssyncadd.remote.s32 $0x1  }
0xbe: {  	_ =	sfence.sel $0xFFFF  }
0xbf: {  	[dreg:$0x0] =	wrdreg $0xFFFFFFFF;
	(pc) =	sbr.abs _section_cstart, $3  }
0xc0: {  	[dreg:$0x1] =	wrdreg $0xFFFFFFFF  }
0xc1: {  	_ =	task.clear_ibuf [dreg:s6], $0x2FFFF;
	_ =	strace $0x9FFFFFFF  }
0xc2: {  	(tm) =	ssettm $0x7FFFFFFF  }
0xc3: {  	_ =	shalt  }
tec
execute0_lowered:
.L_overlay_start_1:
0x0: {  	(tag) =	ssettag $0x1  }
0x1: {  	s5 =	rddreg [dreg:$0x0]  }
0x2: {  	s2 =	rddreg [dreg:$0x1];
	s1 =	stileid.u32  }
0x3: {  	s0 =	rddreg [dreg:$0x2];
	s3 =	simm.s32 $0x0;
	s6 =	smul.u32 $0x9E0, s1  }
0x4: {  	s4 =	srdreg.scid;
	s18 =	simm.s32 $0x0;
	s12 =	smul.u32 $0x50000, s1  }
0x5: {  	[smem:$0x7FF] =	sst s3;
	s7 =	sshrl.u32 s1, $0x2;
	s16 =	smul.u32 $0x2800, s1  }
0x6: {  	s9 =	sand.u32 $0x1, s4;
	s4 =	sadd.s32 $0x1AC00, s5;
	s8 =	smul.u32 $0xA000, s7  }
0x7: {  	s13 =	sand.u32 $0x3, s1;
	s31 =	sshll.u32 s1, $0x6;
	s10 =	smul.u32 $0x28000, s9  }
0x8: {  	_ =	strace $0x80000047;
	s11 =	ssub.s32 $0x2, s9;
	s7 =	smul.u32 $0x140000, s7  }
0x9: {  	s9 =	smul.u32 $0x4F0, s9;
	p0 =	sne.s32 s13, $0x0;
	s13 =	simm.s32 $0x100  }
0xa: {  	s6 =	sadd.s32 s6, s5;
	s26 =	sshrl.u32 s11, $0x1;
	s29 =	sshrl.u32 s12, $0x2  }
0xb: {  	s12 =	simm.s32 $0x80;
	s8 =	sadd.s32 s8, s5;
	s10 =	sadd.s32 s10, s5  }
0xc: {  	s11 =	ssub.s32 s11, s26;
	s28 =	sshrl.u32 s7, $0x2;
	s17 =	sadd.s32 s29, s2  }
0xd: {  	s30 =	sadd.s32 s9, s6;
	s9 =	sshll.u32 @!p0 s1, $0x6;
	s14 =	sadd.s32 s28, s2  }
0xe: {  	s5 =	sadd.s32 $0x41E00, s8;
	s15 =	sadd.s32 $0x69E00, s10;
	s6 =	smax.u32 s11, $0x1  }
0xf: {  	s7 =	sadd.s32 $0x7000, s30;
	s8 =	sadd.s32 $0x10E00, s30;
	s9 =	sor.u32 @!p0 $0x1C02, s9  }
0x10: {  	s11 =	simm.s32 $0x2;
	s17 =	sshrl.u32 s17, $0x3;
	s10 =	sshrl.u32 @!p0 s14, $0x3  }
0x11: {  	s14 =	simm.s32 $0x1;
	s15 =	sadd.s32 s16, s15;
	s16 =	sor.u32 $0x1C02, s31  }
.LBB2_1:
0x12: {  	[spmem:s10], [sflag:s9] =	dma.local @!p0 [hbm:s5], $0xA000  }
0x13: {  	s19 =	simm.s32 @!p0 $0x2  }
0x14: {  	_ =	swait.ge @!p0 [sflag:s19], $0xA000  }
0x15: {  	[sflag:s19] =	ssyncset.done @!p0 $0x0  }
0x16: {  	[sflag:s19] =	ssyncadd.s32 @!p0 $0xFFFF6000  }
0x17: {  	s30 =	sadd.s32 $0x0, s8;
	[bflag:$0x0] =	sbarrier.arrive $0xFFFF  }
0x18: {  	[tilespmem:s3], [sflag:$0x2] =	stream.linear.gather [hbm4b:s30+s3], $0x80, $0x38;
	[tilespmem:$0x18100] =	vst v63  }
0x19: {  	_ =	swait.ge [sflag:s11], $0x80  }
0x1a: {  	[sflag:s11] =	ssyncset.done $0x0  }
0x1b: {  	s31 =	sadd.s32 $0x0, s7;
	[sflag:s11] =	ssyncadd.s32 $0xFFFFFF80  }
0x1c: {  	[tilespmem:s12], [sflag:$0x2] =	stream.linear.gather [hbm4b:s31+s3], $0x80, $0x38;
	[tilespmem:$0x18100] =	vst v63  }
0x1d: {  	_ =	swait.ge [sflag:s11], $0x80  }
0x1e: {  	[sflag:s11] =	ssyncset.done $0x0  }
0x1f: {  	[sflag:s11] =	ssyncadd.s32 $0xFFFFFF80  }
0x20: {  	[tilespmem:s13], [sflag:$0x1] =	stream.indirect.gather [hbm4b:s4+s12], $0x80, s3, s12, $0xb8;
	[tilespmem:$0x18100] =	vst v63  }
0x21: {  	_ =	swait.ge [sflag:s14], $0x4000  }
0x22: {  	[sflag:s14] =	ssyncset.done $0x0  }
0x23: {  	[sflag:s14] =	ssyncadd.s32 $0xFFFFC000  }
0x24: {  	[spmem:s2] =	stream.indirect.scatter.add.f32 [tilespmem:s13], [sflag:$0x2], $0x80, s12, s12, $0xb8;
	[tilespmem:$0x18100] =	vst v63  }
0x25: {  	_ =	swait.ge [sflag:s11], $0x4000  }
0x26: {  	s20 =	simm.s32 $0x20;
	s19 =	simm.s32 $0x10;
	[sflag:s11] =	ssyncset.done $0x0  }
.LBB2_2:
0x27: {  	s21 =	sadd.s32 s19, s8  }
0x28: {  	[sflag:s11] =	ssyncadd.s32 $0xFFFFC000;
	s22 =	smov.u32 s20;
	s23 =	sadd.s32 $0x10, s20  }
0x29: {  	[tilespmem:s3], [sflag:$0x2] =	stream.linear.gather [hbm4b:s21+s3], $0x80, $0x38;
	[tilespmem:$0x18100] =	vst v63  }
0x2a: {  	p1 =	sne.s32 s20, $0x4E0;
	_ =	swait.ge [sflag:s11], $0x80  }
0x2b: {  	[sflag:s11] =	ssyncset.done $0x0  }
0x2c: {  	s20 =	sadd.s32 s19, s7;
	s19 =	smov.u32 s22;
	[sflag:s11] =	ssyncadd.s32 $0xFFFFFF80  }
0x2d: {  	[tilespmem:s12], [sflag:$0x2] =	stream.linear.gather [hbm4b:s20+s3], $0x80, $0x38;
	[tilespmem:$0x18100] =	vst v63  }
0x2e: {  	_ =	swait.ge [sflag:s11], $0x80  }
0x2f: {  	[sflag:s11] =	ssyncset.done $0x0  }
0x30: {  	[sflag:s11] =	ssyncadd.s32 $0xFFFFFF80  }
0x31: {  	[tilespmem:s13], [sflag:$0x1] =	stream.indirect.gather [hbm4b:s4+s12], $0x80, s3, s12, $0xb8;
	[tilespmem:$0x18100] =	vst v63  }
0x32: {  	_ =	swait.ge [sflag:s14], $0x4000  }
.Ltmp0:
0x33: {  	[sflag:s14] =	ssyncset.done $0x0;
	(pc) =	sbr.rel @p1 .LBB2_2-.Ltmp0, $4  }
0x34: {  	[sflag:s14] =	ssyncadd.s32 $0xFFFFC000  }
0x35: {  	[spmem:s2] =	stream.indirect.scatter.add.f32 [tilespmem:s13], [sflag:$0x2], $0x80, s12, s12, $0xb8;
	[tilespmem:$0x18100] =	vst v63  }
0x36: {  	_ =	swait.ge [sflag:s11], $0x4000  }
0x37: {  	s20 =	smov.u32 s23;
	[sflag:s11] =	ssyncset.done $0x0  }
0x38: {  	s20 =	sadd.s32 s19, s8;
	[sflag:s11] =	ssyncadd.s32 $0xFFFFC000  }
0x39: {  	[tilespmem:s3], [sflag:$0x2] =	stream.linear.gather [hbm4b:s20+s3], $0x80, $0x38;
	[tilespmem:$0x18100] =	vst v63  }
0x3a: {  	_ =	swait.ge [sflag:s11], $0x80  }
0x3b: {  	[sflag:s11] =	ssyncset.done $0x0  }
0x3c: {  	s31 =	sadd.s32 s19, s7;
	[sflag:s11] =	ssyncadd.s32 $0xFFFFFF80  }
0x3d: {  	[tilespmem:s12], [sflag:$0x2] =	stream.linear.gather [hbm4b:s31+s3], $0x80, $0x38;
	[tilespmem:$0x18100] =	vst v63  }
0x3e: {  	_ =	swait.ge [sflag:s11], $0x80  }
0x3f: {  	[sflag:s11] =	ssyncset.done $0x0  }
0x40: {  	[sflag:s11] =	ssyncadd.s32 $0xFFFFFF80  }
0x41: {  	[tilespmem:s13], [sflag:$0x1] =	stream.indirect.gather [hbm4b:s4+s12], $0x80, s3, s12, $0xb8;
	[tilespmem:$0x18100] =	vst v63  }
0x42: {  	_ =	swait.ge [sflag:s14], $0x4000  }
0x43: {  	[sflag:s14] =	ssyncset.done $0x0  }
0x44: {  	[sflag:s14] =	ssyncadd.s32 $0xFFFFC000  }
0x45: {  	[spmem:s2] =	stream.indirect.scatter.add.f32 [tilespmem:s13], [sflag:$0x2], $0x80, s12, s12, $0xb8;
	[tilespmem:$0x18100] =	vst v63  }
0x46: {  	_ =	swait.ge [sflag:s11], $0x4000  }
0x47: {  	s18 =	sadd.s32 $0x1, s18;
	[sflag:s11] =	ssyncset.done $0x0  }
0x48: {  	p1 =	sne.s32 s18, s6;
	[sflag:s11] =	ssyncadd.s32 $0xFFFFC000  }
.Ltmp1:
0x49: {  	[bflag:$0x0] =	sbarrier.arrive $0xFFFF;
	(pc) =	sbr.rel @p1 .LBB2_1-.Ltmp1, $4  }
0x4a: {  	[hbm:s15], [sflag:s16] =	dma.local [spmem:s17], $0x2800  }
0x4b: {  	_ =	swait.ge [sflag:s11], $0x2800  }
0x4c: {  	[sflag:s11] =	ssyncset.done $0x0  }
0x4d: {  	[sflag:s11] =	ssyncadd.s32 $0xFFFFD800  }
0x4e: {  	_ =	sfence.sel $0x180000  }
0x4f: {  	[bflag:$0x0] =	sbarrier.arrive $0xFFFF  }
0x50: {  	p0 =	sne.s32 s1, $0x0;
	_ =	strace $0x90000047  }
0x51: {  	s0 =	sadd.s32 @!p0 $0x100000, s0;
	[bflag:$0x2] =	sbarrier.arrive $0xFFFF  }
0x52: {  	[sflag:s0] =	ssyncadd.tile.s32 @!p0 $0x1;
	_ =	shalt  }
.Lfunc_end2:
_tile_overlayer_lowered:
.L_overlay_start_2:
0x53: {  	(tag) =	ssettag $0x2  }
0x54: {  	s0 =	rddreg [dreg:$0x0];
	s2 =	stileid.u32  }
0x55: {  	s1 =	rddreg [dreg:$0x1];
	p0 =	sne.s32 s2, $0x0  }
0x56: {  	s3 =	rddreg [dreg:$0x2];
	[bflag:$0x3] =	sbarrier.arrive $0xFFFF;
	s2 =	simm.s32 @!p0 $0x1C02  }
0x57: {  	[timem:s3], [sflag:s2] =	dma.local @!p0 [hbm:s0], s1  }
0x58: {  	s0 =	simm.s32 @!p0 $0x2  }
0x59: {  	_ =	swait.ge @!p0 [sflag:s0], s1  }
0x5a: {  	s1 =	ssub.s32 @!p0 $0x0, s1;
	[sflag:s0] =	ssyncset.done @!p0 $0x0  }
0x5b: {  	[sflag:s0] =	ssyncadd.s32 @!p0 s1  }
0x5c: {  	[bflag:$0x3] =	sbarrier.arrive $0xFFFF  }
0x5d: {  	_ =	shalt  }

// kernel: kernel.23.cloned.1.call-start
scs
__scs_entry_jumppad:
0x0: {  	(pc) =	sbr.rel $0x88, $3  }
0x1: {  	(tag) =	ssettag $0x0;
	lr =	simm.s32 $0x1  }
0x2: {  	[smem:$0x3F87] =	sst lr;
	_ =	strace $0xD0000000  }
0x3: {  	_ = 	snop  }
0x4: {  	_ = 	snop  }
0x5: {  	_ = 	snop  }
0x6: {  	_ = 	snop  }
0x7: {  	_ = 	snop  }
__scs_overlays_trampoline_lowered:
0x8: {  	[smem:$0x3F96] =	sst s0  }
0x9: {  	[smem:$0x3F97] =	sst s1  }
0xa: {  	[smem:$0x3F98] =	sst s2  }
0xb: {  	[smem:$0x3F99] =	sst s3  }
0xc: {  	[smem:$0x3F9A] =	sst s4  }
0xd: {  	[smem:$0x3F9B] =	sst s5  }
0xe: {  	[smem:$0x3F9C] =	sst s6  }
0xf: {  	[smem:$0x3F9D] =	sst s7  }
0x10: {  	[smem:$0x3F9E] =	sst s8  }
0x11: {  	[smem:$0x3F9F] =	sst s9;
	s0 =	simm.s32 @!p0 $0x0  }
0x12: {  	s1 =	sld [smem:$0x3F85];
	s0 =	simm.s32 @p0 $0x1  }
0x13: {  	[smem:$0x3FA0] =	sst s0;
	s0 =	simm.s32 @!p1 $0x0  }
0x14: {  	s2 =	sld [smem:$0x3F84];
	s0 =	simm.s32 @p1 $0x1  }
0x15: {  	[smem:$0x3FA1] =	sst s0;
	s0 =	simm.s32 @!p2 $0x0  }
0x16: {  	s3 =	sld [smem:$0x3FDB];
	s0 =	simm.s32 @p2 $0x1  }
0x17: {  	s4 =	simm.s32 $0x1BF5;
	[smem:$0x3FA3] =	sst s0  }
0x18: {  	s0 =	sld [smem:$0x3F86];
	_ =	swait.ge [sflag:s4], $0x0  }
0x19: {  	s7 =	sld [smem:$0x3F87]  }
0x1a: {  	s8 =	sadd.s32 $0xFFFFE003, lr  }
0x1b: {  	s9 =	sadd.s32 $0xFFFFFEF7, lr;
	s5 =	simm.s32 $0xFFFFFFFF;
	p2 =	slt.u32 s8, $0xFFFFF086  }
0x1c: {  	p1 =	slt.u32 s9, $0xF7A;
	s5 =	simm.s32 @!p2 $0x0  }
0x1d: {  	s5 =	simm.s32 @p1 $0x1;
	p0 =	seq.s32 s7, s2  }
0x1e: {  	s7 =	smul.u32 @!p0 $0xF7A, s2;
	p2 =	seq.s32 @!p0 s5, $0x0  }
0x1f: {  	s9 =	smul.u32 $0xF7A, s1;
	s8 =	simm.s32 @!p0 $0x1BF5;
	p2 =	por !p2, p0  }
0x20: {  	[sflag:s8] =	ssyncset.s32 @!p0 $0xFFFFF086;
	s6 =	sadd.s32 @!p0 s3, s7;
	s7 =	simm.s32 @!p0 $0x108  }
0x21: {  	s3 =	sadd.s32 s3, s9;
	s6 =	sadd.s32 @!p0 $0x88, s6;
	s7 =	simm.s32 @p2 $0x1082  }
0x22: {  	[simem:s7], [sflag:s8] =	dma.local @!p0 [hbm:s6], $0xF7A  }
0x23: {  	s9 =	sor.u32 $0xD0000000, s2;
	s6 =	simm.s32 $0x108;
	_ =	swait.ge @!p0 [sflag:s8], $0x0  }
0x24: {  	s3 =	sadd.s32 $0x88, s3;
	s6 =	simm.s32 @!p1 $0x1082;
	[sflag:s4] =	ssyncset.s32 $0xFFFFF086  }
0x25: {  	[simem:s6], [sflag:s4] =	dma.local [hbm:s3], $0xF7A  }
0x26: {  	[smem:$0x3F87] =	sst s1;
	(tag) =	ssettag s2;
	_ =	strace s9  }
0x27: {  	s1 =	sld [smem:$0x3F97]  }
0x28: {  	s2 =	sld [smem:$0x3F98]  }
0x29: {  	s4 =	sld [smem:$0x3F9A]  }
0x2a: {  	p0 =	seq.s32 s5, $0x0;
	s5 =	sld [smem:$0x3F9B]  }
0x2b: {  	s6 =	sld [smem:$0x3F9C]  }
0x2c: {  	s7 =	sld [smem:$0x3F9D]  }
0x2d: {  	s3 =	simm.s32 $0x108;
	s8 =	sld [smem:$0x3F9E]  }
0x2e: {  	s3 =	simm.s32 @!p0 $0x1082;
	s9 =	sld [smem:$0x3F9F]  }
0x2f: {  	lr =	sadd.s32 s0, s3;
	s0 =	sld [smem:$0x3F96]  }
0x30: {  	s3 =	sld [smem:$0x3F99]  }
0x31: {  	[smem:$0x3FA2] =	sst s10  }
0x32: {  	s10 =	sld [smem:$0x3FA0];
	_ =	sdelay $0x3  }
0x33: {  	p0 =	seq.s32 s10, $0x1;
	s10 =	sld [smem:$0x3FA2];
	_ =	sdelay $0x3  }
0x34: {  	[smem:$0x3FA2] =	sst s10  }
0x35: {  	s10 =	sld [smem:$0x3FA1];
	_ =	sdelay $0x3  }
0x36: {  	p1 =	seq.s32 s10, $0x1;
	s10 =	sld [smem:$0x3FA2];
	_ =	sdelay $0x3  }
0x37: {  	[smem:$0x3FA2] =	sst s10  }
0x38: {  	s10 =	sld [smem:$0x3FA3]  }
0x39: {  	_ = 	snop;
	(pc) =	sbr.ind lr, $3  }
0x3a: {  	_ = 	snop  }
0x3b: {  	_ = 	snop  }
0x3c: {  	p2 =	seq.s32 s10, $0x1;
	s10 =	sld [smem:$0x3FA2]  }
0x3d: {  	_ =	shalt  }
0x3e: {  	_ =	shalt  }
0x3f: {  	_ =	shalt  }
0x40: {  	_ =	shalt  }
0x41: {  	_ =	shalt  }
0x42: {  	_ =	shalt  }
0x43: {  	_ =	shalt  }
0x44: {  	_ =	shalt  }
0x45: {  	_ =	shalt  }
0x46: {  	_ =	shalt  }
0x47: {  	_ =	shalt  }
0x48: {  	_ =	shalt  }
0x49: {  	_ =	shalt  }
0x4a: {  	_ =	shalt  }
0x4b: {  	_ =	shalt  }
0x4c: {  	_ =	shalt  }
0x4d: {  	_ =	shalt  }
0x4e: {  	_ =	shalt  }
0x4f: {  	_ =	shalt  }
0x50: {  	_ =	shalt  }
0x51: {  	_ =	shalt  }
0x52: {  	_ =	shalt  }
0x53: {  	_ =	shalt  }
0x54: {  	_ =	shalt  }
0x55: {  	_ =	shalt  }
0x56: {  	_ =	shalt  }
0x57: {  	_ =	shalt  }
0x58: {  	_ =	shalt  }
0x59: {  	_ =	shalt  }
0x5a: {  	_ =	shalt  }
0x5b: {  	_ =	shalt  }
0x5c: {  	_ =	shalt  }
0x5d: {  	_ =	shalt  }
0x5e: {  	_ =	shalt  }
0x5f: {  	_ =	shalt  }
0x60: {  	_ =	shalt  }
0x61: {  	_ =	shalt  }
0x62: {  	_ =	shalt  }
0x63: {  	_ =	shalt  }
0x64: {  	_ =	shalt  }
0x65: {  	_ =	shalt  }
0x66: {  	_ =	shalt  }
0x67: {  	_ =	shalt  }
0x68: {  	_ =	shalt  }
0x69: {  	_ =	shalt  }
0x6a: {  	_ =	shalt  }
0x6b: {  	_ =	shalt  }
0x6c: {  	_ =	shalt  }
0x6d: {  	_ =	shalt  }
0x6e: {  	_ =	shalt  }
0x6f: {  	_ =	shalt  }
0x70: {  	_ =	shalt  }
0x71: {  	_ =	shalt  }
0x72: {  	_ =	shalt  }
0x73: {  	_ =	shalt  }
0x74: {  	_ =	shalt  }
0x75: {  	_ =	shalt  }
0x76: {  	_ =	shalt  }
0x77: {  	_ =	shalt  }
0x78: {  	_ =	shalt  }
0x79: {  	_ =	shalt  }
0x7a: {  	_ =	shalt  }
0x7b: {  	_ =	shalt  }
0x7c: {  	_ =	shalt  }
0x7d: {  	_ =	shalt  }
0x7e: {  	_ =	shalt  }
0x7f: {  	_ =	shalt  }
0x80: {  	_ =	shalt  }
0x81: {  	_ =	shalt  }
0x82: {  	_ =	shalt  }
0x83: {  	_ =	shalt  }
0x84: {  	_ =	shalt  }
0x85: {  	_ =	shalt  }
0x86: {  	_ =	shalt  }
0x87: {  	_ =	shalt  }
.Lfunc_end0:
.L_simem_size_0:
called_computation.2_lowered:
.L_overlay_start_0:
0x88: {  	s2 =	sld [smem:$0x3FD9]  }
0x89: {  	s3 =	sld [smem:$0x3FFE];
	_ =	sdelay $0x1  }
0x8a: {  	s1 =	srdreg.scid  }
0x8b: {  	s0 =	sand.u32 $0x1, s1  }
0x8c: {  	s16 =	sshll.u32 s0, $0xA;
	s2 =	sadd.s32 s3, s2  }
0x8d: {  	s2 =	sadd.s32 s2, s16  }
0x8e: {  	[smem:$0x3FAE] =	sst s2  }
0x8f: {  	_ = 	snop  }
0x90: {  	(tm) =	ssettm $0x1  }
0x91: {  	s17 =	sld [smem:$0x3FFB];
	_ =	sdelay $0x3  }
0x92: {  	_ =	strace s17  }
0x93: {  	s2 =	sld [smem:$0x3FFC];
	_ =	sdelay $0x3  }
0x94: {  	_ =	strace s2  }
0x95: {  	s2 =	sld [smem:$0x3FFD];
	_ =	sdelay $0x3  }
0x96: {  	_ =	strace s2  }
0x97: {  	_ =	strace $0x8FFFFFFF  }
0x98: {  	s18 =	sld [smem:$0x3FDB];
	_ =	sdelay $0x1  }
0x99: {  	s19 =	simm.s32 $_scs_section_size  }
0x9a: {  	s4 =	simm.s32 $_size__tile_overlayer_lowered;
	s5 =	simm.s32 $_tile_overlayer_lowered  }
0x9b: {  	s22 =	simm.s32 $0x1BFF;
	s21 =	sshll.u32 s5, $0x1;
	s2 =	sadd.s32 s19, s18  }
0x9c: {  	s6 =	simm.s32 $0x0;
	s20 =	sshll.u32 s4, $0x1;
	s4 =	sadd.s32 s21, s2  }
0x9d: {  	[timem:s6], [sflag:s22] =	dma.local [hbm:s4], s20  }
0x9e: {  	_ =	swait.ge [sflag:s22], s20  }
0x9f: {  	s3 =	ssub.s32 $0x0, s20;
	[sflag:s22] =	ssyncset.done $0x0  }
0xa0: {  	[sflag:s22] =	ssyncadd.s32 s3;
	_ =	sdelay $0x1  }
0xa1: {  	s23 =	simm.s32 $0x1B8B  }
0xa2: {  	_ =	swait.ge [sflag:s23], $0x1  }
0xa3: {  	[sflag:s23] =	ssyncset.done $0x0  }
0xa4: {  	s25 =	simm.s32 $0x1B8E;
	s24 =	sld [smem:$0x3FFE];
	[sflag:s23] =	ssyncadd.s32 $0xFFFFFFFF  }
0xa5: {  	s26 =	simm.s32 $execute0_lowered;
	[smem:$0x3FD2] =	sst s25  }
0xa6: {  	s4 =	sshll.u32 s26, $0x1;
	_ =	strace $0x8000004C;
	[dreg:$0x1] =	wrdreg $0xFFFFFFFF  }
0xa7: {  	s28 =	simm.s32 $_size_execute0_lowered;
	s2 =	sadd.s32 s2, s4;
	[dreg:$0x0] =	wrdreg $0x0  }
0xa8: {  	s4 =	sshll.u32 s28, $0x1;
	[dreg:$0x2] =	wrdreg s2  }
0xa9: {  	[dreg:$0x3] =	wrdreg s4  }
0xaa: {  	[dreg:$0x4] =	wrdreg $0xC0  }
0xab: {  	_ =	task [dreg:s6], $0x5FFFF  }
0xac: {  	[dreg:$0x1] =	wrdreg $0xFFFFFFFF  }
0xad: {  	[dreg:$0x0] =	wrdreg $0x60  }
0xae: {  	[dreg:$0x2] =	wrdreg s24  }
0xaf: {  	[dreg:$0x3] =	wrdreg $0x41000  }
0xb0: {  	[dreg:$0x4] =	wrdreg $0x9  }
0xb1: {  	_ =	task.clear_ibuf [dreg:s6], $0x5FFFF;
	_ =	strace $0x9000004C  }
0xb2: {  	s29 =	simm.s32 $0x9;
	_ =	strace $0x8000004E  }
0xb3: {  	_ =	swait.ge [sflag:s29], $0x1  }
0xb4: {  	[sflag:s29] =	ssyncadd.s32 $0xFFFFFFFF  }
0xb5: {  	_ =	strace $0x9000004E  }
0xb6: {  	_ =	sfence  }
0xb7: {  	s30 =	sld [smem:$0x0];
	_ =	sdelay $0x2  }
0xb8: {  	s31 =	sshll.u32 s1, $0xD;
	s1 =	sshrl.u32 s1, $0x2  }
0xb9: {  	s3 =	sand.u32 $0x4000, s31;
	s1 =	sadd.s32 s1, s30  }
0xba: {  	s0 =	sor.u32 s3, s0;
	s1 =	sshll.u32 s1, $0x11  }
0xbb: {  	s0 =	sor.u32 s1, s0  }
0xbc: {  	s0 =	sadd.s32 $0x8F2B, s0  }
0xbd: {  	[sflag:s0] =	ssyncadd.remote.s32 $0x1  }
0xbe: {  	_ =	sfence.sel $0xFFFF  }
0xbf: {  	[dreg:$0x0] =	wrdreg $0xFFFFFFFF;
	(pc) =	sbr.abs _section_cstart, $3  }
0xc0: {  	[dreg:$0x1] =	wrdreg $0xFFFFFFFF  }
0xc1: {  	_ =	task.clear_ibuf [dreg:s6], $0x2FFFF;
	_ =	strace $0x9FFFFFFF  }
0xc2: {  	(tm) =	ssettm $0x7FFFFFFF  }
0xc3: {  	_ =	shalt  }
tec
execute0_lowered:
.L_overlay_start_1:
0x0: {  	(tag) =	ssettag $0x1  }
0x1: {  	s5 =	rddreg [dreg:$0x0]  }
0x2: {  	s2 =	rddreg [dreg:$0x1];
	s1 =	stileid.u32  }
0x3: {  	s0 =	rddreg [dreg:$0x2];
	s3 =	simm.s32 $0x0;
	s6 =	smul.u32 $0x9E0, s1  }
0x4: {  	s4 =	srdreg.scid;
	s18 =	simm.s32 $0x0;
	s12 =	smul.u32 $0x50000, s1  }
0x5: {  	[smem:$0x7FF] =	sst s3;
	s7 =	sshrl.u32 s1, $0x2;
	s16 =	smul.u32 $0x2800, s1  }
0x6: {  	s9 =	sand.u32 $0x1, s4;
	s4 =	sadd.s32 $0x1AC00, s5;
	s8 =	smul.u32 $0xA000, s7  }
0x7: {  	s13 =	sand.u32 $0x3, s1;
	s31 =	sshll.u32 s1, $0x6;
	s10 =	smul.u32 $0x28000, s9  }
0x8: {  	_ =	strace $0x8000004D;
	s11 =	ssub.s32 $0x2, s9;
	s7 =	smul.u32 $0x140000, s7  }
0x9: {  	s9 =	smul.u32 $0x4F0, s9;
	p0 =	sne.s32 s13, $0x0;
	s13 =	simm.s32 $0x100  }
0xa: {  	s6 =	sadd.s32 s6, s5;
	s26 =	sshrl.u32 s11, $0x1;
	s29 =	sshrl.u32 s12, $0x2  }
0xb: {  	s12 =	simm.s32 $0x80;
	s8 =	sadd.s32 s8, s5;
	s10 =	sadd.s32 s10, s5  }
0xc: {  	s11 =	ssub.s32 s11, s26;
	s28 =	sshrl.u32 s7, $0x2;
	s17 =	sadd.s32 s29, s2  }
0xd: {  	s30 =	sadd.s32 s9, s6;
	s9 =	sshll.u32 @!p0 s1, $0x6;
	s14 =	sadd.s32 s28, s2  }
0xe: {  	s5 =	sadd.s32 $0x41E00, s8;
	s15 =	sadd.s32 $0x69E00, s10;
	s6 =	smax.u32 s11, $0x1  }
0xf: {  	s7 =	sadd.s32 $0x7000, s30;
	s8 =	sadd.s32 $0x10E00, s30;
	s9 =	sor.u32 @!p0 $0x1C02, s9  }
0x10: {  	s11 =	simm.s32 $0x2;
	s17 =	sshrl.u32 s17, $0x3;
	s10 =	sshrl.u32 @!p0 s14, $0x3  }
0x11: {  	s14 =	simm.s32 $0x1;
	s15 =	sadd.s32 s16, s15;
	s16 =	sor.u32 $0x1C02, s31  }
.LBB2_1:
0x12: {  	[spmem:s10], [sflag:s9] =	dma.local @!p0 [hbm:s5], $0xA000  }
0x13: {  	s19 =	simm.s32 @!p0 $0x2  }
0x14: {  	_ =	swait.ge @!p0 [sflag:s19], $0xA000  }
0x15: {  	[sflag:s19] =	ssyncset.done @!p0 $0x0  }
0x16: {  	[sflag:s19] =	ssyncadd.s32 @!p0 $0xFFFF6000  }
0x17: {  	s30 =	sadd.s32 $0x0, s8;
	[bflag:$0x0] =	sbarrier.arrive $0xFFFF  }
0x18: {  	[tilespmem:s3], [sflag:$0x2] =	stream.linear.gather [hbm4b:s30+s3], $0x80, $0x38;
	[tilespmem:$0x18100] =	vst v63  }
0x19: {  	_ =	swait.ge [sflag:s11], $0x80  }
0x1a: {  	[sflag:s11] =	ssyncset.done $0x0  }
0x1b: {  	s31 =	sadd.s32 $0x0, s7;
	[sflag:s11] =	ssyncadd.s32 $0xFFFFFF80  }
0x1c: {  	[tilespmem:s12], [sflag:$0x2] =	stream.linear.gather [hbm4b:s31+s3], $0x80, $0x38;
	[tilespmem:$0x18100] =	vst v63  }
0x1d: {  	_ =	swait.ge [sflag:s11], $0x80  }
0x1e: {  	[sflag:s11] =	ssyncset.done $0x0  }
0x1f: {  	[sflag:s11] =	ssyncadd.s32 $0xFFFFFF80  }
0x20: {  	[tilespmem:s13], [sflag:$0x1] =	stream.indirect.gather [hbm4b:s4+s12], $0x80, s3, s12, $0xb8;
	[tilespmem:$0x18100] =	vst v63  }
0x21: {  	_ =	swait.ge [sflag:s14], $0x4000  }
0x22: {  	[sflag:s14] =	ssyncset.done $0x0  }
0x23: {  	[sflag:s14] =	ssyncadd.s32 $0xFFFFC000  }
0x24: {  	[spmem:s2] =	stream.indirect.scatter.add.f32 [tilespmem:s13], [sflag:$0x2], $0x80, s12, s12, $0xb8;
	[tilespmem:$0x18100] =	vst v63  }
0x25: {  	_ =	swait.ge [sflag:s11], $0x4000  }
0x26: {  	s20 =	simm.s32 $0x20;
	s19 =	simm.s32 $0x10;
	[sflag:s11] =	ssyncset.done $0x0  }
.LBB2_2:
0x27: {  	s21 =	sadd.s32 s19, s8  }
0x28: {  	[sflag:s11] =	ssyncadd.s32 $0xFFFFC000;
	s22 =	smov.u32 s20;
	s23 =	sadd.s32 $0x10, s20  }
0x29: {  	[tilespmem:s3], [sflag:$0x2] =	stream.linear.gather [hbm4b:s21+s3], $0x80, $0x38;
	[tilespmem:$0x18100] =	vst v63  }
0x2a: {  	p1 =	sne.s32 s20, $0x4E0;
	_ =	swait.ge [sflag:s11], $0x80  }
0x2b: {  	[sflag:s11] =	ssyncset.done $0x0  }
0x2c: {  	s20 =	sadd.s32 s19, s7;
	s19 =	smov.u32 s22;
	[sflag:s11] =	ssyncadd.s32 $0xFFFFFF80  }
0x2d: {  	[tilespmem:s12], [sflag:$0x2] =	stream.linear.gather [hbm4b:s20+s3], $0x80, $0x38;
	[tilespmem:$0x18100] =	vst v63  }
0x2e: {  	_ =	swait.ge [sflag:s11], $0x80  }
0x2f: {  	[sflag:s11] =	ssyncset.done $0x0  }
0x30: {  	[sflag:s11] =	ssyncadd.s32 $0xFFFFFF80  }
0x31: {  	[tilespmem:s13], [sflag:$0x1] =	stream.indirect.gather [hbm4b:s4+s12], $0x80, s3, s12, $0xb8;
	[tilespmem:$0x18100] =	vst v63  }
0x32: {  	_ =	swait.ge [sflag:s14], $0x4000  }
.Ltmp0:
0x33: {  	[sflag:s14] =	ssyncset.done $0x0;
	(pc) =	sbr.rel @p1 .LBB2_2-.Ltmp0, $4  }
0x34: {  	[sflag:s14] =	ssyncadd.s32 $0xFFFFC000  }
0x35: {  	[spmem:s2] =	stream.indirect.scatter.add.f32 [tilespmem:s13], [sflag:$0x2], $0x80, s12, s12, $0xb8;
	[tilespmem:$0x18100] =	vst v63  }
0x36: {  	_ =	swait.ge [sflag:s11], $0x4000  }
0x37: {  	s20 =	smov.u32 s23;
	[sflag:s11] =	ssyncset.done $0x0  }
0x38: {  	s20 =	sadd.s32 s19, s8;
	[sflag:s11] =	ssyncadd.s32 $0xFFFFC000  }
0x39: {  	[tilespmem:s3], [sflag:$0x2] =	stream.linear.gather [hbm4b:s20+s3], $0x80, $0x38;
	[tilespmem:$0x18100] =	vst v63  }
0x3a: {  	_ =	swait.ge [sflag:s11], $0x80  }
0x3b: {  	[sflag:s11] =	ssyncset.done $0x0  }
0x3c: {  	s31 =	sadd.s32 s19, s7;
	[sflag:s11] =	ssyncadd.s32 $0xFFFFFF80  }
0x3d: {  	[tilespmem:s12], [sflag:$0x2] =	stream.linear.gather [hbm4b:s31+s3], $0x80, $0x38;
	[tilespmem:$0x18100] =	vst v63  }
0x3e: {  	_ =	swait.ge [sflag:s11], $0x80  }
0x3f: {  	[sflag:s11] =	ssyncset.done $0x0  }
0x40: {  	[sflag:s11] =	ssyncadd.s32 $0xFFFFFF80  }
0x41: {  	[tilespmem:s13], [sflag:$0x1] =	stream.indirect.gather [hbm4b:s4+s12], $0x80, s3, s12, $0xb8;
	[tilespmem:$0x18100] =	vst v63  }
0x42: {  	_ =	swait.ge [sflag:s14], $0x4000  }
0x43: {  	[sflag:s14] =	ssyncset.done $0x0  }
0x44: {  	[sflag:s14] =	ssyncadd.s32 $0xFFFFC000  }
0x45: {  	[spmem:s2] =	stream.indirect.scatter.add.f32 [tilespmem:s13], [sflag:$0x2], $0x80, s12, s12, $0xb8;
	[tilespmem:$0x18100] =	vst v63  }
0x46: {  	_ =	swait.ge [sflag:s11], $0x4000  }
0x47: {  	s18 =	sadd.s32 $0x1, s18;
	[sflag:s11] =	ssyncset.done $0x0  }
0x48: {  	p1 =	sne.s32 s18, s6;
	[sflag:s11] =	ssyncadd.s32 $0xFFFFC000  }
.Ltmp1:
0x49: {  	[bflag:$0x0] =	sbarrier.arrive $0xFFFF;
	(pc) =	sbr.rel @p1 .LBB2_1-.Ltmp1, $4  }
0x4a: {  	[hbm:s15], [sflag:s16] =	dma.local [spmem:s17], $0x2800  }
0x4b: {  	_ =	swait.ge [sflag:s11], $0x2800  }
0x4c: {  	[sflag:s11] =	ssyncset.done $0x0  }
0x4d: {  	[sflag:s11] =	ssyncadd.s32 $0xFFFFD800  }
0x4e: {  	_ =	sfence.sel $0x180000  }
0x4f: {  	[bflag:$0x0] =	sbarrier.arrive $0xFFFF  }
0x50: {  	p0 =	sne.s32 s1, $0x0;
	_ =	strace $0x9000004D  }
0x51: {  	s0 =	sadd.s32 @!p0 $0x100000, s0;
	[bflag:$0x2] =	sbarrier.arrive $0xFFFF  }
0x52: {  	[sflag:s0] =	ssyncadd.tile.s32 @!p0 $0x1;
	_ =	shalt  }
.Lfunc_end2:
_tile_overlayer_lowered:
.L_overlay_start_2:
0x53: {  	(tag) =	ssettag $0x2  }
0x54: {  	s0 =	rddreg [dreg:$0x0];
	s2 =	stileid.u32  }
0x55: {  	s1 =	rddreg [dreg:$0x1];
	p0 =	sne.s32 s2, $0x0  }
0x56: {  	s3 =	rddreg [dreg:$0x2];
	[bflag:$0x3] =	sbarrier.arrive $0xFFFF;
	s2 =	simm.s32 @!p0 $0x1C02  }
0x57: {  	[timem:s3], [sflag:s2] =	dma.local @!p0 [hbm:s0], s1  }
0x58: {  	s0 =	simm.s32 @!p0 $0x2  }
0x59: {  	_ =	swait.ge @!p0 [sflag:s0], s1  }
0x5a: {  	s1 =	ssub.s32 @!p0 $0x0, s1;
	[sflag:s0] =	ssyncset.done @!p0 $0x0  }
0x5b: {  	[sflag:s0] =	ssyncadd.s32 @!p0 s1  }
0x5c: {  	[bflag:$0x3] =	sbarrier.arrive $0xFFFF  }
0x5d: {  	_ =	shalt  }

// kernel: kernel.26.cloned.1.call-start
scs
__scs_entry_jumppad:
0x0: {  	(pc) =	sbr.rel $0x88, $3  }
0x1: {  	(tag) =	ssettag $0x0;
	lr =	simm.s32 $0x1  }
0x2: {  	[smem:$0x3F87] =	sst lr;
	_ =	strace $0xD0000000  }
0x3: {  	_ = 	snop  }
0x4: {  	_ = 	snop  }
0x5: {  	_ = 	snop  }
0x6: {  	_ = 	snop  }
0x7: {  	_ = 	snop  }
__scs_overlays_trampoline_lowered:
0x8: {  	[smem:$0x3F96] =	sst s0  }
0x9: {  	[smem:$0x3F97] =	sst s1  }
0xa: {  	[smem:$0x3F98] =	sst s2  }
0xb: {  	[smem:$0x3F99] =	sst s3  }
0xc: {  	[smem:$0x3F9A] =	sst s4  }
0xd: {  	[smem:$0x3F9B] =	sst s5  }
0xe: {  	[smem:$0x3F9C] =	sst s6  }
0xf: {  	[smem:$0x3F9D] =	sst s7  }
0x10: {  	[smem:$0x3F9E] =	sst s8  }
0x11: {  	[smem:$0x3F9F] =	sst s9;
	s0 =	simm.s32 @!p0 $0x0  }
0x12: {  	s1 =	sld [smem:$0x3F85];
	s0 =	simm.s32 @p0 $0x1  }
0x13: {  	[smem:$0x3FA0] =	sst s0;
	s0 =	simm.s32 @!p1 $0x0  }
0x14: {  	s2 =	sld [smem:$0x3F84];
	s0 =	simm.s32 @p1 $0x1  }
0x15: {  	[smem:$0x3FA1] =	sst s0;
	s0 =	simm.s32 @!p2 $0x0  }
0x16: {  	s3 =	sld [smem:$0x3FDB];
	s0 =	simm.s32 @p2 $0x1  }
0x17: {  	s4 =	simm.s32 $0x1BF5;
	[smem:$0x3FA3] =	sst s0  }
0x18: {  	s0 =	sld [smem:$0x3F86];
	_ =	swait.ge [sflag:s4], $0x0  }
0x19: {  	s7 =	sld [smem:$0x3F87]  }
0x1a: {  	s8 =	sadd.s32 $0xFFFFE003, lr  }
0x1b: {  	s9 =	sadd.s32 $0xFFFFFEF7, lr;
	s5 =	simm.s32 $0xFFFFFFFF;
	p2 =	slt.u32 s8, $0xFFFFF086  }
0x1c: {  	p1 =	slt.u32 s9, $0xF7A;
	s5 =	simm.s32 @!p2 $0x0  }
0x1d: {  	s5 =	simm.s32 @p1 $0x1;
	p0 =	seq.s32 s7, s2  }
0x1e: {  	s7 =	smul.u32 @!p0 $0xF7A, s2;
	p2 =	seq.s32 @!p0 s5, $0x0  }
0x1f: {  	s9 =	smul.u32 $0xF7A, s1;
	s8 =	simm.s32 @!p0 $0x1BF5;
	p2 =	por !p2, p0  }
0x20: {  	[sflag:s8] =	ssyncset.s32 @!p0 $0xFFFFF086;
	s6 =	sadd.s32 @!p0 s3, s7;
	s7 =	simm.s32 @!p0 $0x108  }
0x21: {  	s3 =	sadd.s32 s3, s9;
	s6 =	sadd.s32 @!p0 $0x88, s6;
	s7 =	simm.s32 @p2 $0x1082  }
0x22: {  	[simem:s7], [sflag:s8] =	dma.local @!p0 [hbm:s6], $0xF7A  }
0x23: {  	s9 =	sor.u32 $0xD0000000, s2;
	s6 =	simm.s32 $0x108;
	_ =	swait.ge @!p0 [sflag:s8], $0x0  }
0x24: {  	s3 =	sadd.s32 $0x88, s3;
	s6 =	simm.s32 @!p1 $0x1082;
	[sflag:s4] =	ssyncset.s32 $0xFFFFF086  }
0x25: {  	[simem:s6], [sflag:s4] =	dma.local [hbm:s3], $0xF7A  }
0x26: {  	[smem:$0x3F87] =	sst s1;
	(tag) =	ssettag s2;
	_ =	strace s9  }
0x27: {  	s1 =	sld [smem:$0x3F97]  }
0x28: {  	s2 =	sld [smem:$0x3F98]  }
0x29: {  	s4 =	sld [smem:$0x3F9A]  }
0x2a: {  	p0 =	seq.s32 s5, $0x0;
	s5 =	sld [smem:$0x3F9B]  }
0x2b: {  	s6 =	sld [smem:$0x3F9C]  }
0x2c: {  	s7 =	sld [smem:$0x3F9D]  }
0x2d: {  	s3 =	simm.s32 $0x108;
	s8 =	sld [smem:$0x3F9E]  }
0x2e: {  	s3 =	simm.s32 @!p0 $0x1082;
	s9 =	sld [smem:$0x3F9F]  }
0x2f: {  	lr =	sadd.s32 s0, s3;
	s0 =	sld [smem:$0x3F96]  }
0x30: {  	s3 =	sld [smem:$0x3F99]  }
0x31: {  	[smem:$0x3FA2] =	sst s10  }
0x32: {  	s10 =	sld [smem:$0x3FA0];
	_ =	sdelay $0x3  }
0x33: {  	p0 =	seq.s32 s10, $0x1;
	s10 =	sld [smem:$0x3FA2];
	_ =	sdelay $0x3  }
0x34: {  	[smem:$0x3FA2] =	sst s10  }
0x35: {  	s10 =	sld [smem:$0x3FA1];
	_ =	sdelay $0x3  }
0x36: {  	p1 =	seq.s32 s10, $0x1;
	s10 =	sld [smem:$0x3FA2];
	_ =	sdelay $0x3  }
0x37: {  	[smem:$0x3FA2] =	sst s10  }
0x38: {  	s10 =	sld [smem:$0x3FA3]  }
0x39: {  	_ = 	snop;
	(pc) =	sbr.ind lr, $3  }
0x3a: {  	_ = 	snop  }
0x3b: {  	_ = 	snop  }
0x3c: {  	p2 =	seq.s32 s10, $0x1;
	s10 =	sld [smem:$0x3FA2]  }
0x3d: {  	_ =	shalt  }
0x3e: {  	_ =	shalt  }
0x3f: {  	_ =	shalt  }
0x40: {  	_ =	shalt  }
0x41: {  	_ =	shalt  }
0x42: {  	_ =	shalt  }
0x43: {  	_ =	shalt  }
0x44: {  	_ =	shalt  }
0x45: {  	_ =	shalt  }
0x46: {  	_ =	shalt  }
0x47: {  	_ =	shalt  }
0x48: {  	_ =	shalt  }
0x49: {  	_ =	shalt  }
0x4a: {  	_ =	shalt  }
0x4b: {  	_ =	shalt  }
0x4c: {  	_ =	shalt  }
0x4d: {  	_ =	shalt  }
0x4e: {  	_ =	shalt  }
0x4f: {  	_ =	shalt  }
0x50: {  	_ =	shalt  }
0x51: {  	_ =	shalt  }
0x52: {  	_ =	shalt  }
0x53: {  	_ =	shalt  }
0x54: {  	_ =	shalt  }
0x55: {  	_ =	shalt  }
0x56: {  	_ =	shalt  }
0x57: {  	_ =	shalt  }
0x58: {  	_ =	shalt  }
0x59: {  	_ =	shalt  }
0x5a: {  	_ =	shalt  }
0x5b: {  	_ =	shalt  }
0x5c: {  	_ =	shalt  }
0x5d: {  	_ =	shalt  }
0x5e: {  	_ =	shalt  }
0x5f: {  	_ =	shalt  }
0x60: {  	_ =	shalt  }
0x61: {  	_ =	shalt  }
0x62: {  	_ =	shalt  }
0x63: {  	_ =	shalt  }
0x64: {  	_ =	shalt  }
0x65: {  	_ =	shalt  }
0x66: {  	_ =	shalt  }
0x67: {  	_ =	shalt  }
0x68: {  	_ =	shalt  }
0x69: {  	_ =	shalt  }
0x6a: {  	_ =	shalt  }
0x6b: {  	_ =	shalt  }
0x6c: {  	_ =	shalt  }
0x6d: {  	_ =	shalt  }
0x6e: {  	_ =	shalt  }
0x6f: {  	_ =	shalt  }
0x70: {  	_ =	shalt  }
0x71: {  	_ =	shalt  }
0x72: {  	_ =	shalt  }
0x73: {  	_ =	shalt  }
0x74: {  	_ =	shalt  }
0x75: {  	_ =	shalt  }
0x76: {  	_ =	shalt  }
0x77: {  	_ =	shalt  }
0x78: {  	_ =	shalt  }
0x79: {  	_ =	shalt  }
0x7a: {  	_ =	shalt  }
0x7b: {  	_ =	shalt  }
0x7c: {  	_ =	shalt  }
0x7d: {  	_ =	shalt  }
0x7e: {  	_ =	shalt  }
0x7f: {  	_ =	shalt  }
0x80: {  	_ =	shalt  }
0x81: {  	_ =	shalt  }
0x82: {  	_ =	shalt  }
0x83: {  	_ =	shalt  }
0x84: {  	_ =	shalt  }
0x85: {  	_ =	shalt  }
0x86: {  	_ =	shalt  }
0x87: {  	_ =	shalt  }
.Lfunc_end0:
.L_simem_size_0:
called_computation.3_lowered:
.L_overlay_start_0:
0x88: {  	s2 =	sld [smem:$0x3FD9]  }
0x89: {  	s3 =	sld [smem:$0x3FFE];
	_ =	sdelay $0x1  }
0x8a: {  	s1 =	srdreg.scid  }
0x8b: {  	s0 =	sand.u32 $0x1, s1  }
0x8c: {  	s16 =	sshll.u32 s0, $0xA;
	s2 =	sadd.s32 s3, s2  }
0x8d: {  	s2 =	sadd.s32 s2, s16  }
0x8e: {  	[smem:$0x3FAE] =	sst s2  }
0x8f: {  	_ = 	snop  }
0x90: {  	(tm) =	ssettm $0x1  }
0x91: {  	s17 =	sld [smem:$0x3FFB];
	_ =	sdelay $0x3  }
0x92: {  	_ =	strace s17  }
0x93: {  	s2 =	sld [smem:$0x3FFC];
	_ =	sdelay $0x3  }
0x94: {  	_ =	strace s2  }
0x95: {  	s2 =	sld [smem:$0x3FFD];
	_ =	sdelay $0x3  }
0x96: {  	_ =	strace s2  }
0x97: {  	_ =	strace $0x8FFFFFFF  }
0x98: {  	s18 =	sld [smem:$0x3FDB];
	_ =	sdelay $0x1  }
0x99: {  	s19 =	simm.s32 $_scs_section_size  }
0x9a: {  	s4 =	simm.s32 $_size__tile_overlayer_lowered;
	s5 =	simm.s32 $_tile_overlayer_lowered  }
0x9b: {  	s22 =	simm.s32 $0x1BFF;
	s21 =	sshll.u32 s5, $0x1;
	s2 =	sadd.s32 s19, s18  }
0x9c: {  	s6 =	simm.s32 $0x0;
	s20 =	sshll.u32 s4, $0x1;
	s4 =	sadd.s32 s21, s2  }
0x9d: {  	[timem:s6], [sflag:s22] =	dma.local [hbm:s4], s20  }
0x9e: {  	_ =	swait.ge [sflag:s22], s20  }
0x9f: {  	s3 =	ssub.s32 $0x0, s20;
	[sflag:s22] =	ssyncset.done $0x0  }
0xa0: {  	[sflag:s22] =	ssyncadd.s32 s3;
	_ =	sdelay $0x1  }
0xa1: {  	s23 =	simm.s32 $0x1B8B  }
0xa2: {  	_ =	swait.ge [sflag:s23], $0x1  }
0xa3: {  	[sflag:s23] =	ssyncset.done $0x0  }
0xa4: {  	s25 =	simm.s32 $0x1B8E;
	s24 =	sld [smem:$0x3FFE];
	[sflag:s23] =	ssyncadd.s32 $0xFFFFFFFF  }
0xa5: {  	s26 =	simm.s32 $execute0_lowered;
	[smem:$0x3FD2] =	sst s25  }
0xa6: {  	s4 =	sshll.u32 s26, $0x1;
	_ =	strace $0x8000004F;
	[dreg:$0x1] =	wrdreg $0xFFFFFFFF  }
0xa7: {  	s28 =	simm.s32 $_size_execute0_lowered;
	s2 =	sadd.s32 s2, s4;
	[dreg:$0x0] =	wrdreg $0x0  }
0xa8: {  	s4 =	sshll.u32 s28, $0x1;
	[dreg:$0x2] =	wrdreg s2  }
0xa9: {  	[dreg:$0x3] =	wrdreg s4  }
0xaa: {  	[dreg:$0x4] =	wrdreg $0xC0  }
0xab: {  	_ =	task [dreg:s6], $0x5FFFF  }
0xac: {  	[dreg:$0x1] =	wrdreg $0xFFFFFFFF  }
0xad: {  	[dreg:$0x0] =	wrdreg $0x60  }
0xae: {  	[dreg:$0x2] =	wrdreg s24  }
0xaf: {  	[dreg:$0x3] =	wrdreg $0x41000  }
0xb0: {  	[dreg:$0x4] =	wrdreg $0x9  }
0xb1: {  	_ =	task.clear_ibuf [dreg:s6], $0x5FFFF;
	_ =	strace $0x9000004F  }
0xb2: {  	s29 =	simm.s32 $0x9;
	_ =	strace $0x80000051  }
0xb3: {  	_ =	swait.ge [sflag:s29], $0x1  }
0xb4: {  	[sflag:s29] =	ssyncadd.s32 $0xFFFFFFFF  }
0xb5: {  	_ =	strace $0x90000051  }
0xb6: {  	_ =	sfence  }
0xb7: {  	s30 =	sld [smem:$0x0];
	_ =	sdelay $0x2  }
0xb8: {  	s31 =	sshll.u32 s1, $0xD;
	s1 =	sshrl.u32 s1, $0x2  }
0xb9: {  	s3 =	sand.u32 $0x4000, s31;
	s1 =	sadd.s32 s1, s30  }
0xba: {  	s0 =	sor.u32 s3, s0;
	s1 =	sshll.u32 s1, $0x11  }
0xbb: {  	s0 =	sor.u32 s1, s0  }
0xbc: {  	s0 =	sadd.s32 $0x8F2B, s0  }
0xbd: {  	[sflag:s0] =	ssyncadd.remote.s32 $0x1  }
0xbe: {  	_ =	sfence.sel $0xFFFF  }
0xbf: {  	[dreg:$0x0] =	wrdreg $0xFFFFFFFF;
	(pc) =	sbr.abs _section_cstart, $3  }
0xc0: {  	[dreg:$0x1] =	wrdreg $0xFFFFFFFF  }
0xc1: {  	_ =	task.clear_ibuf [dreg:s6], $0x2FFFF;
	_ =	strace $0x9FFFFFFF  }
0xc2: {  	(tm) =	ssettm $0x7FFFFFFF  }
0xc3: {  	_ =	shalt  }
tec
execute0_lowered:
.L_overlay_start_1:
0x0: {  	(tag) =	ssettag $0x1  }
0x1: {  	s5 =	rddreg [dreg:$0x0]  }
0x2: {  	s2 =	rddreg [dreg:$0x1];
	s1 =	stileid.u32  }
0x3: {  	s0 =	rddreg [dreg:$0x2];
	s3 =	simm.s32 $0x0;
	s6 =	smul.u32 $0x9E0, s1  }
0x4: {  	s4 =	srdreg.scid;
	s18 =	simm.s32 $0x0;
	s12 =	smul.u32 $0x50000, s1  }
0x5: {  	[smem:$0x7FF] =	sst s3;
	s7 =	sshrl.u32 s1, $0x2;
	s16 =	smul.u32 $0x2800, s1  }
0x6: {  	s9 =	sand.u32 $0x1, s4;
	s4 =	sadd.s32 $0x1AC00, s5;
	s8 =	smul.u32 $0xA000, s7  }
0x7: {  	s13 =	sand.u32 $0x3, s1;
	s31 =	sshll.u32 s1, $0x6;
	s10 =	smul.u32 $0x28000, s9  }
0x8: {  	_ =	strace $0x80000050;
	s11 =	ssub.s32 $0x2, s9;
	s7 =	smul.u32 $0x140000, s7  }
0x9: {  	s9 =	smul.u32 $0x4F0, s9;
	p0 =	sne.s32 s13, $0x0;
	s13 =	simm.s32 $0x100  }
0xa: {  	s6 =	sadd.s32 s6, s5;
	s26 =	sshrl.u32 s11, $0x1;
	s29 =	sshrl.u32 s12, $0x2  }
0xb: {  	s12 =	simm.s32 $0x80;
	s8 =	sadd.s32 s8, s5;
	s10 =	sadd.s32 s10, s5  }
0xc: {  	s11 =	ssub.s32 s11, s26;
	s28 =	sshrl.u32 s7, $0x2;
	s17 =	sadd.s32 s29, s2  }
0xd: {  	s30 =	sadd.s32 s9, s6;
	s9 =	sshll.u32 @!p0 s1, $0x6;
	s14 =	sadd.s32 s28, s2  }
0xe: {  	s5 =	sadd.s32 $0x41E00, s8;
	s15 =	sadd.s32 $0x69E00, s10;
	s6 =	smax.u32 s11, $0x1  }
0xf: {  	s7 =	sadd.s32 $0x7000, s30;
	s8 =	sadd.s32 $0x10E00, s30;
	s9 =	sor.u32 @!p0 $0x1C02, s9  }
0x10: {  	s11 =	simm.s32 $0x2;
	s17 =	sshrl.u32 s17, $0x3;
	s10 =	sshrl.u32 @!p0 s14, $0x3  }
0x11: {  	s14 =	simm.s32 $0x1;
	s15 =	sadd.s32 s16, s15;
	s16 =	sor.u32 $0x1C02, s31  }
.LBB2_1:
0x12: {  	[spmem:s10], [sflag:s9] =	dma.local @!p0 [hbm:s5], $0xA000  }
0x13: {  	s19 =	simm.s32 @!p0 $0x2  }
0x14: {  	_ =	swait.ge @!p0 [sflag:s19], $0xA000  }
0x15: {  	[sflag:s19] =	ssyncset.done @!p0 $0x0  }
0x16: {  	[sflag:s19] =	ssyncadd.s32 @!p0 $0xFFFF6000  }
0x17: {  	s30 =	sadd.s32 $0x0, s8;
	[bflag:$0x0] =	sbarrier.arrive $0xFFFF  }
0x18: {  	[tilespmem:s3], [sflag:$0x2] =	stream.linear.gather [hbm4b:s30+s3], $0x80, $0x38;
	[tilespmem:$0x18100] =	vst v63  }
0x19: {  	_ =	swait.ge [sflag:s11], $0x80  }
0x1a: {  	[sflag:s11] =	ssyncset.done $0x0  }
0x1b: {  	s31 =	sadd.s32 $0x0, s7;
	[sflag:s11] =	ssyncadd.s32 $0xFFFFFF80  }
0x1c: {  	[tilespmem:s12], [sflag:$0x2] =	stream.linear.gather [hbm4b:s31+s3], $0x80, $0x38;
	[tilespmem:$0x18100] =	vst v63  }
0x1d: {  	_ =	swait.ge [sflag:s11], $0x80  }
0x1e: {  	[sflag:s11] =	ssyncset.done $0x0  }
0x1f: {  	[sflag:s11] =	ssyncadd.s32 $0xFFFFFF80  }
0x20: {  	[tilespmem:s13], [sflag:$0x1] =	stream.indirect.gather [hbm4b:s4+s12], $0x80, s3, s12, $0xb8;
	[tilespmem:$0x18100] =	vst v63  }
0x21: {  	_ =	swait.ge [sflag:s14], $0x4000  }
0x22: {  	[sflag:s14] =	ssyncset.done $0x0  }
0x23: {  	[sflag:s14] =	ssyncadd.s32 $0xFFFFC000  }
0x24: {  	[spmem:s2] =	stream.indirect.scatter.add.f32 [tilespmem:s13], [sflag:$0x2], $0x80, s12, s12, $0xb8;
	[tilespmem:$0x18100] =	vst v63  }
0x25: {  	_ =	swait.ge [sflag:s11], $0x4000  }
0x26: {  	s20 =	simm.s32 $0x20;
	s19 =	simm.s32 $0x10;
	[sflag:s11] =	ssyncset.done $0x0  }
.LBB2_2:
0x27: {  	s21 =	sadd.s32 s19, s8  }
0x28: {  	[sflag:s11] =	ssyncadd.s32 $0xFFFFC000;
	s22 =	smov.u32 s20;
	s23 =	sadd.s32 $0x10, s20  }
0x29: {  	[tilespmem:s3], [sflag:$0x2] =	stream.linear.gather [hbm4b:s21+s3], $0x80, $0x38;
	[tilespmem:$0x18100] =	vst v63  }
0x2a: {  	p1 =	sne.s32 s20, $0x4E0;
	_ =	swait.ge [sflag:s11], $0x80  }
0x2b: {  	[sflag:s11] =	ssyncset.done $0x0  }
0x2c: {  	s20 =	sadd.s32 s19, s7;
	s19 =	smov.u32 s22;
	[sflag:s11] =	ssyncadd.s32 $0xFFFFFF80  }
0x2d: {  	[tilespmem:s12], [sflag:$0x2] =	stream.linear.gather [hbm4b:s20+s3], $0x80, $0x38;
	[tilespmem:$0x18100] =	vst v63  }
0x2e: {  	_ =	swait.ge [sflag:s11], $0x80  }
0x2f: {  	[sflag:s11] =	ssyncset.done $0x0  }
0x30: {  	[sflag:s11] =	ssyncadd.s32 $0xFFFFFF80  }
0x31: {  	[tilespmem:s13], [sflag:$0x1] =	stream.indirect.gather [hbm4b:s4+s12], $0x80, s3, s12, $0xb8;
	[tilespmem:$0x18100] =	vst v63  }
0x32: {  	_ =	swait.ge [sflag:s14], $0x4000  }
.Ltmp0:
0x33: {  	[sflag:s14] =	ssyncset.done $0x0;
	(pc) =	sbr.rel @p1 .LBB2_2-.Ltmp0, $4  }
0x34: {  	[sflag:s14] =	ssyncadd.s32 $0xFFFFC000  }
0x35: {  	[spmem:s2] =	stream.indirect.scatter.add.f32 [tilespmem:s13], [sflag:$0x2], $0x80, s12, s12, $0xb8;
	[tilespmem:$0x18100] =	vst v63  }
0x36: {  	_ =	swait.ge [sflag:s11], $0x4000  }
0x37: {  	s20 =	smov.u32 s23;
	[sflag:s11] =	ssyncset.done $0x0  }
0x38: {  	s20 =	sadd.s32 s19, s8;
	[sflag:s11] =	ssyncadd.s32 $0xFFFFC000  }
0x39: {  	[tilespmem:s3], [sflag:$0x2] =	stream.linear.gather [hbm4b:s20+s3], $0x80, $0x38;
	[tilespmem:$0x18100] =	vst v63  }
0x3a: {  	_ =	swait.ge [sflag:s11], $0x80  }
0x3b: {  	[sflag:s11] =	ssyncset.done $0x0  }
0x3c: {  	s31 =	sadd.s32 s19, s7;
	[sflag:s11] =	ssyncadd.s32 $0xFFFFFF80  }
0x3d: {  	[tilespmem:s12], [sflag:$0x2] =	stream.linear.gather [hbm4b:s31+s3], $0x80, $0x38;
	[tilespmem:$0x18100] =	vst v63  }
0x3e: {  	_ =	swait.ge [sflag:s11], $0x80  }
0x3f: {  	[sflag:s11] =	ssyncset.done $0x0  }
0x40: {  	[sflag:s11] =	ssyncadd.s32 $0xFFFFFF80  }
0x41: {  	[tilespmem:s13], [sflag:$0x1] =	stream.indirect.gather [hbm4b:s4+s12], $0x80, s3, s12, $0xb8;
	[tilespmem:$0x18100] =	vst v63  }
0x42: {  	_ =	swait.ge [sflag:s14], $0x4000  }
0x43: {  	[sflag:s14] =	ssyncset.done $0x0  }
0x44: {  	[sflag:s14] =	ssyncadd.s32 $0xFFFFC000  }
0x45: {  	[spmem:s2] =	stream.indirect.scatter.add.f32 [tilespmem:s13], [sflag:$0x2], $0x80, s12, s12, $0xb8;
	[tilespmem:$0x18100] =	vst v63  }
0x46: {  	_ =	swait.ge [sflag:s11], $0x4000  }
0x47: {  	s18 =	sadd.s32 $0x1, s18;
	[sflag:s11] =	ssyncset.done $0x0  }
0x48: {  	p1 =	sne.s32 s18, s6;
	[sflag:s11] =	ssyncadd.s32 $0xFFFFC000  }
.Ltmp1:
0x49: {  	[bflag:$0x0] =	sbarrier.arrive $0xFFFF;
	(pc) =	sbr.rel @p1 .LBB2_1-.Ltmp1, $4  }
0x4a: {  	[hbm:s15], [sflag:s16] =	dma.local [spmem:s17], $0x2800  }
0x4b: {  	_ =	swait.ge [sflag:s11], $0x2800  }
0x4c: {  	[sflag:s11] =	ssyncset.done $0x0  }
0x4d: {  	[sflag:s11] =	ssyncadd.s32 $0xFFFFD800  }
0x4e: {  	_ =	sfence.sel $0x180000  }
0x4f: {  	[bflag:$0x0] =	sbarrier.arrive $0xFFFF  }
0x50: {  	p0 =	sne.s32 s1, $0x0;
	_ =	strace $0x90000050  }
0x51: {  	s0 =	sadd.s32 @!p0 $0x100000, s0;
	[bflag:$0x2] =	sbarrier.arrive $0xFFFF  }
0x52: {  	[sflag:s0] =	ssyncadd.tile.s32 @!p0 $0x1;
	_ =	shalt  }
.Lfunc_end2:
_tile_overlayer_lowered:
.L_overlay_start_2:
0x53: {  	(tag) =	ssettag $0x2  }
0x54: {  	s0 =	rddreg [dreg:$0x0];
	s2 =	stileid.u32  }
0x55: {  	s1 =	rddreg [dreg:$0x1];
	p0 =	sne.s32 s2, $0x0  }
0x56: {  	s3 =	rddreg [dreg:$0x2];
	[bflag:$0x3] =	sbarrier.arrive $0xFFFF;
	s2 =	simm.s32 @!p0 $0x1C02  }
0x57: {  	[timem:s3], [sflag:s2] =	dma.local @!p0 [hbm:s0], s1  }
0x58: {  	s0 =	simm.s32 @!p0 $0x2  }
0x59: {  	_ =	swait.ge @!p0 [sflag:s0], s1  }
0x5a: {  	s1 =	ssub.s32 @!p0 $0x0, s1;
	[sflag:s0] =	ssyncset.done @!p0 $0x0  }
0x5b: {  	[sflag:s0] =	ssyncadd.s32 @!p0 s1  }
0x5c: {  	[bflag:$0x3] =	sbarrier.arrive $0xFFFF  }
0x5d: {  	_ =	shalt  }

// kernel: kernel.29.cloned.1.call-start
scs
__scs_entry_jumppad:
0x0: {  	(pc) =	sbr.rel $0x88, $3  }
0x1: {  	(tag) =	ssettag $0x0;
	lr =	simm.s32 $0x1  }
0x2: {  	[smem:$0x3F87] =	sst lr;
	_ =	strace $0xD0000000  }
0x3: {  	_ = 	snop  }
0x4: {  	_ = 	snop  }
0x5: {  	_ = 	snop  }
0x6: {  	_ = 	snop  }
0x7: {  	_ = 	snop  }
__scs_overlays_trampoline_lowered:
0x8: {  	[smem:$0x3F96] =	sst s0  }
0x9: {  	[smem:$0x3F97] =	sst s1  }
0xa: {  	[smem:$0x3F98] =	sst s2  }
0xb: {  	[smem:$0x3F99] =	sst s3  }
0xc: {  	[smem:$0x3F9A] =	sst s4  }
0xd: {  	[smem:$0x3F9B] =	sst s5  }
0xe: {  	[smem:$0x3F9C] =	sst s6  }
0xf: {  	[smem:$0x3F9D] =	sst s7  }
0x10: {  	[smem:$0x3F9E] =	sst s8  }
0x11: {  	[smem:$0x3F9F] =	sst s9;
	s0 =	simm.s32 @!p0 $0x0  }
0x12: {  	s1 =	sld [smem:$0x3F85];
	s0 =	simm.s32 @p0 $0x1  }
0x13: {  	[smem:$0x3FA0] =	sst s0;
	s0 =	simm.s32 @!p1 $0x0  }
0x14: {  	s2 =	sld [smem:$0x3F84];
	s0 =	simm.s32 @p1 $0x1  }
0x15: {  	[smem:$0x3FA1] =	sst s0;
	s0 =	simm.s32 @!p2 $0x0  }
0x16: {  	s3 =	sld [smem:$0x3FDB];
	s0 =	simm.s32 @p2 $0x1  }
0x17: {  	s4 =	simm.s32 $0x1BF5;
	[smem:$0x3FA3] =	sst s0  }
0x18: {  	s0 =	sld [smem:$0x3F86];
	_ =	swait.ge [sflag:s4], $0x0  }
0x19: {  	s7 =	sld [smem:$0x3F87]  }
0x1a: {  	s8 =	sadd.s32 $0xFFFFE003, lr  }
0x1b: {  	s9 =	sadd.s32 $0xFFFFFEF7, lr;
	s5 =	simm.s32 $0xFFFFFFFF;
	p2 =	slt.u32 s8, $0xFFFFF086  }
0x1c: {  	p1 =	slt.u32 s9, $0xF7A;
	s5 =	simm.s32 @!p2 $0x0  }
0x1d: {  	s5 =	simm.s32 @p1 $0x1;
	p0 =	seq.s32 s7, s2  }
0x1e: {  	s7 =	smul.u32 @!p0 $0xF7A, s2;
	p2 =	seq.s32 @!p0 s5, $0x0  }
0x1f: {  	s9 =	smul.u32 $0xF7A, s1;
	s8 =	simm.s32 @!p0 $0x1BF5;
	p2 =	por !p2, p0  }
0x20: {  	[sflag:s8] =	ssyncset.s32 @!p0 $0xFFFFF086;
	s6 =	sadd.s32 @!p0 s3, s7;
	s7 =	simm.s32 @!p0 $0x108  }
0x21: {  	s3 =	sadd.s32 s3, s9;
	s6 =	sadd.s32 @!p0 $0x88, s6;
	s7 =	simm.s32 @p2 $0x1082  }
0x22: {  	[simem:s7], [sflag:s8] =	dma.local @!p0 [hbm:s6], $0xF7A  }
0x23: {  	s9 =	sor.u32 $0xD0000000, s2;
	s6 =	simm.s32 $0x108;
	_ =	swait.ge @!p0 [sflag:s8], $0x0  }
0x24: {  	s3 =	sadd.s32 $0x88, s3;
	s6 =	simm.s32 @!p1 $0x1082;
	[sflag:s4] =	ssyncset.s32 $0xFFFFF086  }
0x25: {  	[simem:s6], [sflag:s4] =	dma.local [hbm:s3], $0xF7A  }
0x26: {  	[smem:$0x3F87] =	sst s1;
	(tag) =	ssettag s2;
	_ =	strace s9  }
0x27: {  	s1 =	sld [smem:$0x3F97]  }
0x28: {  	s2 =	sld [smem:$0x3F98]  }
0x29: {  	s4 =	sld [smem:$0x3F9A]  }
0x2a: {  	p0 =	seq.s32 s5, $0x0;
	s5 =	sld [smem:$0x3F9B]  }
0x2b: {  	s6 =	sld [smem:$0x3F9C]  }
0x2c: {  	s7 =	sld [smem:$0x3F9D]  }
0x2d: {  	s3 =	simm.s32 $0x108;
	s8 =	sld [smem:$0x3F9E]  }
0x2e: {  	s3 =	simm.s32 @!p0 $0x1082;
	s9 =	sld [smem:$0x3F9F]  }
0x2f: {  	lr =	sadd.s32 s0, s3;
	s0 =	sld [smem:$0x3F96]  }
0x30: {  	s3 =	sld [smem:$0x3F99]  }
0x31: {  	[smem:$0x3FA2] =	sst s10  }
0x32: {  	s10 =	sld [smem:$0x3FA0];
	_ =	sdelay $0x3  }
0x33: {  	p0 =	seq.s32 s10, $0x1;
	s10 =	sld [smem:$0x3FA2];
	_ =	sdelay $0x3  }
0x34: {  	[smem:$0x3FA2] =	sst s10  }
0x35: {  	s10 =	sld [smem:$0x3FA1];
	_ =	sdelay $0x3  }
0x36: {  	p1 =	seq.s32 s10, $0x1;
	s10 =	sld [smem:$0x3FA2];
	_ =	sdelay $0x3  }
0x37: {  	[smem:$0x3FA2] =	sst s10  }
0x38: {  	s10 =	sld [smem:$0x3FA3]  }
0x39: {  	_ = 	snop;
	(pc) =	sbr.ind lr, $3  }
0x3a: {  	_ = 	snop  }
0x3b: {  	_ = 	snop  }
0x3c: {  	p2 =	seq.s32 s10, $0x1;
	s10 =	sld [smem:$0x3FA2]  }
0x3d: {  	_ =	shalt  }
0x3e: {  	_ =	shalt  }
0x3f: {  	_ =	shalt  }
0x40: {  	_ =	shalt  }
0x41: {  	_ =	shalt  }
0x42: {  	_ =	shalt  }
0x43: {  	_ =	shalt  }
0x44: {  	_ =	shalt  }
0x45: {  	_ =	shalt  }
0x46: {  	_ =	shalt  }
0x47: {  	_ =	shalt  }
0x48: {  	_ =	shalt  }
0x49: {  	_ =	shalt  }
0x4a: {  	_ =	shalt  }
0x4b: {  	_ =	shalt  }
0x4c: {  	_ =	shalt  }
0x4d: {  	_ =	shalt  }
0x4e: {  	_ =	shalt  }
0x4f: {  	_ =	shalt  }
0x50: {  	_ =	shalt  }
0x51: {  	_ =	shalt  }
0x52: {  	_ =	shalt  }
0x53: {  	_ =	shalt  }
0x54: {  	_ =	shalt  }
0x55: {  	_ =	shalt  }
0x56: {  	_ =	shalt  }
0x57: {  	_ =	shalt  }
0x58: {  	_ =	shalt  }
0x59: {  	_ =	shalt  }
0x5a: {  	_ =	shalt  }
0x5b: {  	_ =	shalt  }
0x5c: {  	_ =	shalt  }
0x5d: {  	_ =	shalt  }
0x5e: {  	_ =	shalt  }
0x5f: {  	_ =	shalt  }
0x60: {  	_ =	shalt  }
0x61: {  	_ =	shalt  }
0x62: {  	_ =	shalt  }
0x63: {  	_ =	shalt  }
0x64: {  	_ =	shalt  }
0x65: {  	_ =	shalt  }
0x66: {  	_ =	shalt  }
0x67: {  	_ =	shalt  }
0x68: {  	_ =	shalt  }
0x69: {  	_ =	shalt  }
0x6a: {  	_ =	shalt  }
0x6b: {  	_ =	shalt  }
0x6c: {  	_ =	shalt  }
0x6d: {  	_ =	shalt  }
0x6e: {  	_ =	shalt  }
0x6f: {  	_ =	shalt  }
0x70: {  	_ =	shalt  }
0x71: {  	_ =	shalt  }
0x72: {  	_ =	shalt  }
0x73: {  	_ =	shalt  }
0x74: {  	_ =	shalt  }
0x75: {  	_ =	shalt  }
0x76: {  	_ =	shalt  }
0x77: {  	_ =	shalt  }
0x78: {  	_ =	shalt  }
0x79: {  	_ =	shalt  }
0x7a: {  	_ =	shalt  }
0x7b: {  	_ =	shalt  }
0x7c: {  	_ =	shalt  }
0x7d: {  	_ =	shalt  }
0x7e: {  	_ =	shalt  }
0x7f: {  	_ =	shalt  }
0x80: {  	_ =	shalt  }
0x81: {  	_ =	shalt  }
0x82: {  	_ =	shalt  }
0x83: {  	_ =	shalt  }
0x84: {  	_ =	shalt  }
0x85: {  	_ =	shalt  }
0x86: {  	_ =	shalt  }
0x87: {  	_ =	shalt  }
.Lfunc_end0:
.L_simem_size_0:
called_computation.4_lowered:
.L_overlay_start_0:
0x88: {  	s2 =	sld [smem:$0x3FD9]  }
0x89: {  	s3 =	sld [smem:$0x3FFE];
	_ =	sdelay $0x1  }
0x8a: {  	s1 =	srdreg.scid  }
0x8b: {  	s0 =	sand.u32 $0x1, s1  }
0x8c: {  	s16 =	sshll.u32 s0, $0xA;
	s2 =	sadd.s32 s3, s2  }
0x8d: {  	s2 =	sadd.s32 s2, s16  }
0x8e: {  	[smem:$0x3FAE] =	sst s2  }
0x8f: {  	_ = 	snop  }
0x90: {  	(tm) =	ssettm $0x1  }
0x91: {  	s17 =	sld [smem:$0x3FFB];
	_ =	sdelay $0x3  }
0x92: {  	_ =	strace s17  }
0x93: {  	s2 =	sld [smem:$0x3FFC];
	_ =	sdelay $0x3  }
0x94: {  	_ =	strace s2  }
0x95: {  	s2 =	sld [smem:$0x3FFD];
	_ =	sdelay $0x3  }
0x96: {  	_ =	strace s2  }
0x97: {  	_ =	strace $0x8FFFFFFF  }
0x98: {  	s18 =	sld [smem:$0x3FDB];
	_ =	sdelay $0x1  }
0x99: {  	s19 =	simm.s32 $_scs_section_size  }
0x9a: {  	s4 =	simm.s32 $_size__tile_overlayer_lowered;
	s5 =	simm.s32 $_tile_overlayer_lowered  }
0x9b: {  	s22 =	simm.s32 $0x1BFF;
	s21 =	sshll.u32 s5, $0x1;
	s2 =	sadd.s32 s19, s18  }
0x9c: {  	s6 =	simm.s32 $0x0;
	s20 =	sshll.u32 s4, $0x1;
	s4 =	sadd.s32 s21, s2  }
0x9d: {  	[timem:s6], [sflag:s22] =	dma.local [hbm:s4], s20  }
0x9e: {  	_ =	swait.ge [sflag:s22], s20  }
0x9f: {  	s3 =	ssub.s32 $0x0, s20;
	[sflag:s22] =	ssyncset.done $0x0  }
0xa0: {  	[sflag:s22] =	ssyncadd.s32 s3;
	_ =	sdelay $0x1  }
0xa1: {  	s23 =	simm.s32 $0x1B8B  }
0xa2: {  	_ =	swait.ge [sflag:s23], $0x1  }
0xa3: {  	[sflag:s23] =	ssyncset.done $0x0  }
0xa4: {  	s25 =	simm.s32 $0x1B8E;
	s24 =	sld [smem:$0x3FFE];
	[sflag:s23] =	ssyncadd.s32 $0xFFFFFFFF  }
0xa5: {  	s26 =	simm.s32 $execute0_lowered;
	[smem:$0x3FD2] =	sst s25  }
0xa6: {  	s4 =	sshll.u32 s26, $0x1;
	_ =	strace $0x80000052;
	[dreg:$0x1] =	wrdreg $0xFFFFFFFF  }
0xa7: {  	s28 =	simm.s32 $_size_execute0_lowered;
	s2 =	sadd.s32 s2, s4;
	[dreg:$0x0] =	wrdreg $0x0  }
0xa8: {  	s4 =	sshll.u32 s28, $0x1;
	[dreg:$0x2] =	wrdreg s2  }
0xa9: {  	[dreg:$0x3] =	wrdreg s4  }
0xaa: {  	[dreg:$0x4] =	wrdreg $0xC0  }
0xab: {  	_ =	task [dreg:s6], $0x5FFFF  }
0xac: {  	[dreg:$0x1] =	wrdreg $0xFFFFFFFF  }
0xad: {  	[dreg:$0x0] =	wrdreg $0x60  }
0xae: {  	[dreg:$0x2] =	wrdreg s24  }
0xaf: {  	[dreg:$0x3] =	wrdreg $0x41000  }
0xb0: {  	[dreg:$0x4] =	wrdreg $0x9  }
0xb1: {  	_ =	task.clear_ibuf [dreg:s6], $0x5FFFF;
	_ =	strace $0x90000052  }
0xb2: {  	s29 =	simm.s32 $0x9;
	_ =	strace $0x80000054  }
0xb3: {  	_ =	swait.ge [sflag:s29], $0x1  }
0xb4: {  	[sflag:s29] =	ssyncadd.s32 $0xFFFFFFFF  }
0xb5: {  	_ =	strace $0x90000054  }
0xb6: {  	_ =	sfence  }
0xb7: {  	s30 =	sld [smem:$0x0];
	_ =	sdelay $0x2  }
0xb8: {  	s31 =	sshll.u32 s1, $0xD;
	s1 =	sshrl.u32 s1, $0x2  }
0xb9: {  	s3 =	sand.u32 $0x4000, s31;
	s1 =	sadd.s32 s1, s30  }
0xba: {  	s0 =	sor.u32 s3, s0;
	s1 =	sshll.u32 s1, $0x11  }
0xbb: {  	s0 =	sor.u32 s1, s0  }
0xbc: {  	s0 =	sadd.s32 $0x8F2B, s0  }
0xbd: {  	[sflag:s0] =	ssyncadd.remote.s32 $0x1  }
0xbe: {  	_ =	sfence.sel $0xFFFF  }
0xbf: {  	[dreg:$0x0] =	wrdreg $0xFFFFFFFF;
	(pc) =	sbr.abs _section_cstart, $3  }
0xc0: {  	[dreg:$0x1] =	wrdreg $0xFFFFFFFF  }
0xc1: {  	_ =	task.clear_ibuf [dreg:s6], $0x2FFFF;
	_ =	strace $0x9FFFFFFF  }
0xc2: {  	(tm) =	ssettm $0x7FFFFFFF  }
0xc3: {  	_ =	shalt  }
tec
execute0_lowered:
.L_overlay_start_1:
0x0: {  	(tag) =	ssettag $0x1  }
0x1: {  	s5 =	rddreg [dreg:$0x0]  }
0x2: {  	s2 =	rddreg [dreg:$0x1];
	s1 =	stileid.u32  }
0x3: {  	s0 =	rddreg [dreg:$0x2];
	s3 =	simm.s32 $0x0;
	s6 =	smul.u32 $0x9E0, s1  }
0x4: {  	s4 =	srdreg.scid;
	s18 =	simm.s32 $0x0;
	s12 =	smul.u32 $0x50000, s1  }
0x5: {  	[smem:$0x7FF] =	sst s3;
	s7 =	sshrl.u32 s1, $0x2;
	s16 =	smul.u32 $0x2800, s1  }
0x6: {  	s9 =	sand.u32 $0x1, s4;
	s4 =	sadd.s32 $0x1AC00, s5;
	s8 =	smul.u32 $0xA000, s7  }
0x7: {  	s13 =	sand.u32 $0x3, s1;
	s31 =	sshll.u32 s1, $0x6;
	s10 =	smul.u32 $0x28000, s9  }
0x8: {  	_ =	strace $0x80000053;
	s11 =	ssub.s32 $0x2, s9;
	s7 =	smul.u32 $0x140000, s7  }
0x9: {  	s9 =	smul.u32 $0x4F0, s9;
	p0 =	sne.s32 s13, $0x0;
	s13 =	simm.s32 $0x100  }
0xa: {  	s6 =	sadd.s32 s6, s5;
	s26 =	sshrl.u32 s11, $0x1;
	s29 =	sshrl.u32 s12, $0x2  }
0xb: {  	s12 =	simm.s32 $0x80;
	s8 =	sadd.s32 s8, s5;
	s10 =	sadd.s32 s10, s5  }
0xc: {  	s11 =	ssub.s32 s11, s26;
	s28 =	sshrl.u32 s7, $0x2;
	s17 =	sadd.s32 s29, s2  }
0xd: {  	s30 =	sadd.s32 s9, s6;
	s9 =	sshll.u32 @!p0 s1, $0x6;
	s14 =	sadd.s32 s28, s2  }
0xe: {  	s5 =	sadd.s32 $0x41E00, s8;
	s15 =	sadd.s32 $0x69E00, s10;
	s6 =	smax.u32 s11, $0x1  }
0xf: {  	s7 =	sadd.s32 $0x7000, s30;
	s8 =	sadd.s32 $0x10E00, s30;
	s9 =	sor.u32 @!p0 $0x1C02, s9  }
0x10: {  	s11 =	simm.s32 $0x2;
	s17 =	sshrl.u32 s17, $0x3;
	s10 =	sshrl.u32 @!p0 s14, $0x3  }
0x11: {  	s14 =	simm.s32 $0x1;
	s15 =	sadd.s32 s16, s15;
	s16 =	sor.u32 $0x1C02, s31  }
.LBB2_1:
0x12: {  	[spmem:s10], [sflag:s9] =	dma.local @!p0 [hbm:s5], $0xA000  }
0x13: {  	s19 =	simm.s32 @!p0 $0x2  }
0x14: {  	_ =	swait.ge @!p0 [sflag:s19], $0xA000  }
0x15: {  	[sflag:s19] =	ssyncset.done @!p0 $0x0  }
0x16: {  	[sflag:s19] =	ssyncadd.s32 @!p0 $0xFFFF6000  }
0x17: {  	s30 =	sadd.s32 $0x0, s8;
	[bflag:$0x0] =	sbarrier.arrive $0xFFFF  }
0x18: {  	[tilespmem:s3], [sflag:$0x2] =	stream.linear.gather [hbm4b:s30+s3], $0x80, $0x38;
	[tilespmem:$0x18100] =	vst v63  }
0x19: {  	_ =	swait.ge [sflag:s11], $0x80  }
0x1a: {  	[sflag:s11] =	ssyncset.done $0x0  }
0x1b: {  	s31 =	sadd.s32 $0x0, s7;
	[sflag:s11] =	ssyncadd.s32 $0xFFFFFF80  }
0x1c: {  	[tilespmem:s12], [sflag:$0x2] =	stream.linear.gather [hbm4b:s31+s3], $0x80, $0x38;
	[tilespmem:$0x18100] =	vst v63  }
0x1d: {  	_ =	swait.ge [sflag:s11], $0x80  }
0x1e: {  	[sflag:s11] =	ssyncset.done $0x0  }
0x1f: {  	[sflag:s11] =	ssyncadd.s32 $0xFFFFFF80  }
0x20: {  	[tilespmem:s13], [sflag:$0x1] =	stream.indirect.gather [hbm4b:s4+s12], $0x80, s3, s12, $0xb8;
	[tilespmem:$0x18100] =	vst v63  }
0x21: {  	_ =	swait.ge [sflag:s14], $0x4000  }
0x22: {  	[sflag:s14] =	ssyncset.done $0x0  }
0x23: {  	[sflag:s14] =	ssyncadd.s32 $0xFFFFC000  }
0x24: {  	[spmem:s2] =	stream.indirect.scatter.add.f32 [tilespmem:s13], [sflag:$0x2], $0x80, s12, s12, $0xb8;
	[tilespmem:$0x18100] =	vst v63  }
0x25: {  	_ =	swait.ge [sflag:s11], $0x4000  }
0x26: {  	s20 =	simm.s32 $0x20;
	s19 =	simm.s32 $0x10;
	[sflag:s11] =	ssyncset.done $0x0  }
.LBB2_2:
0x27: {  	s21 =	sadd.s32 s19, s8  }
0x28: {  	[sflag:s11] =	ssyncadd.s32 $0xFFFFC000;
	s22 =	smov.u32 s20;
	s23 =	sadd.s32 $0x10, s20  }
0x29: {  	[tilespmem:s3], [sflag:$0x2] =	stream.linear.gather [hbm4b:s21+s3], $0x80, $0x38;
	[tilespmem:$0x18100] =	vst v63  }
0x2a: {  	p1 =	sne.s32 s20, $0x4E0;
	_ =	swait.ge [sflag:s11], $0x80  }
0x2b: {  	[sflag:s11] =	ssyncset.done $0x0  }
0x2c: {  	s20 =	sadd.s32 s19, s7;
	s19 =	smov.u32 s22;
	[sflag:s11] =	ssyncadd.s32 $0xFFFFFF80  }
0x2d: {  	[tilespmem:s12], [sflag:$0x2] =	stream.linear.gather [hbm4b:s20+s3], $0x80, $0x38;
	[tilespmem:$0x18100] =	vst v63  }
0x2e: {  	_ =	swait.ge [sflag:s11], $0x80  }
0x2f: {  	[sflag:s11] =	ssyncset.done $0x0  }
0x30: {  	[sflag:s11] =	ssyncadd.s32 $0xFFFFFF80  }
0x31: {  	[tilespmem:s13], [sflag:$0x1] =	stream.indirect.gather [hbm4b:s4+s12], $0x80, s3, s12, $0xb8;
	[tilespmem:$0x18100] =	vst v63  }
0x32: {  	_ =	swait.ge [sflag:s14], $0x4000  }
.Ltmp0:
0x33: {  	[sflag:s14] =	ssyncset.done $0x0;
	(pc) =	sbr.rel @p1 .LBB2_2-.Ltmp0, $4  }
0x34: {  	[sflag:s14] =	ssyncadd.s32 $0xFFFFC000  }
0x35: {  	[spmem:s2] =	stream.indirect.scatter.add.f32 [tilespmem:s13], [sflag:$0x2], $0x80, s12, s12, $0xb8;
	[tilespmem:$0x18100] =	vst v63  }
0x36: {  	_ =	swait.ge [sflag:s11], $0x4000  }
0x37: {  	s20 =	smov.u32 s23;
	[sflag:s11] =	ssyncset.done $0x0  }
0x38: {  	s20 =	sadd.s32 s19, s8;
	[sflag:s11] =	ssyncadd.s32 $0xFFFFC000  }
0x39: {  	[tilespmem:s3], [sflag:$0x2] =	stream.linear.gather [hbm4b:s20+s3], $0x80, $0x38;
	[tilespmem:$0x18100] =	vst v63  }
0x3a: {  	_ =	swait.ge [sflag:s11], $0x80  }
0x3b: {  	[sflag:s11] =	ssyncset.done $0x0  }
0x3c: {  	s31 =	sadd.s32 s19, s7;
	[sflag:s11] =	ssyncadd.s32 $0xFFFFFF80  }
0x3d: {  	[tilespmem:s12], [sflag:$0x2] =	stream.linear.gather [hbm4b:s31+s3], $0x80, $0x38;
	[tilespmem:$0x18100] =	vst v63  }
0x3e: {  	_ =	swait.ge [sflag:s11], $0x80  }
0x3f: {  	[sflag:s11] =	ssyncset.done $0x0  }
0x40: {  	[sflag:s11] =	ssyncadd.s32 $0xFFFFFF80  }
0x41: {  	[tilespmem:s13], [sflag:$0x1] =	stream.indirect.gather [hbm4b:s4+s12], $0x80, s3, s12, $0xb8;
	[tilespmem:$0x18100] =	vst v63  }
0x42: {  	_ =	swait.ge [sflag:s14], $0x4000  }
0x43: {  	[sflag:s14] =	ssyncset.done $0x0  }
0x44: {  	[sflag:s14] =	ssyncadd.s32 $0xFFFFC000  }
0x45: {  	[spmem:s2] =	stream.indirect.scatter.add.f32 [tilespmem:s13], [sflag:$0x2], $0x80, s12, s12, $0xb8;
	[tilespmem:$0x18100] =	vst v63  }
0x46: {  	_ =	swait.ge [sflag:s11], $0x4000  }
0x47: {  	s18 =	sadd.s32 $0x1, s18;
	[sflag:s11] =	ssyncset.done $0x0  }
0x48: {  	p1 =	sne.s32 s18, s6;
	[sflag:s11] =	ssyncadd.s32 $0xFFFFC000  }
.Ltmp1:
0x49: {  	[bflag:$0x0] =	sbarrier.arrive $0xFFFF;
	(pc) =	sbr.rel @p1 .LBB2_1-.Ltmp1, $4  }
0x4a: {  	[hbm:s15], [sflag:s16] =	dma.local [spmem:s17], $0x2800  }
0x4b: {  	_ =	swait.ge [sflag:s11], $0x2800  }
0x4c: {  	[sflag:s11] =	ssyncset.done $0x0  }
0x4d: {  	[sflag:s11] =	ssyncadd.s32 $0xFFFFD800  }
0x4e: {  	_ =	sfence.sel $0x180000  }
0x4f: {  	[bflag:$0x0] =	sbarrier.arrive $0xFFFF  }
0x50: {  	p0 =	sne.s32 s1, $0x0;
	_ =	strace $0x90000053  }
0x51: {  	s0 =	sadd.s32 @!p0 $0x100000, s0;
	[bflag:$0x2] =	sbarrier.arrive $0xFFFF  }
0x52: {  	[sflag:s0] =	ssyncadd.tile.s32 @!p0 $0x1;
	_ =	shalt  }
.Lfunc_end2:
_tile_overlayer_lowered:
.L_overlay_start_2:
0x53: {  	(tag) =	ssettag $0x2  }
0x54: {  	s0 =	rddreg [dreg:$0x0];
	s2 =	stileid.u32  }
0x55: {  	s1 =	rddreg [dreg:$0x1];
	p0 =	sne.s32 s2, $0x0  }
0x56: {  	s3 =	rddreg [dreg:$0x2];
	[bflag:$0x3] =	sbarrier.arrive $0xFFFF;
	s2 =	simm.s32 @!p0 $0x1C02  }
0x57: {  	[timem:s3], [sflag:s2] =	dma.local @!p0 [hbm:s0], s1  }
0x58: {  	s0 =	simm.s32 @!p0 $0x2  }
0x59: {  	_ =	swait.ge @!p0 [sflag:s0], s1  }
0x5a: {  	s1 =	ssub.s32 @!p0 $0x0, s1;
	[sflag:s0] =	ssyncset.done @!p0 $0x0  }
0x5b: {  	[sflag:s0] =	ssyncadd.s32 @!p0 s1  }
0x5c: {  	[bflag:$0x3] =	sbarrier.arrive $0xFFFF  }
0x5d: {  	_ =	shalt  }

// kernel: kernel.32.cloned.1.call-start
scs
__scs_entry_jumppad:
0x0: {  	(pc) =	sbr.rel $0x88, $3  }
0x1: {  	(tag) =	ssettag $0x0;
	lr =	simm.s32 $0x1  }
0x2: {  	[smem:$0x3F87] =	sst lr;
	_ =	strace $0xD0000000  }
0x3: {  	_ = 	snop  }
0x4: {  	_ = 	snop  }
0x5: {  	_ = 	snop  }
0x6: {  	_ = 	snop  }
0x7: {  	_ = 	snop  }
__scs_overlays_trampoline_lowered:
0x8: {  	[smem:$0x3F96] =	sst s0  }
0x9: {  	[smem:$0x3F97] =	sst s1  }
0xa: {  	[smem:$0x3F98] =	sst s2  }
0xb: {  	[smem:$0x3F99] =	sst s3  }
0xc: {  	[smem:$0x3F9A] =	sst s4  }
0xd: {  	[smem:$0x3F9B] =	sst s5  }
0xe: {  	[smem:$0x3F9C] =	sst s6  }
0xf: {  	[smem:$0x3F9D] =	sst s7  }
0x10: {  	[smem:$0x3F9E] =	sst s8  }
0x11: {  	[smem:$0x3F9F] =	sst s9;
	s0 =	simm.s32 @!p0 $0x0  }
0x12: {  	s1 =	sld [smem:$0x3F85];
	s0 =	simm.s32 @p0 $0x1  }
0x13: {  	[smem:$0x3FA0] =	sst s0;
	s0 =	simm.s32 @!p1 $0x0  }
0x14: {  	s2 =	sld [smem:$0x3F84];
	s0 =	simm.s32 @p1 $0x1  }
0x15: {  	[smem:$0x3FA1] =	sst s0;
	s0 =	simm.s32 @!p2 $0x0  }
0x16: {  	s3 =	sld [smem:$0x3FDB];
	s0 =	simm.s32 @p2 $0x1  }
0x17: {  	s4 =	simm.s32 $0x1BF5;
	[smem:$0x3FA3] =	sst s0  }
0x18: {  	s0 =	sld [smem:$0x3F86];
	_ =	swait.ge [sflag:s4], $0x0  }
0x19: {  	s7 =	sld [smem:$0x3F87]  }
0x1a: {  	s8 =	sadd.s32 $0xFFFFE003, lr  }
0x1b: {  	s9 =	sadd.s32 $0xFFFFFEF7, lr;
	s5 =	simm.s32 $0xFFFFFFFF;
	p2 =	slt.u32 s8, $0xFFFFF086  }
0x1c: {  	p1 =	slt.u32 s9, $0xF7A;
	s5 =	simm.s32 @!p2 $0x0  }
0x1d: {  	s5 =	simm.s32 @p1 $0x1;
	p0 =	seq.s32 s7, s2  }
0x1e: {  	s7 =	smul.u32 @!p0 $0xF7A, s2;
	p2 =	seq.s32 @!p0 s5, $0x0  }
0x1f: {  	s9 =	smul.u32 $0xF7A, s1;
	s8 =	simm.s32 @!p0 $0x1BF5;
	p2 =	por !p2, p0  }
0x20: {  	[sflag:s8] =	ssyncset.s32 @!p0 $0xFFFFF086;
	s6 =	sadd.s32 @!p0 s3, s7;
	s7 =	simm.s32 @!p0 $0x108  }
0x21: {  	s3 =	sadd.s32 s3, s9;
	s6 =	sadd.s32 @!p0 $0x88, s6;
	s7 =	simm.s32 @p2 $0x1082  }
0x22: {  	[simem:s7], [sflag:s8] =	dma.local @!p0 [hbm:s6], $0xF7A  }
0x23: {  	s9 =	sor.u32 $0xD0000000, s2;
	s6 =	simm.s32 $0x108;
	_ =	swait.ge @!p0 [sflag:s8], $0x0  }
0x24: {  	s3 =	sadd.s32 $0x88, s3;
	s6 =	simm.s32 @!p1 $0x1082;
	[sflag:s4] =	ssyncset.s32 $0xFFFFF086  }
0x25: {  	[simem:s6], [sflag:s4] =	dma.local [hbm:s3], $0xF7A  }
0x26: {  	[smem:$0x3F87] =	sst s1;
	(tag) =	ssettag s2;
	_ =	strace s9  }
0x27: {  	s1 =	sld [smem:$0x3F97]  }
0x28: {  	s2 =	sld [smem:$0x3F98]  }
0x29: {  	s4 =	sld [smem:$0x3F9A]  }
0x2a: {  	p0 =	seq.s32 s5, $0x0;
	s5 =	sld [smem:$0x3F9B]  }
0x2b: {  	s6 =	sld [smem:$0x3F9C]  }
0x2c: {  	s7 =	sld [smem:$0x3F9D]  }
0x2d: {  	s3 =	simm.s32 $0x108;
	s8 =	sld [smem:$0x3F9E]  }
0x2e: {  	s3 =	simm.s32 @!p0 $0x1082;
	s9 =	sld [smem:$0x3F9F]  }
0x2f: {  	lr =	sadd.s32 s0, s3;
	s0 =	sld [smem:$0x3F96]  }
0x30: {  	s3 =	sld [smem:$0x3F99]  }
0x31: {  	[smem:$0x3FA2] =	sst s10  }
0x32: {  	s10 =	sld [smem:$0x3FA0];
	_ =	sdelay $0x3  }
0x33: {  	p0 =	seq.s32 s10, $0x1;
	s10 =	sld [smem:$0x3FA2];
	_ =	sdelay $0x3  }
0x34: {  	[smem:$0x3FA2] =	sst s10  }
0x35: {  	s10 =	sld [smem:$0x3FA1];
	_ =	sdelay $0x3  }
0x36: {  	p1 =	seq.s32 s10, $0x1;
	s10 =	sld [smem:$0x3FA2];
	_ =	sdelay $0x3  }
0x37: {  	[smem:$0x3FA2] =	sst s10  }
0x38: {  	s10 =	sld [smem:$0x3FA3]  }
0x39: {  	_ = 	snop;
	(pc) =	sbr.ind lr, $3  }
0x3a: {  	_ = 	snop  }
0x3b: {  	_ = 	snop  }
0x3c: {  	p2 =	seq.s32 s10, $0x1;
	s10 =	sld [smem:$0x3FA2]  }
0x3d: {  	_ =	shalt  }
0x3e: {  	_ =	shalt  }
0x3f: {  	_ =	shalt  }
0x40: {  	_ =	shalt  }
0x41: {  	_ =	shalt  }
0x42: {  	_ =	shalt  }
0x43: {  	_ =	shalt  }
0x44: {  	_ =	shalt  }
0x45: {  	_ =	shalt  }
0x46: {  	_ =	shalt  }
0x47: {  	_ =	shalt  }
0x48: {  	_ =	shalt  }
0x49: {  	_ =	shalt  }
0x4a: {  	_ =	shalt  }
0x4b: {  	_ =	shalt  }
0x4c: {  	_ =	shalt  }
0x4d: {  	_ =	shalt  }
0x4e: {  	_ =	shalt  }
0x4f: {  	_ =	shalt  }
0x50: {  	_ =	shalt  }
0x51: {  	_ =	shalt  }
0x52: {  	_ =	shalt  }
0x53: {  	_ =	shalt  }
0x54: {  	_ =	shalt  }
0x55: {  	_ =	shalt  }
0x56: {  	_ =	shalt  }
0x57: {  	_ =	shalt  }
0x58: {  	_ =	shalt  }
0x59: {  	_ =	shalt  }
0x5a: {  	_ =	shalt  }
0x5b: {  	_ =	shalt  }
0x5c: {  	_ =	shalt  }
0x5d: {  	_ =	shalt  }
0x5e: {  	_ =	shalt  }
0x5f: {  	_ =	shalt  }
0x60: {  	_ =	shalt  }
0x61: {  	_ =	shalt  }
0x62: {  	_ =	shalt  }
0x63: {  	_ =	shalt  }
0x64: {  	_ =	shalt  }
0x65: {  	_ =	shalt  }
0x66: {  	_ =	shalt  }
0x67: {  	_ =	shalt  }
0x68: {  	_ =	shalt  }
0x69: {  	_ =	shalt  }
0x6a: {  	_ =	shalt  }
0x6b: {  	_ =	shalt  }
0x6c: {  	_ =	shalt  }
0x6d: {  	_ =	shalt  }
0x6e: {  	_ =	shalt  }
0x6f: {  	_ =	shalt  }
0x70: {  	_ =	shalt  }
0x71: {  	_ =	shalt  }
0x72: {  	_ =	shalt  }
0x73: {  	_ =	shalt  }
0x74: {  	_ =	shalt  }
0x75: {  	_ =	shalt  }
0x76: {  	_ =	shalt  }
0x77: {  	_ =	shalt  }
0x78: {  	_ =	shalt  }
0x79: {  	_ =	shalt  }
0x7a: {  	_ =	shalt  }
0x7b: {  	_ =	shalt  }
0x7c: {  	_ =	shalt  }
0x7d: {  	_ =	shalt  }
0x7e: {  	_ =	shalt  }
0x7f: {  	_ =	shalt  }
0x80: {  	_ =	shalt  }
0x81: {  	_ =	shalt  }
0x82: {  	_ =	shalt  }
0x83: {  	_ =	shalt  }
0x84: {  	_ =	shalt  }
0x85: {  	_ =	shalt  }
0x86: {  	_ =	shalt  }
0x87: {  	_ =	shalt  }
.Lfunc_end0:
.L_simem_size_0:
called_computation.5_lowered:
.L_overlay_start_0:
0x88: {  	s2 =	sld [smem:$0x3FD9]  }
0x89: {  	s3 =	sld [smem:$0x3FFE];
	_ =	sdelay $0x1  }
0x8a: {  	s1 =	srdreg.scid  }
0x8b: {  	s0 =	sand.u32 $0x1, s1  }
0x8c: {  	s16 =	sshll.u32 s0, $0xA;
	s2 =	sadd.s32 s3, s2  }
0x8d: {  	s2 =	sadd.s32 s2, s16  }
0x8e: {  	[smem:$0x3FAE] =	sst s2  }
0x8f: {  	_ = 	snop  }
0x90: {  	(tm) =	ssettm $0x1  }
0x91: {  	s17 =	sld [smem:$0x3FFB];
	_ =	sdelay $0x3  }
0x92: {  	_ =	strace s17  }
0x93: {  	s2 =	sld [smem:$0x3FFC];
	_ =	sdelay $0x3  }
0x94: {  	_ =	strace s2  }
0x95: {  	s2 =	sld [smem:$0x3FFD];
	_ =	sdelay $0x3  }
0x96: {  	_ =	strace s2  }
0x97: {  	_ =	strace $0x8FFFFFFF  }
0x98: {  	s18 =	sld [smem:$0x3FDB];
	_ =	sdelay $0x1  }
0x99: {  	s19 =	simm.s32 $_scs_section_size  }
0x9a: {  	s4 =	simm.s32 $_size__tile_overlayer_lowered;
	s5 =	simm.s32 $_tile_overlayer_lowered  }
0x9b: {  	s22 =	simm.s32 $0x1BFF;
	s21 =	sshll.u32 s5, $0x1;
	s2 =	sadd.s32 s19, s18  }
0x9c: {  	s6 =	simm.s32 $0x0;
	s20 =	sshll.u32 s4, $0x1;
	s4 =	sadd.s32 s21, s2  }
0x9d: {  	[timem:s6], [sflag:s22] =	dma.local [hbm:s4], s20  }
0x9e: {  	_ =	swait.ge [sflag:s22], s20  }
0x9f: {  	s3 =	ssub.s32 $0x0, s20;
	[sflag:s22] =	ssyncset.done $0x0  }
0xa0: {  	[sflag:s22] =	ssyncadd.s32 s3;
	_ =	sdelay $0x1  }
0xa1: {  	s23 =	simm.s32 $0x1B8B  }
0xa2: {  	_ =	swait.ge [sflag:s23], $0x1  }
0xa3: {  	[sflag:s23] =	ssyncset.done $0x0  }
0xa4: {  	s25 =	simm.s32 $0x1B8E;
	s24 =	sld [smem:$0x3FFE];
	[sflag:s23] =	ssyncadd.s32 $0xFFFFFFFF  }
0xa5: {  	s26 =	simm.s32 $execute0_lowered;
	[smem:$0x3FD2] =	sst s25  }
0xa6: {  	s4 =	sshll.u32 s26, $0x1;
	_ =	strace $0x80000055;
	[dreg:$0x1] =	wrdreg $0xFFFFFFFF  }
0xa7: {  	s28 =	simm.s32 $_size_execute0_lowered;
	s2 =	sadd.s32 s2, s4;
	[dreg:$0x0] =	wrdreg $0x0  }
0xa8: {  	s4 =	sshll.u32 s28, $0x1;
	[dreg:$0x2] =	wrdreg s2  }
0xa9: {  	[dreg:$0x3] =	wrdreg s4  }
0xaa: {  	[dreg:$0x4] =	wrdreg $0xC0  }
0xab: {  	_ =	task [dreg:s6], $0x5FFFF  }
0xac: {  	[dreg:$0x1] =	wrdreg $0xFFFFFFFF  }
0xad: {  	[dreg:$0x0] =	wrdreg $0x60  }
0xae: {  	[dreg:$0x2] =	wrdreg s24  }
0xaf: {  	[dreg:$0x3] =	wrdreg $0x41000  }
0xb0: {  	[dreg:$0x4] =	wrdreg $0x9  }
0xb1: {  	_ =	task.clear_ibuf [dreg:s6], $0x5FFFF;
	_ =	strace $0x90000055  }
0xb2: {  	s29 =	simm.s32 $0x9;
	_ =	strace $0x80000057  }
0xb3: {  	_ =	swait.ge [sflag:s29], $0x1  }
0xb4: {  	[sflag:s29] =	ssyncadd.s32 $0xFFFFFFFF  }
0xb5: {  	_ =	strace $0x90000057  }
0xb6: {  	_ =	sfence  }
0xb7: {  	s30 =	sld [smem:$0x0];
	_ =	sdelay $0x2  }
0xb8: {  	s31 =	sshll.u32 s1, $0xD;
	s1 =	sshrl.u32 s1, $0x2  }
0xb9: {  	s3 =	sand.u32 $0x4000, s31;
	s1 =	sadd.s32 s1, s30  }
0xba: {  	s0 =	sor.u32 s3, s0;
	s1 =	sshll.u32 s1, $0x11  }
0xbb: {  	s0 =	sor.u32 s1, s0  }
0xbc: {  	s0 =	sadd.s32 $0x8F2B, s0  }
0xbd: {  	[sflag:s0] =	ssyncadd.remote.s32 $0x1  }
0xbe: {  	_ =	sfence.sel $0xFFFF  }
0xbf: {  	[dreg:$0x0] =	wrdreg $0xFFFFFFFF;
	(pc) =	sbr.abs _section_cstart, $3  }
0xc0: {  	[dreg:$0x1] =	wrdreg $0xFFFFFFFF  }
0xc1: {  	_ =	task.clear_ibuf [dreg:s6], $0x2FFFF;
	_ =	strace $0x9FFFFFFF  }
0xc2: {  	(tm) =	ssettm $0x7FFFFFFF  }
0xc3: {  	_ =	shalt  }
tec
execute0_lowered:
.L_overlay_start_1:
0x0: {  	(tag) =	ssettag $0x1  }
0x1: {  	s5 =	rddreg [dreg:$0x0]  }
0x2: {  	s2 =	rddreg [dreg:$0x1];
	s1 =	stileid.u32  }
0x3: {  	s0 =	rddreg [dreg:$0x2];
	s3 =	simm.s32 $0x0;
	s6 =	smul.u32 $0x9E0, s1  }
0x4: {  	s4 =	srdreg.scid;
	s18 =	simm.s32 $0x0;
	s12 =	smul.u32 $0x50000, s1  }
0x5: {  	[smem:$0x7FF] =	sst s3;
	s7 =	sshrl.u32 s1, $0x2;
	s16 =	smul.u32 $0x2800, s1  }
0x6: {  	s9 =	sand.u32 $0x1, s4;
	s4 =	sadd.s32 $0x1AC00, s5;
	s8 =	smul.u32 $0xA000, s7  }
0x7: {  	s13 =	sand.u32 $0x3, s1;
	s31 =	sshll.u32 s1, $0x6;
	s10 =	smul.u32 $0x28000, s9  }
0x8: {  	_ =	strace $0x80000056;
	s11 =	ssub.s32 $0x2, s9;
	s7 =	smul.u32 $0x140000, s7  }
0x9: {  	s9 =	smul.u32 $0x4F0, s9;
	p0 =	sne.s32 s13, $0x0;
	s13 =	simm.s32 $0x100  }
0xa: {  	s6 =	sadd.s32 s6, s5;
	s26 =	sshrl.u32 s11, $0x1;
	s29 =	sshrl.u32 s12, $0x2  }
0xb: {  	s12 =	simm.s32 $0x80;
	s8 =	sadd.s32 s8, s5;
	s10 =	sadd.s32 s10, s5  }
0xc: {  	s11 =	ssub.s32 s11, s26;
	s28 =	sshrl.u32 s7, $0x2;
	s17 =	sadd.s32 s29, s2  }
0xd: {  	s30 =	sadd.s32 s9, s6;
	s9 =	sshll.u32 @!p0 s1, $0x6;
	s14 =	sadd.s32 s28, s2  }
0xe: {  	s5 =	sadd.s32 $0x41E00, s8;
	s15 =	sadd.s32 $0x69E00, s10;
	s6 =	smax.u32 s11, $0x1  }
0xf: {  	s7 =	sadd.s32 $0x7000, s30;
	s8 =	sadd.s32 $0x10E00, s30;
	s9 =	sor.u32 @!p0 $0x1C02, s9  }
0x10: {  	s11 =	simm.s32 $0x2;
	s17 =	sshrl.u32 s17, $0x3;
	s10 =	sshrl.u32 @!p0 s14, $0x3  }
0x11: {  	s14 =	simm.s32 $0x1;
	s15 =	sadd.s32 s16, s15;
	s16 =	sor.u32 $0x1C02, s31  }
.LBB2_1:
0x12: {  	[spmem:s10], [sflag:s9] =	dma.local @!p0 [hbm:s5], $0xA000  }
0x13: {  	s19 =	simm.s32 @!p0 $0x2  }
0x14: {  	_ =	swait.ge @!p0 [sflag:s19], $0xA000  }
0x15: {  	[sflag:s19] =	ssyncset.done @!p0 $0x0  }
0x16: {  	[sflag:s19] =	ssyncadd.s32 @!p0 $0xFFFF6000  }
0x17: {  	s30 =	sadd.s32 $0x0, s8;
	[bflag:$0x0] =	sbarrier.arrive $0xFFFF  }
0x18: {  	[tilespmem:s3], [sflag:$0x2] =	stream.linear.gather [hbm4b:s30+s3], $0x80, $0x38;
	[tilespmem:$0x18100] =	vst v63  }
0x19: {  	_ =	swait.ge [sflag:s11], $0x80  }
0x1a: {  	[sflag:s11] =	ssyncset.done $0x0  }
0x1b: {  	s31 =	sadd.s32 $0x0, s7;
	[sflag:s11] =	ssyncadd.s32 $0xFFFFFF80  }
0x1c: {  	[tilespmem:s12], [sflag:$0x2] =	stream.linear.gather [hbm4b:s31+s3], $0x80, $0x38;
	[tilespmem:$0x18100] =	vst v63  }
0x1d: {  	_ =	swait.ge [sflag:s11], $0x80  }
0x1e: {  	[sflag:s11] =	ssyncset.done $0x0  }
0x1f: {  	[sflag:s11] =	ssyncadd.s32 $0xFFFFFF80  }
0x20: {  	[tilespmem:s13], [sflag:$0x1] =	stream.indirect.gather [hbm4b:s4+s12], $0x80, s3, s12, $0xb8;
	[tilespmem:$0x18100] =	vst v63  }
0x21: {  	_ =	swait.ge [sflag:s14], $0x4000  }
0x22: {  	[sflag:s14] =	ssyncset.done $0x0  }
0x23: {  	[sflag:s14] =	ssyncadd.s32 $0xFFFFC000  }
0x24: {  	[spmem:s2] =	stream.indirect.scatter.add.f32 [tilespmem:s13], [sflag:$0x2], $0x80, s12, s12, $0xb8;
	[tilespmem:$0x18100] =	vst v63  }
0x25: {  	_ =	swait.ge [sflag:s11], $0x4000  }
0x26: {  	s20 =	simm.s32 $0x20;
	s19 =	simm.s32 $0x10;
	[sflag:s11] =	ssyncset.done $0x0  }
.LBB2_2:
0x27: {  	s21 =	sadd.s32 s19, s8  }
0x28: {  	[sflag:s11] =	ssyncadd.s32 $0xFFFFC000;
	s22 =	smov.u32 s20;
	s23 =	sadd.s32 $0x10, s20  }
0x29: {  	[tilespmem:s3], [sflag:$0x2] =	stream.linear.gather [hbm4b:s21+s3], $0x80, $0x38;
	[tilespmem:$0x18100] =	vst v63  }
0x2a: {  	p1 =	sne.s32 s20, $0x4E0;
	_ =	swait.ge [sflag:s11], $0x80  }
0x2b: {  	[sflag:s11] =	ssyncset.done $0x0  }
0x2c: {  	s20 =	sadd.s32 s19, s7;
	s19 =	smov.u32 s22;
	[sflag:s11] =	ssyncadd.s32 $0xFFFFFF80  }
0x2d: {  	[tilespmem:s12], [sflag:$0x2] =	stream.linear.gather [hbm4b:s20+s3], $0x80, $0x38;
	[tilespmem:$0x18100] =	vst v63  }
0x2e: {  	_ =	swait.ge [sflag:s11], $0x80  }
0x2f: {  	[sflag:s11] =	ssyncset.done $0x0  }
0x30: {  	[sflag:s11] =	ssyncadd.s32 $0xFFFFFF80  }
0x31: {  	[tilespmem:s13], [sflag:$0x1] =	stream.indirect.gather [hbm4b:s4+s12], $0x80, s3, s12, $0xb8;
	[tilespmem:$0x18100] =	vst v63  }
0x32: {  	_ =	swait.ge [sflag:s14], $0x4000  }
.Ltmp0:
0x33: {  	[sflag:s14] =	ssyncset.done $0x0;
	(pc) =	sbr.rel @p1 .LBB2_2-.Ltmp0, $4  }
0x34: {  	[sflag:s14] =	ssyncadd.s32 $0xFFFFC000  }
0x35: {  	[spmem:s2] =	stream.indirect.scatter.add.f32 [tilespmem:s13], [sflag:$0x2], $0x80, s12, s12, $0xb8;
	[tilespmem:$0x18100] =	vst v63  }
0x36: {  	_ =	swait.ge [sflag:s11], $0x4000  }
0x37: {  	s20 =	smov.u32 s23;
	[sflag:s11] =	ssyncset.done $0x0  }
0x38: {  	s20 =	sadd.s32 s19, s8;
	[sflag:s11] =	ssyncadd.s32 $0xFFFFC000  }
0x39: {  	[tilespmem:s3], [sflag:$0x2] =	stream.linear.gather [hbm4b:s20+s3], $0x80, $0x38;
	[tilespmem:$0x18100] =	vst v63  }
0x3a: {  	_ =	swait.ge [sflag:s11], $0x80  }
0x3b: {  	[sflag:s11] =	ssyncset.done $0x0  }
0x3c: {  	s31 =	sadd.s32 s19, s7;
	[sflag:s11] =	ssyncadd.s32 $0xFFFFFF80  }
0x3d: {  	[tilespmem:s12], [sflag:$0x2] =	stream.linear.gather [hbm4b:s31+s3], $0x80, $0x38;
	[tilespmem:$0x18100] =	vst v63  }
0x3e: {  	_ =	swait.ge [sflag:s11], $0x80  }
0x3f: {  	[sflag:s11] =	ssyncset.done $0x0  }
0x40: {  	[sflag:s11] =	ssyncadd.s32 $0xFFFFFF80  }
0x41: {  	[tilespmem:s13], [sflag:$0x1] =	stream.indirect.gather [hbm4b:s4+s12], $0x80, s3, s12, $0xb8;
	[tilespmem:$0x18100] =	vst v63  }
0x42: {  	_ =	swait.ge [sflag:s14], $0x4000  }
0x43: {  	[sflag:s14] =	ssyncset.done $0x0  }
0x44: {  	[sflag:s14] =	ssyncadd.s32 $0xFFFFC000  }
0x45: {  	[spmem:s2] =	stream.indirect.scatter.add.f32 [tilespmem:s13], [sflag:$0x2], $0x80, s12, s12, $0xb8;
	[tilespmem:$0x18100] =	vst v63  }
0x46: {  	_ =	swait.ge [sflag:s11], $0x4000  }
0x47: {  	s18 =	sadd.s32 $0x1, s18;
	[sflag:s11] =	ssyncset.done $0x0  }
0x48: {  	p1 =	sne.s32 s18, s6;
	[sflag:s11] =	ssyncadd.s32 $0xFFFFC000  }
.Ltmp1:
0x49: {  	[bflag:$0x0] =	sbarrier.arrive $0xFFFF;
	(pc) =	sbr.rel @p1 .LBB2_1-.Ltmp1, $4  }
0x4a: {  	[hbm:s15], [sflag:s16] =	dma.local [spmem:s17], $0x2800  }
0x4b: {  	_ =	swait.ge [sflag:s11], $0x2800  }
0x4c: {  	[sflag:s11] =	ssyncset.done $0x0  }
0x4d: {  	[sflag:s11] =	ssyncadd.s32 $0xFFFFD800  }
0x4e: {  	_ =	sfence.sel $0x180000  }
0x4f: {  	[bflag:$0x0] =	sbarrier.arrive $0xFFFF  }
0x50: {  	p0 =	sne.s32 s1, $0x0;
	_ =	strace $0x90000056  }
0x51: {  	s0 =	sadd.s32 @!p0 $0x100000, s0;
	[bflag:$0x2] =	sbarrier.arrive $0xFFFF  }
0x52: {  	[sflag:s0] =	ssyncadd.tile.s32 @!p0 $0x1;
	_ =	shalt  }
.Lfunc_end2:
_tile_overlayer_lowered:
.L_overlay_start_2:
0x53: {  	(tag) =	ssettag $0x2  }
0x54: {  	s0 =	rddreg [dreg:$0x0];
	s2 =	stileid.u32  }
0x55: {  	s1 =	rddreg [dreg:$0x1];
	p0 =	sne.s32 s2, $0x0  }
0x56: {  	s3 =	rddreg [dreg:$0x2];
	[bflag:$0x3] =	sbarrier.arrive $0xFFFF;
	s2 =	simm.s32 @!p0 $0x1C02  }
0x57: {  	[timem:s3], [sflag:s2] =	dma.local @!p0 [hbm:s0], s1  }
0x58: {  	s0 =	simm.s32 @!p0 $0x2  }
0x59: {  	_ =	swait.ge @!p0 [sflag:s0], s1  }
0x5a: {  	s1 =	ssub.s32 @!p0 $0x0, s1;
	[sflag:s0] =	ssyncset.done @!p0 $0x0  }
0x5b: {  	[sflag:s0] =	ssyncadd.s32 @!p0 s1  }
0x5c: {  	[bflag:$0x3] =	sbarrier.arrive $0xFFFF  }
0x5d: {  	_ =	shalt  }

// kernel: kernel.35.cloned.1.call-start
scs
__scs_entry_jumppad:
0x0: {  	(pc) =	sbr.rel $0x88, $3  }
0x1: {  	(tag) =	ssettag $0x0;
	lr =	simm.s32 $0x1  }
0x2: {  	[smem:$0x3F87] =	sst lr;
	_ =	strace $0xD0000000  }
0x3: {  	_ = 	snop  }
0x4: {  	_ = 	snop  }
0x5: {  	_ = 	snop  }
0x6: {  	_ = 	snop  }
0x7: {  	_ = 	snop  }
__scs_overlays_trampoline_lowered:
0x8: {  	[smem:$0x3F96] =	sst s0  }
0x9: {  	[smem:$0x3F97] =	sst s1  }
0xa: {  	[smem:$0x3F98] =	sst s2  }
0xb: {  	[smem:$0x3F99] =	sst s3  }
0xc: {  	[smem:$0x3F9A] =	sst s4  }
0xd: {  	[smem:$0x3F9B] =	sst s5  }
0xe: {  	[smem:$0x3F9C] =	sst s6  }
0xf: {  	[smem:$0x3F9D] =	sst s7  }
0x10: {  	[smem:$0x3F9E] =	sst s8  }
0x11: {  	[smem:$0x3F9F] =	sst s9;
	s0 =	simm.s32 @!p0 $0x0  }
0x12: {  	s1 =	sld [smem:$0x3F85];
	s0 =	simm.s32 @p0 $0x1  }
0x13: {  	[smem:$0x3FA0] =	sst s0;
	s0 =	simm.s32 @!p1 $0x0  }
0x14: {  	s2 =	sld [smem:$0x3F84];
	s0 =	simm.s32 @p1 $0x1  }
0x15: {  	[smem:$0x3FA1] =	sst s0;
	s0 =	simm.s32 @!p2 $0x0  }
0x16: {  	s3 =	sld [smem:$0x3FDB];
	s0 =	simm.s32 @p2 $0x1  }
0x17: {  	s4 =	simm.s32 $0x1BF5;
	[smem:$0x3FA3] =	sst s0  }
0x18: {  	s0 =	sld [smem:$0x3F86];
	_ =	swait.ge [sflag:s4], $0x0  }
0x19: {  	s7 =	sld [smem:$0x3F87]  }
0x1a: {  	s8 =	sadd.s32 $0xFFFFE003, lr  }
0x1b: {  	s9 =	sadd.s32 $0xFFFFFEF7, lr;
	s5 =	simm.s32 $0xFFFFFFFF;
	p2 =	slt.u32 s8, $0xFFFFF086  }
0x1c: {  	p1 =	slt.u32 s9, $0xF7A;
	s5 =	simm.s32 @!p2 $0x0  }
0x1d: {  	s5 =	simm.s32 @p1 $0x1;
	p0 =	seq.s32 s7, s2  }
0x1e: {  	s7 =	smul.u32 @!p0 $0xF7A, s2;
	p2 =	seq.s32 @!p0 s5, $0x0  }
0x1f: {  	s9 =	smul.u32 $0xF7A, s1;
	s8 =	simm.s32 @!p0 $0x1BF5;
	p2 =	por !p2, p0  }
0x20: {  	[sflag:s8] =	ssyncset.s32 @!p0 $0xFFFFF086;
	s6 =	sadd.s32 @!p0 s3, s7;
	s7 =	simm.s32 @!p0 $0x108  }
0x21: {  	s3 =	sadd.s32 s3, s9;
	s6 =	sadd.s32 @!p0 $0x88, s6;
	s7 =	simm.s32 @p2 $0x1082  }
0x22: {  	[simem:s7], [sflag:s8] =	dma.local @!p0 [hbm:s6], $0xF7A  }
0x23: {  	s9 =	sor.u32 $0xD0000000, s2;
	s6 =	simm.s32 $0x108;
	_ =	swait.ge @!p0 [sflag:s8], $0x0  }
0x24: {  	s3 =	sadd.s32 $0x88, s3;
	s6 =	simm.s32 @!p1 $0x1082;
	[sflag:s4] =	ssyncset.s32 $0xFFFFF086  }
0x25: {  	[simem:s6], [sflag:s4] =	dma.local [hbm:s3], $0xF7A  }
0x26: {  	[smem:$0x3F87] =	sst s1;
	(tag) =	ssettag s2;
	_ =	strace s9  }
0x27: {  	s1 =	sld [smem:$0x3F97]  }
0x28: {  	s2 =	sld [smem:$0x3F98]  }
0x29: {  	s4 =	sld [smem:$0x3F9A]  }
0x2a: {  	p0 =	seq.s32 s5, $0x0;
	s5 =	sld [smem:$0x3F9B]  }
0x2b: {  	s6 =	sld [smem:$0x3F9C]  }
0x2c: {  	s7 =	sld [smem:$0x3F9D]  }
0x2d: {  	s3 =	simm.s32 $0x108;
	s8 =	sld [smem:$0x3F9E]  }
0x2e: {  	s3 =	simm.s32 @!p0 $0x1082;
	s9 =	sld [smem:$0x3F9F]  }
0x2f: {  	lr =	sadd.s32 s0, s3;
	s0 =	sld [smem:$0x3F96]  }
0x30: {  	s3 =	sld [smem:$0x3F99]  }
0x31: {  	[smem:$0x3FA2] =	sst s10  }
0x32: {  	s10 =	sld [smem:$0x3FA0];
	_ =	sdelay $0x3  }
0x33: {  	p0 =	seq.s32 s10, $0x1;
	s10 =	sld [smem:$0x3FA2];
	_ =	sdelay $0x3  }
0x34: {  	[smem:$0x3FA2] =	sst s10  }
0x35: {  	s10 =	sld [smem:$0x3FA1];
	_ =	sdelay $0x3  }
0x36: {  	p1 =	seq.s32 s10, $0x1;
	s10 =	sld [smem:$0x3FA2];
	_ =	sdelay $0x3  }
0x37: {  	[smem:$0x3FA2] =	sst s10  }
0x38: {  	s10 =	sld [smem:$0x3FA3]  }
0x39: {  	_ = 	snop;
	(pc) =	sbr.ind lr, $3  }
0x3a: {  	_ = 	snop  }
0x3b: {  	_ = 	snop  }
0x3c: {  	p2 =	seq.s32 s10, $0x1;
	s10 =	sld [smem:$0x3FA2]  }
0x3d: {  	_ =	shalt  }
0x3e: {  	_ =	shalt  }
0x3f: {  	_ =	shalt  }
0x40: {  	_ =	shalt  }
0x41: {  	_ =	shalt  }
0x42: {  	_ =	shalt  }
0x43: {  	_ =	shalt  }
0x44: {  	_ =	shalt  }
0x45: {  	_ =	shalt  }
0x46: {  	_ =	shalt  }
0x47: {  	_ =	shalt  }
0x48: {  	_ =	shalt  }
0x49: {  	_ =	shalt  }
0x4a: {  	_ =	shalt  }
0x4b: {  	_ =	shalt  }
0x4c: {  	_ =	shalt  }
0x4d: {  	_ =	shalt  }
0x4e: {  	_ =	shalt  }
0x4f: {  	_ =	shalt  }
0x50: {  	_ =	shalt  }
0x51: {  	_ =	shalt  }
0x52: {  	_ =	shalt  }
0x53: {  	_ =	shalt  }
0x54: {  	_ =	shalt  }
0x55: {  	_ =	shalt  }
0x56: {  	_ =	shalt  }
0x57: {  	_ =	shalt  }
0x58: {  	_ =	shalt  }
0x59: {  	_ =	shalt  }
0x5a: {  	_ =	shalt  }
0x5b: {  	_ =	shalt  }
0x5c: {  	_ =	shalt  }
0x5d: {  	_ =	shalt  }
0x5e: {  	_ =	shalt  }
0x5f: {  	_ =	shalt  }
0x60: {  	_ =	shalt  }
0x61: {  	_ =	shalt  }
0x62: {  	_ =	shalt  }
0x63: {  	_ =	shalt  }
0x64: {  	_ =	shalt  }
0x65: {  	_ =	shalt  }
0x66: {  	_ =	shalt  }
0x67: {  	_ =	shalt  }
0x68: {  	_ =	shalt  }
0x69: {  	_ =	shalt  }
0x6a: {  	_ =	shalt  }
0x6b: {  	_ =	shalt  }
0x6c: {  	_ =	shalt  }
0x6d: {  	_ =	shalt  }
0x6e: {  	_ =	shalt  }
0x6f: {  	_ =	shalt  }
0x70: {  	_ =	shalt  }
0x71: {  	_ =	shalt  }
0x72: {  	_ =	shalt  }
0x73: {  	_ =	shalt  }
0x74: {  	_ =	shalt  }
0x75: {  	_ =	shalt  }
0x76: {  	_ =	shalt  }
0x77: {  	_ =	shalt  }
0x78: {  	_ =	shalt  }
0x79: {  	_ =	shalt  }
0x7a: {  	_ =	shalt  }
0x7b: {  	_ =	shalt  }
0x7c: {  	_ =	shalt  }
0x7d: {  	_ =	shalt  }
0x7e: {  	_ =	shalt  }
0x7f: {  	_ =	shalt  }
0x80: {  	_ =	shalt  }
0x81: {  	_ =	shalt  }
0x82: {  	_ =	shalt  }
0x83: {  	_ =	shalt  }
0x84: {  	_ =	shalt  }
0x85: {  	_ =	shalt  }
0x86: {  	_ =	shalt  }
0x87: {  	_ =	shalt  }
.Lfunc_end0:
.L_simem_size_0:
called_computation.6_lowered:
.L_overlay_start_0:
0x88: {  	s2 =	sld [smem:$0x3FD9]  }
0x89: {  	s3 =	sld [smem:$0x3FFE];
	_ =	sdelay $0x1  }
0x8a: {  	s1 =	srdreg.scid  }
0x8b: {  	s0 =	sand.u32 $0x1, s1  }
0x8c: {  	s16 =	sshll.u32 s0, $0xA;
	s2 =	sadd.s32 s3, s2  }
0x8d: {  	s2 =	sadd.s32 s2, s16  }
0x8e: {  	[smem:$0x3FAE] =	sst s2  }
0x8f: {  	_ = 	snop  }
0x90: {  	(tm) =	ssettm $0x1  }
0x91: {  	s17 =	sld [smem:$0x3FFB];
	_ =	sdelay $0x3  }
0x92: {  	_ =	strace s17  }
0x93: {  	s2 =	sld [smem:$0x3FFC];
	_ =	sdelay $0x3  }
0x94: {  	_ =	strace s2  }
0x95: {  	s2 =	sld [smem:$0x3FFD];
	_ =	sdelay $0x3  }
0x96: {  	_ =	strace s2  }
0x97: {  	_ =	strace $0x8FFFFFFF  }
0x98: {  	s18 =	sld [smem:$0x3FDB];
	_ =	sdelay $0x1  }
0x99: {  	s19 =	simm.s32 $_scs_section_size  }
0x9a: {  	s4 =	simm.s32 $_size__tile_overlayer_lowered;
	s5 =	simm.s32 $_tile_overlayer_lowered  }
0x9b: {  	s22 =	simm.s32 $0x1BFF;
	s21 =	sshll.u32 s5, $0x1;
	s2 =	sadd.s32 s19, s18  }
0x9c: {  	s6 =	simm.s32 $0x0;
	s20 =	sshll.u32 s4, $0x1;
	s4 =	sadd.s32 s21, s2  }
0x9d: {  	[timem:s6], [sflag:s22] =	dma.local [hbm:s4], s20  }
0x9e: {  	_ =	swait.ge [sflag:s22], s20  }
0x9f: {  	s3 =	ssub.s32 $0x0, s20;
	[sflag:s22] =	ssyncset.done $0x0  }
0xa0: {  	[sflag:s22] =	ssyncadd.s32 s3;
	_ =	sdelay $0x1  }
0xa1: {  	s23 =	simm.s32 $0x1B8B  }
0xa2: {  	_ =	swait.ge [sflag:s23], $0x1  }
0xa3: {  	[sflag:s23] =	ssyncset.done $0x0  }
0xa4: {  	s25 =	simm.s32 $0x1B8E;
	s24 =	sld [smem:$0x3FFE];
	[sflag:s23] =	ssyncadd.s32 $0xFFFFFFFF  }
0xa5: {  	s26 =	simm.s32 $execute0_lowered;
	[smem:$0x3FD2] =	sst s25  }
0xa6: {  	s4 =	sshll.u32 s26, $0x1;
	_ =	strace $0x80000058;
	[dreg:$0x1] =	wrdreg $0xFFFFFFFF  }
0xa7: {  	s28 =	simm.s32 $_size_execute0_lowered;
	s2 =	sadd.s32 s2, s4;
	[dreg:$0x0] =	wrdreg $0x0  }
0xa8: {  	s4 =	sshll.u32 s28, $0x1;
	[dreg:$0x2] =	wrdreg s2  }
0xa9: {  	[dreg:$0x3] =	wrdreg s4  }
0xaa: {  	[dreg:$0x4] =	wrdreg $0xC0  }
0xab: {  	_ =	task [dreg:s6], $0x5FFFF  }
0xac: {  	[dreg:$0x1] =	wrdreg $0xFFFFFFFF  }
0xad: {  	[dreg:$0x0] =	wrdreg $0x60  }
0xae: {  	[dreg:$0x2] =	wrdreg s24  }
0xaf: {  	[dreg:$0x3] =	wrdreg $0x41000  }
0xb0: {  	[dreg:$0x4] =	wrdreg $0x9  }
0xb1: {  	_ =	task.clear_ibuf [dreg:s6], $0x5FFFF;
	_ =	strace $0x90000058  }
0xb2: {  	s29 =	simm.s32 $0x9;
	_ =	strace $0x8000005A  }
0xb3: {  	_ =	swait.ge [sflag:s29], $0x1  }
0xb4: {  	[sflag:s29] =	ssyncadd.s32 $0xFFFFFFFF  }
0xb5: {  	_ =	strace $0x9000005A  }
0xb6: {  	_ =	sfence  }
0xb7: {  	s30 =	sld [smem:$0x0];
	_ =	sdelay $0x2  }
0xb8: {  	s31 =	sshll.u32 s1, $0xD;
	s1 =	sshrl.u32 s1, $0x2  }
0xb9: {  	s3 =	sand.u32 $0x4000, s31;
	s1 =	sadd.s32 s1, s30  }
0xba: {  	s0 =	sor.u32 s3, s0;
	s1 =	sshll.u32 s1, $0x11  }
0xbb: {  	s0 =	sor.u32 s1, s0  }
0xbc: {  	s0 =	sadd.s32 $0x8F2B, s0  }
0xbd: {  	[sflag:s0] =	ssyncadd.remote.s32 $0x1  }
0xbe: {  	_ =	sfence.sel $0xFFFF  }
0xbf: {  	[dreg:$0x0] =	wrdreg $0xFFFFFFFF;
	(pc) =	sbr.abs _section_cstart, $3  }
0xc0: {  	[dreg:$0x1] =	wrdreg $0xFFFFFFFF  }
0xc1: {  	_ =	task.clear_ibuf [dreg:s6], $0x2FFFF;
	_ =	strace $0x9FFFFFFF  }
0xc2: {  	(tm) =	ssettm $0x7FFFFFFF  }
0xc3: {  	_ =	shalt  }
tec
execute0_lowered:
.L_overlay_start_1:
0x0: {  	(tag) =	ssettag $0x1  }
0x1: {  	s5 =	rddreg [dreg:$0x0]  }
0x2: {  	s2 =	rddreg [dreg:$0x1];
	s1 =	stileid.u32  }
0x3: {  	s0 =	rddreg [dreg:$0x2];
	s3 =	simm.s32 $0x0;
	s6 =	smul.u32 $0x9E0, s1  }
0x4: {  	s4 =	srdreg.scid;
	s18 =	simm.s32 $0x0;
	s12 =	smul.u32 $0x50000, s1  }
0x5: {  	[smem:$0x7FF] =	sst s3;
	s7 =	sshrl.u32 s1, $0x2;
	s16 =	smul.u32 $0x2800, s1  }
0x6: {  	s9 =	sand.u32 $0x1, s4;
	s4 =	sadd.s32 $0x1AC00, s5;
	s8 =	smul.u32 $0xA000, s7  }
0x7: {  	s13 =	sand.u32 $0x3, s1;
	s31 =	sshll.u32 s1, $0x6;
	s10 =	smul.u32 $0x28000, s9  }
0x8: {  	_ =	strace $0x80000059;
	s11 =	ssub.s32 $0x2, s9;
	s7 =	smul.u32 $0x140000, s7  }
0x9: {  	s9 =	smul.u32 $0x4F0, s9;
	p0 =	sne.s32 s13, $0x0;
	s13 =	simm.s32 $0x100  }
0xa: {  	s6 =	sadd.s32 s6, s5;
	s26 =	sshrl.u32 s11, $0x1;
	s29 =	sshrl.u32 s12, $0x2  }
0xb: {  	s12 =	simm.s32 $0x80;
	s8 =	sadd.s32 s8, s5;
	s10 =	sadd.s32 s10, s5  }
0xc: {  	s11 =	ssub.s32 s11, s26;
	s28 =	sshrl.u32 s7, $0x2;
	s17 =	sadd.s32 s29, s2  }
0xd: {  	s30 =	sadd.s32 s9, s6;
	s9 =	sshll.u32 @!p0 s1, $0x6;
	s14 =	sadd.s32 s28, s2  }
0xe: {  	s5 =	sadd.s32 $0x41E00, s8;
	s15 =	sadd.s32 $0x69E00, s10;
	s6 =	smax.u32 s11, $0x1  }
0xf: {  	s7 =	sadd.s32 $0x7000, s30;
	s8 =	sadd.s32 $0x10E00, s30;
	s9 =	sor.u32 @!p0 $0x1C02, s9  }
0x10: {  	s11 =	simm.s32 $0x2;
	s17 =	sshrl.u32 s17, $0x3;
	s10 =	sshrl.u32 @!p0 s14, $0x3  }
0x11: {  	s14 =	simm.s32 $0x1;
	s15 =	sadd.s32 s16, s15;
	s16 =	sor.u32 $0x1C02, s31  }
.LBB2_1:
0x12: {  	[spmem:s10], [sflag:s9] =	dma.local @!p0 [hbm:s5], $0xA000  }
0x13: {  	s19 =	simm.s32 @!p0 $0x2  }
0x14: {  	_ =	swait.ge @!p0 [sflag:s19], $0xA000  }
0x15: {  	[sflag:s19] =	ssyncset.done @!p0 $0x0  }
0x16: {  	[sflag:s19] =	ssyncadd.s32 @!p0 $0xFFFF6000  }
0x17: {  	s30 =	sadd.s32 $0x0, s8;
	[bflag:$0x0] =	sbarrier.arrive $0xFFFF  }
0x18: {  	[tilespmem:s3], [sflag:$0x2] =	stream.linear.gather [hbm4b:s30+s3], $0x80, $0x38;
	[tilespmem:$0x18100] =	vst v63  }
0x19: {  	_ =	swait.ge [sflag:s11], $0x80  }
0x1a: {  	[sflag:s11] =	ssyncset.done $0x0  }
0x1b: {  	s31 =	sadd.s32 $0x0, s7;
	[sflag:s11] =	ssyncadd.s32 $0xFFFFFF80  }
0x1c: {  	[tilespmem:s12], [sflag:$0x2] =	stream.linear.gather [hbm4b:s31+s3], $0x80, $0x38;
	[tilespmem:$0x18100] =	vst v63  }
0x1d: {  	_ =	swait.ge [sflag:s11], $0x80  }
0x1e: {  	[sflag:s11] =	ssyncset.done $0x0  }
0x1f: {  	[sflag:s11] =	ssyncadd.s32 $0xFFFFFF80  }
0x20: {  	[tilespmem:s13], [sflag:$0x1] =	stream.indirect.gather [hbm4b:s4+s12], $0x80, s3, s12, $0xb8;
	[tilespmem:$0x18100] =	vst v63  }
0x21: {  	_ =	swait.ge [sflag:s14], $0x4000  }
0x22: {  	[sflag:s14] =	ssyncset.done $0x0  }
0x23: {  	[sflag:s14] =	ssyncadd.s32 $0xFFFFC000  }
0x24: {  	[spmem:s2] =	stream.indirect.scatter.add.f32 [tilespmem:s13], [sflag:$0x2], $0x80, s12, s12, $0xb8;
	[tilespmem:$0x18100] =	vst v63  }
0x25: {  	_ =	swait.ge [sflag:s11], $0x4000  }
0x26: {  	s20 =	simm.s32 $0x20;
	s19 =	simm.s32 $0x10;
	[sflag:s11] =	ssyncset.done $0x0  }
.LBB2_2:
0x27: {  	s21 =	sadd.s32 s19, s8  }
0x28: {  	[sflag:s11] =	ssyncadd.s32 $0xFFFFC000;
	s22 =	smov.u32 s20;
	s23 =	sadd.s32 $0x10, s20  }
0x29: {  	[tilespmem:s3], [sflag:$0x2] =	stream.linear.gather [hbm4b:s21+s3], $0x80, $0x38;
	[tilespmem:$0x18100] =	vst v63  }
0x2a: {  	p1 =	sne.s32 s20, $0x4E0;
	_ =	swait.ge [sflag:s11], $0x80  }
0x2b: {  	[sflag:s11] =	ssyncset.done $0x0  }
0x2c: {  	s20 =	sadd.s32 s19, s7;
	s19 =	smov.u32 s22;
	[sflag:s11] =	ssyncadd.s32 $0xFFFFFF80  }
0x2d: {  	[tilespmem:s12], [sflag:$0x2] =	stream.linear.gather [hbm4b:s20+s3], $0x80, $0x38;
	[tilespmem:$0x18100] =	vst v63  }
0x2e: {  	_ =	swait.ge [sflag:s11], $0x80  }
0x2f: {  	[sflag:s11] =	ssyncset.done $0x0  }
0x30: {  	[sflag:s11] =	ssyncadd.s32 $0xFFFFFF80  }
0x31: {  	[tilespmem:s13], [sflag:$0x1] =	stream.indirect.gather [hbm4b:s4+s12], $0x80, s3, s12, $0xb8;
	[tilespmem:$0x18100] =	vst v63  }
0x32: {  	_ =	swait.ge [sflag:s14], $0x4000  }
.Ltmp0:
0x33: {  	[sflag:s14] =	ssyncset.done $0x0;
	(pc) =	sbr.rel @p1 .LBB2_2-.Ltmp0, $4  }
0x34: {  	[sflag:s14] =	ssyncadd.s32 $0xFFFFC000  }
0x35: {  	[spmem:s2] =	stream.indirect.scatter.add.f32 [tilespmem:s13], [sflag:$0x2], $0x80, s12, s12, $0xb8;
	[tilespmem:$0x18100] =	vst v63  }
0x36: {  	_ =	swait.ge [sflag:s11], $0x4000  }
0x37: {  	s20 =	smov.u32 s23;
	[sflag:s11] =	ssyncset.done $0x0  }
0x38: {  	s20 =	sadd.s32 s19, s8;
	[sflag:s11] =	ssyncadd.s32 $0xFFFFC000  }
0x39: {  	[tilespmem:s3], [sflag:$0x2] =	stream.linear.gather [hbm4b:s20+s3], $0x80, $0x38;
	[tilespmem:$0x18100] =	vst v63  }
0x3a: {  	_ =	swait.ge [sflag:s11], $0x80  }
0x3b: {  	[sflag:s11] =	ssyncset.done $0x0  }
0x3c: {  	s31 =	sadd.s32 s19, s7;
	[sflag:s11] =	ssyncadd.s32 $0xFFFFFF80  }
0x3d: {  	[tilespmem:s12], [sflag:$0x2] =	stream.linear.gather [hbm4b:s31+s3], $0x80, $0x38;
	[tilespmem:$0x18100] =	vst v63  }
0x3e: {  	_ =	swait.ge [sflag:s11], $0x80  }
0x3f: {  	[sflag:s11] =	ssyncset.done $0x0  }
0x40: {  	[sflag:s11] =	ssyncadd.s32 $0xFFFFFF80  }
0x41: {  	[tilespmem:s13], [sflag:$0x1] =	stream.indirect.gather [hbm4b:s4+s12], $0x80, s3, s12, $0xb8;
	[tilespmem:$0x18100] =	vst v63  }
0x42: {  	_ =	swait.ge [sflag:s14], $0x4000  }
0x43: {  	[sflag:s14] =	ssyncset.done $0x0  }
0x44: {  	[sflag:s14] =	ssyncadd.s32 $0xFFFFC000  }
0x45: {  	[spmem:s2] =	stream.indirect.scatter.add.f32 [tilespmem:s13], [sflag:$0x2], $0x80, s12, s12, $0xb8;
	[tilespmem:$0x18100] =	vst v63  }
0x46: {  	_ =	swait.ge [sflag:s11], $0x4000  }
0x47: {  	s18 =	sadd.s32 $0x1, s18;
	[sflag:s11] =	ssyncset.done $0x0  }
0x48: {  	p1 =	sne.s32 s18, s6;
	[sflag:s11] =	ssyncadd.s32 $0xFFFFC000  }
.Ltmp1:
0x49: {  	[bflag:$0x0] =	sbarrier.arrive $0xFFFF;
	(pc) =	sbr.rel @p1 .LBB2_1-.Ltmp1, $4  }
0x4a: {  	[hbm:s15], [sflag:s16] =	dma.local [spmem:s17], $0x2800  }
0x4b: {  	_ =	swait.ge [sflag:s11], $0x2800  }
0x4c: {  	[sflag:s11] =	ssyncset.done $0x0  }
0x4d: {  	[sflag:s11] =	ssyncadd.s32 $0xFFFFD800  }
0x4e: {  	_ =	sfence.sel $0x180000  }
0x4f: {  	[bflag:$0x0] =	sbarrier.arrive $0xFFFF  }
0x50: {  	p0 =	sne.s32 s1, $0x0;
	_ =	strace $0x90000059  }
0x51: {  	s0 =	sadd.s32 @!p0 $0x100000, s0;
	[bflag:$0x2] =	sbarrier.arrive $0xFFFF  }
0x52: {  	[sflag:s0] =	ssyncadd.tile.s32 @!p0 $0x1;
	_ =	shalt  }
.Lfunc_end2:
_tile_overlayer_lowered:
.L_overlay_start_2:
0x53: {  	(tag) =	ssettag $0x2  }
0x54: {  	s0 =	rddreg [dreg:$0x0];
	s2 =	stileid.u32  }
0x55: {  	s1 =	rddreg [dreg:$0x1];
	p0 =	sne.s32 s2, $0x0  }
0x56: {  	s3 =	rddreg [dreg:$0x2];
	[bflag:$0x3] =	sbarrier.arrive $0xFFFF;
	s2 =	simm.s32 @!p0 $0x1C02  }
0x57: {  	[timem:s3], [sflag:s2] =	dma.local @!p0 [hbm:s0], s1  }
0x58: {  	s0 =	simm.s32 @!p0 $0x2  }
0x59: {  	_ =	swait.ge @!p0 [sflag:s0], s1  }
0x5a: {  	s1 =	ssub.s32 @!p0 $0x0, s1;
	[sflag:s0] =	ssyncset.done @!p0 $0x0  }
0x5b: {  	[sflag:s0] =	ssyncadd.s32 @!p0 s1  }
0x5c: {  	[bflag:$0x3] =	sbarrier.arrive $0xFFFF  }
0x5d: {  	_ =	shalt  }

</sc_bundles>
